<compile_context>
chip_gen: v7x
topology: tpu7x:2x2x1
jax: 0.10.2.dev20260603
libtpu: 0.0.44.dev20260713+nightly
codegen_flags: <defaults>
</compile_context>

<pallas_src>
import jax
import jax.numpy as jnp
from jax import lax
from jax.experimental import pallas as pl
from jax.experimental.pallas import tpu as pltpu
from jax.experimental.pallas import tpu_sc as plsc

N = 10000
D = 128
H1, C1 = 8, 8
C2 = 7

NC, NS, L = 2, 16, 16
NW = NC * NS
CHUNK = 128
EPT = 10240
EPAD = NW * EPT
NCHUNK = EPT // CHUNK
ROWS1 = 80
ROWS2 = 16
NPAD = 10240
TPAD = 10016
RPS = NPAD // NS
RCH = 128


def _lrelu(x):
    return jnp.where(x > 0, x, 0.2 * x)


def _make_edge_pass(rows, layer):

    def body(src_tab, dst_tab, src_idx, dst_idx, out, idx_s, idx_d, rows_s0,
             rows_s1, rows_d0, rows_d1, msg0, msg1, wbuf, sem_s0, sem_s1,
             sem_d0, sem_d1, acc):
        cid = lax.axis_index("c")
        sid = lax.axis_index("s")
        wid = sid * NC + cid
        rows_s = (rows_s0, rows_s1)
        rows_d = (rows_d0, rows_d1)
        msg = (msg0, msg1)
        sem_s = (sem_s0, sem_s1)
        sem_d = (sem_d0, sem_d1)

        def acc_body():
            groups = rows // L

            def zloop(t, _):
                zero16 = (lax.iota(jnp.int32, L) * 0).astype(jnp.float32)
                msg0[t // groups, pl.ds((t % groups) * L, L)] = zero16
                return 0

            lax.fori_loop(0, RCH * groups, zloop, 0)

            def zcopy(t, _):
                pltpu.sync_copy(msg0, acc.at[pl.ds(sid * RPS + t * RCH, RCH)])
                return 0

            lax.fori_loop(0, RPS // RCH, zcopy, 0)

            pltpu.sync_copy(src_idx.at[wid], idx_s)
            pltpu.sync_copy(dst_idx.at[wid], idx_d)
            plsc.subcore_barrier()

            def fire(c, par):
                pltpu.async_copy(src_tab.at[idx_s.at[c]], rows_s[par],
                                 sem_s[par])
                pltpu.async_copy(dst_tab.at[idx_d.at[c]], rows_d[par],
                                 sem_d[par])

            def wait(c, par):
                pltpu.make_async_copy(src_tab.at[idx_s.at[c]], rows_s[par],
                                      sem_s[par]).wait()
                pltpu.make_async_copy(dst_tab.at[idx_d.at[c]], rows_d[par],
                                      sem_d[par]).wait()

            def compute(c, par):
                rs, rd, mg = rows_s[par], rows_d[par], msg[par]

                if layer == 1:
                    def wpass(e, _):
                        a16 = rd[e, pl.ds(0, L)]
                        b16 = rs[e, pl.ds(rows - 16, L)]
                        w16 = jnp.exp(_lrelu(a16 + b16))
                        wbuf[e, pl.ds(0, L)] = w16
                        mg[e, pl.ds(rows - 16, L)] = w16
                        return 0

                    def mpass(e, _):
                        lane = lax.iota(jnp.int32, L)
                        erow = lane * 0 + e
                        half = (lane >= 8).astype(jnp.int32)
                        for r in range(4):
                            wr = plsc.load_gather(wbuf, [erow, 2 * r + half])
                            mg[e, pl.ds(r * L, L)] = rs[e, pl.ds(r * L, L)] * wr
                        return 0
                else:
                    def wpass(e, _):
                        a16 = rs[e, pl.ds(0, L)]
                        b16 = rd[e, pl.ds(0, L)]
                        w16 = jnp.exp(_lrelu(a16 + b16))
                        wbuf[e, pl.ds(0, L)] = w16
                        return 0

                    def mpass(e, _):
                        lane = lax.iota(jnp.int32, L)
                        erow = lane * 0 + e
                        wb = plsc.load_gather(wbuf, [erow, lane * 0 + 8])
                        mg[e, pl.ds(0, L)] = wb * rs[e, pl.ds(0, L)]
                        return 0

                plsc.parallel_loop(0, CHUNK, unroll=4)(
                    lambda e: (wpass(e, 0), None)[1])
                plsc.parallel_loop(0, CHUNK, unroll=4)(
                    lambda e: (mpass(e, 0), None)[1])
                pltpu.sync_copy(mg, acc.at[idx_d.at[c]], add=True)

            def phase(c, par):
                @pl.when(c + 1 < NCHUNK)
                def _():
                    fire(c + 1, 1 - par)

                wait(c, par)
                compute(c, par)

            fire(0, 0)

            def pair_body(q, _):
                phase(2 * q, 0)
                phase(2 * q + 1, 1)
                return 0

            lax.fori_loop(0, NCHUNK // 2, pair_body, 0)
            plsc.subcore_barrier()

            def drain(t, _):
                r0 = sid * RPS + t * RCH
                pltpu.sync_copy(acc.at[pl.ds(r0, RCH)], msg0)
                pltpu.sync_copy(msg0, out.at[cid, pl.ds(r0, RCH)])
                return 0

            lax.fori_loop(0, RPS // RCH, drain, 0)

        acc_body()

    mesh = plsc.VectorSubcoreMesh(core_axis_name="c", subcore_axis_name="s")
    return pl.kernel(
        body,
        out_type=jax.ShapeDtypeStruct((NC, NPAD, rows), jnp.float32),
        mesh=mesh,
        scratch_types=[
            pltpu.VMEM((NCHUNK, CHUNK), jnp.int32),
            pltpu.VMEM((NCHUNK, CHUNK), jnp.int32),
            pltpu.VMEM((CHUNK, rows), jnp.float32),
            pltpu.VMEM((CHUNK, rows), jnp.float32),
            pltpu.VMEM((CHUNK, 16), jnp.float32),
            pltpu.VMEM((CHUNK, 16), jnp.float32),
            pltpu.VMEM((CHUNK, rows), jnp.float32),
            pltpu.VMEM((CHUNK, rows), jnp.float32),
            pltpu.VMEM((CHUNK, 16), jnp.float32),
            pltpu.SemaphoreType.DMA,
            pltpu.SemaphoreType.DMA,
            pltpu.SemaphoreType.DMA,
            pltpu.SemaphoreType.DMA,
            pltpu.VMEM_SHARED((NPAD, rows), jnp.float32),
        ],
        compiler_params=pltpu.CompilerParams(use_tc_tiling_on_sc=False,
                                             needs_layout_passes=False),
    )


_edge_pass1 = _make_edge_pass(ROWS1, 1)
_edge_pass2 = _make_edge_pass(ROWS2, 2)


def _rep8(blk):
    del blk
    hh = lax.broadcasted_iota(jnp.int32, (8, 64), 0)
    cc = lax.broadcasted_iota(jnp.int32, (8, 64), 1) // 8
    return (hh == cc).astype(jnp.float32)


def _stage_a_body(x_ref, w_ref, out_ref):
    out_ref[...] = jnp.dot(x_ref[...], w_ref[...],
                           preferred_element_type=jnp.float32)


def _stage_a(x, wcat):
    return pl.pallas_call(
        _stage_a_body,
        out_shape=jax.ShapeDtypeStruct((N, 96), jnp.float32),
    )(x, wcat)


def _stage_c_body(acca_ref, accb_ref, hext_ref, adext_ref, w2f_ref, b1_ref,
                  out_ref):
    acc = acca_ref[...] + accb_ref[...]
    h = hext_ref[:, :64]
    a_s = hext_ref[:, 64:72]
    a_d = adext_ref[:, :8]
    wself = jnp.exp(_lrelu(a_s + a_d))
    rep = _rep8(None)
    wrep = jnp.dot(wself, rep, preferred_element_type=jnp.float32)
    den = acc[:, 64:72] + wself
    drep = jnp.dot(den, rep, preferred_element_type=jnp.float32)
    num = acc[:, :64] + h * wrep
    x2 = num / (drep + 1e-16) + b1_ref[...]
    x2 = jnp.where(x2 > 0, x2, jnp.exp(jnp.minimum(x2, 0.0)) - 1.0)
    o = jnp.dot(x2, w2f_ref[...], preferred_element_type=jnp.float32)
    col = lax.broadcasted_iota(jnp.int32, o.shape, 1)
    out_ref[...] = o + (col == 7).astype(jnp.float32)


def _stage_c(acca, accb, hext, adext, w2f, b1):
    return pl.pallas_call(
        _stage_c_body,
        out_shape=jax.ShapeDtypeStruct((N, 32), jnp.float32),
        grid=(5,),
        in_specs=[
            pl.BlockSpec((N // 5, 80), lambda i: (i, 0)),
            pl.BlockSpec((N // 5, 80), lambda i: (i, 0)),
            pl.BlockSpec((N // 5, 80), lambda i: (i, 0)),
            pl.BlockSpec((N // 5, 16), lambda i: (i, 0)),
            pl.BlockSpec((64, 32), lambda i: (0, 0)),
            pl.BlockSpec((1, 64), lambda i: (0, 0)),
        ],
        out_specs=pl.BlockSpec((N // 5, 32), lambda i: (i, 0)),
    )(acca, accb, hext, adext, w2f, b1)


def _stage_e_body(acca_ref, accb_ref, h2ext_ref, ad2ext_ref, b2_ref, out_ref):
    acc = acca_ref[...] + accb_ref[...]
    h2 = h2ext_ref[:, :7]
    wself = jnp.exp(_lrelu(h2ext_ref[:, 8:9] + ad2ext_ref[:, 0:1]))
    num = acc[:, :7] + wself * h2
    den = acc[:, 7:8] + wself
    o = num / (den + 1e-16) + b2_ref[...]
    o = o - jnp.max(o, axis=1, keepdims=True)
    out_ref[...] = o - jnp.log(jnp.sum(jnp.exp(o), axis=1, keepdims=True))


def _stage_e(acca, accb, h2ext, ad2ext, b2):
    return pl.pallas_call(
        _stage_e_body,
        out_shape=jax.ShapeDtypeStruct((N, 7), jnp.float32),
        grid=(5,),
        in_specs=[
            pl.BlockSpec((N // 5, 16), lambda i: (i, 0)),
            pl.BlockSpec((N // 5, 16), lambda i: (i, 0)),
            pl.BlockSpec((N // 5, 16), lambda i: (i, 0)),
            pl.BlockSpec((N // 5, 16), lambda i: (i, 0)),
            pl.BlockSpec((1, 7), lambda i: (0, 0)),
        ],
        out_specs=pl.BlockSpec((N // 5, 7), lambda i: (i, 0)),
    )(acca, accb, h2ext, ad2ext, b2)


@jax.jit
def kernel(x, edge_index, W1, a_src1, a_dst1, b1, W2, a_src2, a_dst2, b2):
    f32 = jnp.float32
    eye8 = jnp.eye(H1, dtype=f32)
    As = (eye8[:, None, :] * a_src1[:, :, None]).reshape(H1 * C1, H1)
    Ad = (eye8[:, None, :] * a_dst1[:, :, None]).reshape(H1 * C1, H1)
    wcat = jnp.concatenate(
        [W1, W1 @ As, W1 @ As, W1 @ Ad, W1 @ Ad], axis=1)
    v_s2 = W2 @ a_src2[0]
    v_d2 = W2 @ a_dst2[0]
    w2f = jnp.concatenate(
        [W2, jnp.zeros((H1 * C1, 1), f32),
         jnp.tile(v_s2[:, None], (1, 8)),
         jnp.tile(v_d2[:, None], (1, 16))], axis=1)

    e_in = edge_index.shape[1]
    src = edge_index[0].astype(jnp.int32)
    dst = edge_index[1].astype(jnp.int32)
    src_p = jnp.concatenate(
        [src, jnp.zeros((EPAD - e_in,), jnp.int32)]).reshape(NW, NCHUNK, CHUNK)
    dst_p = jnp.concatenate(
        [dst, jnp.full((EPAD - e_in,), N, jnp.int32)]).reshape(NW, NCHUNK, CHUNK)

    packed1 = _stage_a(x, wcat)
    hext1 = jnp.pad(packed1[:, :80], ((0, TPAD - N), (0, 0)))
    adext1 = jnp.pad(packed1[:, 80:96], ((0, TPAD - N), (0, 0)))
    acc1 = _edge_pass1(hext1, adext1, src_p, dst_p)
    packed2 = _stage_c(acc1[0, :N], acc1[1, :N], hext1[:N], adext1[:N], w2f,
                       b1.reshape(1, 64))
    h2ext = jnp.pad(packed2[:, :16], ((0, TPAD - N), (0, 0)))
    ad2ext = jnp.pad(packed2[:, 16:32], ((0, TPAD - N), (0, 0)))

    acc2 = _edge_pass2(h2ext, ad2ext, src_p, dst_p)
    return _stage_e(acc2[0, :N], acc2[1, :N], h2ext[:N], ad2ext[:N],
                    b2.reshape(1, 7))

# --- scband reference (transcript-rebuilt; emitter-appended) ---
"""Pipeline reference for scband-gatnet-24498493456720 (READ-ONLY COPY).

The authoritative reference and input builder live on the scoring server;
editing this copy changes nothing except your own understanding.
"""

import jax, jax.numpy as jnp
import numpy as np

N = 10000
E = 320000
D = 128
H1, C1 = 8, 8
C2 = 7


def setup_inputs(seed: int = 0) -> dict:
    key = jax.random.key(seed)
    ks = jax.random.split(key, 12)
    x = jax.random.normal(ks[0], (N, D), dtype=jnp.float32)
    edge_index = jax.random.randint(ks[1], (2, E), 0, N)
    W1 = jax.random.normal(ks[2], (D, H1 * C1), dtype=jnp.float32) * (1.0 / np.sqrt(D))
    a_src1 = jax.random.normal(ks[3], (H1, C1), dtype=jnp.float32) * 0.1
    a_dst1 = jax.random.normal(ks[4], (H1, C1), dtype=jnp.float32) * 0.1
    b1 = jnp.zeros((H1 * C1,), dtype=jnp.float32)
    W2 = jax.random.normal(ks[5], (H1 * C1, C2), dtype=jnp.float32) * (1.0 / np.sqrt(H1 * C1))
    a_src2 = jax.random.normal(ks[6], (1, C2), dtype=jnp.float32) * 0.1
    a_dst2 = jax.random.normal(ks[7], (1, C2), dtype=jnp.float32) * 0.1
    b2 = jnp.zeros((C2,), dtype=jnp.float32)
    return {"x": x, "edge_index": edge_index, "W1": W1, "a_src1": a_src1, "a_dst1": a_dst1, "b1": b1, "W2": W2, "a_src2": a_src2, "a_dst2": a_dst2, "b2": b2}


def _gat_conv(x, edge_index, W, a_src, a_dst, b, heads, out_ch):
    n = x.shape[0]
    loop = jnp.arange(n, dtype=edge_index.dtype)
    src = jnp.concatenate([edge_index[0], loop])
    dst = jnp.concatenate([edge_index[1], loop])
    h = (x @ W).reshape(n, heads, out_ch)
    alpha_src = jnp.sum(h * a_src[None, :, :], axis=-1)  # [N, heads]
    alpha_dst = jnp.sum(h * a_dst[None, :, :], axis=-1)  # [N, heads]
    e = alpha_src[src] + alpha_dst[dst]  # [E', heads]
    e = jax.nn.leaky_relu(e, negative_slope=0.2)
    e_max = jax.ops.segment_max(e, dst, num_segments=n)
    e_exp = jnp.exp(e - e_max[dst])
    denom = jax.ops.segment_sum(e_exp, dst, num_segments=n)
    alpha = e_exp / (denom[dst] + 1e-16)
    msg = h[src] * alpha[..., None]
    out = jax.ops.segment_sum(msg, dst, num_segments=n)
    out = out.reshape(n, heads * out_ch) + b
    return out


def reference(x, edge_index, W1, a_src1, a_dst1, b1, W2, a_src2, a_dst2, b2):
    # dropout is identity in eval mode
    h = _gat_conv(x, edge_index, W1, a_src1, a_dst1, b1, H1, C1)
    h = jax.nn.elu(h)
    h = _gat_conv(h, edge_index, W2, a_src2, a_dst2, b2, 1, C2)
    return jax.nn.log_softmax(h, axis=1)

if __name__ == "__main__":
    import jax
    _d = setup_inputs()
    print(jax.jit(kernel)(*tuple(_d.values())))

</pallas_src>

<mosaic_0001>
#map = affine_map<(d0, d1) -> (0, 0)>
#map1 = affine_map<(d0, d1) -> (0, 0, 0)>
module attributes {stable_mosaic.version = 14 : i64} {
  func.func @body(%arg0: i32, %arg1: i32, %arg2: memref<10016x80xf32, #tpu.memory_space<hbm>>, %arg3: memref<10016x16xf32, #tpu.memory_space<hbm>>, %arg4: memref<32x80x128xi32, #tpu.memory_space<hbm>>, %arg5: memref<32x80x128xi32, #tpu.memory_space<hbm>>, %arg6: memref<2x10240x80xf32, #tpu.memory_space<hbm>>, %arg7: memref<80x128xi32, #tpu.memory_space<vmem>>, %arg8: memref<80x128xi32, #tpu.memory_space<vmem>>, %arg9: memref<128x80xf32, #tpu.memory_space<vmem>>, %arg10: memref<128x80xf32, #tpu.memory_space<vmem>>, %arg11: memref<128x16xf32, #tpu.memory_space<vmem>>, %arg12: memref<128x16xf32, #tpu.memory_space<vmem>>, %arg13: memref<128x80xf32, #tpu.memory_space<vmem>>, %arg14: memref<128x80xf32, #tpu.memory_space<vmem>>, %arg15: memref<128x16xf32, #tpu.memory_space<vmem>>, %arg16: memref<!tpu.dma_semaphore, #tpu.memory_space<semaphore_mem>>, %arg17: memref<!tpu.dma_semaphore, #tpu.memory_space<semaphore_mem>>, %arg18: memref<!tpu.dma_semaphore, #tpu.memory_space<semaphore_mem>>, %arg19: memref<!tpu.dma_semaphore, #tpu.memory_space<semaphore_mem>>, %arg20: memref<10240x80xf32, #tpu.memory_space<vmem_shared>>) attributes {dimension_semantics = [#tpu.dimension_semantics<core_parallel>, #tpu.dimension_semantics<subcore_parallel>], iteration_bounds = array<i64: 2, 16>, scalar_prefetch = 0 : i64, scratch_operands = 14 : i64, tpu.core_type = #tpu.core_type<sc_vector_subcore>, window_params = [{transform_indices = #map}, {transform_indices = #map}, {transform_indices = #map1}, {transform_indices = #map1}, {transform_indices = #map1}]} {
    %mul3A = arith.constant 2 : i32
    %mul3A_0 = arith.muli %arg1, %mul3A : i32
    %add3A = arith.addi %mul3A_0, %arg0 : i32
    %scan3A = arith.constant 0 : i32
    %scan3A_1 = arith.constant 0 : i32
    %scan3A_2 = arith.constant 640 : i32
    %scan3A_3 = arith.addi %scan3A_1, %scan3A_2 : i32
    %scan3A_4 = arith.constant 1 : i32
    %scan3A_5 = scf.for %scan3A_42 = %scan3A_1 to %scan3A_3 step %scan3A_4 iter_args(%scan3A_43 = %scan3A) -> (i32)  : i32 {
      %iota3A = tpu.iota {dimensions = array<i32: 0>} : vector<16xi32>
      %mul3A_44 = arith.constant 0 : i32
      %mul3A_45 = vector.broadcast %mul3A_44 : i32 to vector<16xi32>
      %mul3A_46 = arith.muli %iota3A, %mul3A_45 : vector<16xi32>
      %convert_element_type3A = arith.sitofp %mul3A_46 : vector<16xi32> to vector<16xf32>
      %jit3A = arith.constant 5 : i32
      %div3A = arith.divsi %scan3A_42, %jit3A : i32
      %sign3A = arith.constant 0 : i32
      %sign3A_47 = arith.cmpi sgt, %scan3A_42, %sign3A : i32
      %sign3A_48 = arith.extui %sign3A_47 : i1 to i32
      %sign3A_49 = arith.constant 0 : i32
      %sign3A_50 = arith.cmpi slt, %scan3A_42, %sign3A_49 : i32
      %sign3A_51 = arith.extui %sign3A_50 : i1 to i32
      %sign3A_52 = arith.subi %sign3A_48, %sign3A_51 : i32
      %sign3A_53 = arith.constant 0 : i32
      %sign3A_54 = arith.cmpi sgt, %jit3A, %sign3A_53 : i32
      %sign3A_55 = arith.extui %sign3A_54 : i1 to i32
      %sign3A_56 = arith.constant 0 : i32
      %sign3A_57 = arith.cmpi slt, %jit3A, %sign3A_56 : i32
      %sign3A_58 = arith.extui %sign3A_57 : i1 to i32
      %sign3A_59 = arith.subi %sign3A_55, %sign3A_58 : i32
      %ne3A = arith.cmpi ne, %sign3A_52, %sign3A_59 : i32
      %rem3A = arith.remsi %scan3A_42, %jit3A : i32
      %ne3A_60 = arith.constant 0 : i32
      %ne3A_61 = arith.cmpi ne, %rem3A, %ne3A_60 : i32
      %and3A = arith.andi %ne3A, %ne3A_61 : i1
      %sub3A = arith.constant 1 : i32
      %sub3A_62 = arith.subi %div3A, %sub3A : i32
      %select_n3A = arith.select %and3A, %sub3A_62, %div3A : i32
      %jit3A_63 = arith.constant 5 : i32
      %eq3A = arith.constant 0 : i32
      %eq3A_64 = arith.cmpi eq, %jit3A_63, %eq3A : i32
      %jit3A_65 = arith.constant 1 : i32
      %select_n3A_66 = arith.select %eq3A_64, %jit3A_65, %jit3A_63 : i32
      %rem3A_67 = arith.remsi %scan3A_42, %select_n3A_66 : i32
      %ne3A_68 = arith.constant 0 : i32
      %ne3A_69 = arith.cmpi ne, %rem3A_67, %ne3A_68 : i32
      %lt3A = arith.constant 0 : i32
      %lt3A_70 = arith.cmpi slt, %rem3A_67, %lt3A : i32
      %lt3A_71 = arith.constant 0 : i32
      %lt3A_72 = arith.cmpi slt, %select_n3A_66, %lt3A_71 : i32
      %ne3A_73 = arith.xori %lt3A_70, %lt3A_72 : i1
      %and3A_74 = arith.andi %ne3A_73, %ne3A_69 : i1
      %add3A_75 = arith.addi %rem3A_67, %select_n3A_66 : i32
      %select_n3A_76 = arith.select %and3A_74, %add3A_75, %rem3A_67 : i32
      %mul3A_77 = arith.constant 16 : i32
      %mul3A_78 = arith.muli %select_n3A_76, %mul3A_77 : i32
      %swap3A = arith.index_cast %select_n3A : i32 to index
      %swap3A_79 = arith.index_cast %mul3A_78 : i32 to index
      %swap3A_80 = tpu.vector_load %arg13[%swap3A, %swap3A_79] {strides = array<i32>} : memref<128x80xf32, #tpu.memory_space<vmem>>, vector<16xf32>,
      tpu.vector_store %arg13[%swap3A, %swap3A_79], %convert_element_type3A {strides = array<i32>} : memref<128x80xf32, #tpu.memory_space<vmem>>, vector<16xf32>,
      %scan3A_81 = arith.constant 0 : i32
      scf.yield %scan3A_81 : i32
    }
    %scan3A_6 = arith.constant 640 : i32
    %scan3A_7 = arith.constant 0 : i32
    %scan3A_8 = arith.constant 0 : i32
    %scan3A_9 = arith.constant 5 : i32
    %scan3A_10 = arith.addi %scan3A_8, %scan3A_9 : i32
    %scan3A_11 = arith.constant 1 : i32
    %scan3A_12 = scf.for %scan3A_42 = %scan3A_8 to %scan3A_10 step %scan3A_11 iter_args(%scan3A_43 = %scan3A_7) -> (i32)  : i32 {
      %mul3A_44 = arith.constant 640 : i32
      %mul3A_45 = arith.muli %arg1, %mul3A_44 : i32
      %mul3A_46 = arith.constant 128 : i32
      %mul3A_47 = arith.muli %scan3A_42, %mul3A_46 : i32
      %add3A_48 = arith.addi %mul3A_45, %mul3A_47 : i32
      "tpu.region"() ({
        %run_scoped3A = tpu.sem_alloc : memref<!tpu.dma_semaphore, #tpu.memory_space<semaphore_mem>>
        %dma_start3A_50 = arith.constant 0 : i32
        %dma_start3A_51 = tpu.memref_slice %arg20[%add3A_48, %dma_start3A_50] : memref<10240x80xf32, #tpu.memory_space<vmem_shared>> -> memref<128x80xf32, #tpu.memory_space<vmem_shared>>
        %dma_start3A_52 = arith.constant 0 : i32
        %dma_start3A_53 = tpu.memref_slice %arg20[%add3A_48, %dma_start3A_52] : memref<10240x80xf32, #tpu.memory_space<vmem_shared>> -> memref<128x80xf32, #tpu.memory_space<vmem_shared>>
        tpu.enqueue_dma source(%arg13 : memref<128x80xf32, #tpu.memory_space<vmem>>) target(%dma_start3A_53 : memref<128x80xf32, #tpu.memory_space<vmem_shared>>) target_semaphore(%run_scoped3A : memref<!tpu.dma_semaphore, #tpu.memory_space<semaphore_mem>>)
        %dma_wait3A = arith.constant 0 : i32
        %dma_wait3A_54 = tpu.memref_slice %arg20[%add3A_48, %dma_wait3A] : memref<10240x80xf32, #tpu.memory_space<vmem_shared>> -> memref<128x80xf32, #tpu.memory_space<vmem_shared>>
        %dma_wait3A_55 = arith.constant 0 : i32
        %dma_wait3A_56 = tpu.memref_slice %arg20[%add3A_48, %dma_wait3A_55] : memref<10240x80xf32, #tpu.memory_space<vmem_shared>> -> memref<128x80xf32, #tpu.memory_space<vmem_shared>>
        tpu.wait_dma2 semaphore(%run_scoped3A : memref<!tpu.dma_semaphore, #tpu.memory_space<semaphore_mem>>) src(%arg13 : memref<128x80xf32, #tpu.memory_space<vmem>>) dst(%dma_wait3A_56 : memref<128x80xf32, #tpu.memory_space<vmem_shared>>)
        tpu.yield
      }) : () -> ()
      %scan3A_49 = arith.constant 0 : i32
      scf.yield %scan3A_49 : i32
    }
    %scan3A_13 = arith.constant 5 : i32
    "tpu.region"() ({
      %run_scoped3A = tpu.sem_alloc : memref<!tpu.dma_semaphore, #tpu.memory_space<semaphore_mem>>
      %dma_start3A_42 = arith.constant 0 : i32
      %dma_start3A_43 = arith.constant 0 : i32
      %dma_start3A_44 = tpu.memref_slice %arg4[%add3A, %dma_start3A_42, %dma_start3A_43] : memref<32x80x128xi32, #tpu.memory_space<hbm>> -> memref<1x80x128xi32, #tpu.memory_space<hbm>>
      %dma_start3A_45 = tpu.memref_squeeze %dma_start3A_44 : memref<1x80x128xi32, #tpu.memory_space<hbm>> -> memref<80x128xi32, #tpu.memory_space<hbm>>
      %dma_start3A_46 = arith.constant 0 : i32
      %dma_start3A_47 = arith.constant 0 : i32
      %dma_start3A_48 = tpu.memref_slice %arg4[%add3A, %dma_start3A_46, %dma_start3A_47] : memref<32x80x128xi32, #tpu.memory_space<hbm>> -> memref<1x80x128xi32, #tpu.memory_space<hbm>>
      %dma_start3A_49 = tpu.memref_squeeze %dma_start3A_48 : memref<1x80x128xi32, #tpu.memory_space<hbm>> -> memref<80x128xi32, #tpu.memory_space<hbm>>
      tpu.enqueue_dma source(%dma_start3A_49 : memref<80x128xi32, #tpu.memory_space<hbm>>) target(%arg7 : memref<80x128xi32, #tpu.memory_space<vmem>>) target_semaphore(%run_scoped3A : memref<!tpu.dma_semaphore, #tpu.memory_space<semaphore_mem>>)
      %dma_wait3A = arith.constant 0 : i32
      %dma_wait3A_50 = arith.constant 0 : i32
      %dma_wait3A_51 = tpu.memref_slice %arg4[%add3A, %dma_wait3A, %dma_wait3A_50] : memref<32x80x128xi32, #tpu.memory_space<hbm>> -> memref<1x80x128xi32, #tpu.memory_space<hbm>>
      %dma_wait3A_52 = tpu.memref_squeeze %dma_wait3A_51 : memref<1x80x128xi32, #tpu.memory_space<hbm>> -> memref<80x128xi32, #tpu.memory_space<hbm>>
      %dma_wait3A_53 = arith.constant 0 : i32
      %dma_wait3A_54 = arith.constant 0 : i32
      %dma_wait3A_55 = tpu.memref_slice %arg4[%add3A, %dma_wait3A_53, %dma_wait3A_54] : memref<32x80x128xi32, #tpu.memory_space<hbm>> -> memref<1x80x128xi32, #tpu.memory_space<hbm>>
      %dma_wait3A_56 = tpu.memref_squeeze %dma_wait3A_55 : memref<1x80x128xi32, #tpu.memory_space<hbm>> -> memref<80x128xi32, #tpu.memory_space<hbm>>
      tpu.wait_dma2 semaphore(%run_scoped3A : memref<!tpu.dma_semaphore, #tpu.memory_space<semaphore_mem>>) src(%dma_wait3A_56 : memref<80x128xi32, #tpu.memory_space<hbm>>) dst(%arg7 : memref<80x128xi32, #tpu.memory_space<vmem>>)
      tpu.yield
    }) : () -> ()
    "tpu.region"() ({
      %run_scoped3A = tpu.sem_alloc : memref<!tpu.dma_semaphore, #tpu.memory_space<semaphore_mem>>
      %dma_start3A_42 = arith.constant 0 : i32
      %dma_start3A_43 = arith.constant 0 : i32
      %dma_start3A_44 = tpu.memref_slice %arg5[%add3A, %dma_start3A_42, %dma_start3A_43] : memref<32x80x128xi32, #tpu.memory_space<hbm>> -> memref<1x80x128xi32, #tpu.memory_space<hbm>>
      %dma_start3A_45 = tpu.memref_squeeze %dma_start3A_44 : memref<1x80x128xi32, #tpu.memory_space<hbm>> -> memref<80x128xi32, #tpu.memory_space<hbm>>
      %dma_start3A_46 = arith.constant 0 : i32
      %dma_start3A_47 = arith.constant 0 : i32
      %dma_start3A_48 = tpu.memref_slice %arg5[%add3A, %dma_start3A_46, %dma_start3A_47] : memref<32x80x128xi32, #tpu.memory_space<hbm>> -> memref<1x80x128xi32, #tpu.memory_space<hbm>>
      %dma_start3A_49 = tpu.memref_squeeze %dma_start3A_48 : memref<1x80x128xi32, #tpu.memory_space<hbm>> -> memref<80x128xi32, #tpu.memory_space<hbm>>
      tpu.enqueue_dma source(%dma_start3A_49 : memref<80x128xi32, #tpu.memory_space<hbm>>) target(%arg8 : memref<80x128xi32, #tpu.memory_space<vmem>>) target_semaphore(%run_scoped3A : memref<!tpu.dma_semaphore, #tpu.memory_space<semaphore_mem>>)
      %dma_wait3A = arith.constant 0 : i32
      %dma_wait3A_50 = arith.constant 0 : i32
      %dma_wait3A_51 = tpu.memref_slice %arg5[%add3A, %dma_wait3A, %dma_wait3A_50] : memref<32x80x128xi32, #tpu.memory_space<hbm>> -> memref<1x80x128xi32, #tpu.memory_space<hbm>>
      %dma_wait3A_52 = tpu.memref_squeeze %dma_wait3A_51 : memref<1x80x128xi32, #tpu.memory_space<hbm>> -> memref<80x128xi32, #tpu.memory_space<hbm>>
      %dma_wait3A_53 = arith.constant 0 : i32
      %dma_wait3A_54 = arith.constant 0 : i32
      %dma_wait3A_55 = tpu.memref_slice %arg5[%add3A, %dma_wait3A_53, %dma_wait3A_54] : memref<32x80x128xi32, #tpu.memory_space<hbm>> -> memref<1x80x128xi32, #tpu.memory_space<hbm>>
      %dma_wait3A_56 = tpu.memref_squeeze %dma_wait3A_55 : memref<1x80x128xi32, #tpu.memory_space<hbm>> -> memref<80x128xi32, #tpu.memory_space<hbm>>
      tpu.wait_dma2 semaphore(%run_scoped3A : memref<!tpu.dma_semaphore, #tpu.memory_space<semaphore_mem>>) src(%dma_wait3A_56 : memref<80x128xi32, #tpu.memory_space<hbm>>) dst(%arg8 : memref<80x128xi32, #tpu.memory_space<vmem>>)
      tpu.yield
    }) : () -> ()
    %barrier3A = arith.constant 0 : index
    tpu.barrier barrier_id(%barrier3A)
    %dma_start3A = arith.constant 0 : i32
    %dma_start3A_14 = arith.constant 0 : i32
    %dma_start3A_15 = tpu.memref_slice %arg7[%dma_start3A, %dma_start3A_14] : memref<80x128xi32, #tpu.memory_space<vmem>> -> memref<1x128xi32, #tpu.memory_space<vmem>>
    %dma_start3A_16 = tpu.memref_squeeze %dma_start3A_15 : memref<1x128xi32, #tpu.memory_space<vmem>> -> memref<128xi32, #tpu.memory_space<vmem>>
    %dma_start3A_17 = arith.constant 0 : i32
    %dma_start3A_18 = arith.constant 0 : i32
    %dma_start3A_19 = tpu.memref_slice %arg2[%dma_start3A_17, %dma_start3A_18] : memref<10016x80xf32, #tpu.memory_space<hbm>> -> memref<10016x80xf32, #tpu.memory_space<hbm>>
    tpu.enqueue_indirect_dma source(%dma_start3A_19 : memref<10016x80xf32, #tpu.memory_space<hbm>>) target(%arg9 : memref<128x80xf32, #tpu.memory_space<vmem>>) offsets(%dma_start3A_16 : memref<128xi32, #tpu.memory_space<vmem>>) semaphore(%arg16 : memref<!tpu.dma_semaphore, #tpu.memory_space<semaphore_mem>>)
    %dma_start3A_20 = arith.constant 0 : i32
    %dma_start3A_21 = arith.constant 0 : i32
    %dma_start3A_22 = tpu.memref_slice %arg8[%dma_start3A_20, %dma_start3A_21] : memref<80x128xi32, #tpu.memory_space<vmem>> -> memref<1x128xi32, #tpu.memory_space<vmem>>
    %dma_start3A_23 = tpu.memref_squeeze %dma_start3A_22 : memref<1x128xi32, #tpu.memory_space<vmem>> -> memref<128xi32, #tpu.memory_space<vmem>>
    %dma_start3A_24 = arith.constant 0 : i32
    %dma_start3A_25 = arith.constant 0 : i32
    %dma_start3A_26 = tpu.memref_slice %arg3[%dma_start3A_24, %dma_start3A_25] : memref<10016x16xf32, #tpu.memory_space<hbm>> -> memref<10016x16xf32, #tpu.memory_space<hbm>>
    tpu.enqueue_indirect_dma source(%dma_start3A_26 : memref<10016x16xf32, #tpu.memory_space<hbm>>) target(%arg11 : memref<128x16xf32, #tpu.memory_space<vmem>>) offsets(%dma_start3A_23 : memref<128xi32, #tpu.memory_space<vmem>>) semaphore(%arg18 : memref<!tpu.dma_semaphore, #tpu.memory_space<semaphore_mem>>)
    %scan3A_27 = arith.constant 0 : i32
    %scan3A_28 = arith.constant 0 : i32
    %scan3A_29 = arith.constant 40 : i32
    %scan3A_30 = arith.addi %scan3A_28, %scan3A_29 : i32
    %scan3A_31 = arith.constant 1 : i32
    %scan3A_32 = scf.for %scan3A_42 = %scan3A_28 to %scan3A_30 step %scan3A_31 iter_args(%scan3A_43 = %scan3A_27) -> (i32)  : i32 {
      %mul3A_44 = arith.constant 2 : i32
      %mul3A_45 = arith.muli %mul3A_44, %scan3A_42 : i32
      %add3A_46 = arith.constant 1 : i32
      %add3A_47 = arith.addi %mul3A_45, %add3A_46 : i32
      %lt3A = arith.constant 80 : i32
      %lt3A_48 = arith.cmpi slt, %add3A_47, %lt3A : i32
      %convert_element_type3A = arith.extui %lt3A_48 : i1 to i32
      %cond3A = arith.constant 0 : i32
      %cond3A_49 = arith.cmpi ne, %convert_element_type3A, %cond3A : i32
      scf.if %cond3A_49 {
        %add3A_96 = arith.constant 1 : i32
        %add3A_97 = arith.addi %mul3A_45, %add3A_96 : i32
        %dma_start3A_98 = arith.constant 0 : i32
        %dma_start3A_99 = tpu.memref_slice %arg7[%add3A_97, %dma_start3A_98] : memref<80x128xi32, #tpu.memory_space<vmem>> -> memref<1x128xi32, #tpu.memory_space<vmem>>
        %dma_start3A_100 = tpu.memref_squeeze %dma_start3A_99 : memref<1x128xi32, #tpu.memory_space<vmem>> -> memref<128xi32, #tpu.memory_space<vmem>>
        %dma_start3A_101 = arith.constant 0 : i32
        %dma_start3A_102 = arith.constant 0 : i32
        %dma_start3A_103 = tpu.memref_slice %arg2[%dma_start3A_101, %dma_start3A_102] : memref<10016x80xf32, #tpu.memory_space<hbm>> -> memref<10016x80xf32, #tpu.memory_space<hbm>>
        tpu.enqueue_indirect_dma source(%dma_start3A_103 : memref<10016x80xf32, #tpu.memory_space<hbm>>) target(%arg10 : memref<128x80xf32, #tpu.memory_space<vmem>>) offsets(%dma_start3A_100 : memref<128xi32, #tpu.memory_space<vmem>>) semaphore(%arg17 : memref<!tpu.dma_semaphore, #tpu.memory_space<semaphore_mem>>)
        %dma_start3A_104 = arith.constant 0 : i32
        %dma_start3A_105 = tpu.memref_slice %arg8[%add3A_97, %dma_start3A_104] : memref<80x128xi32, #tpu.memory_space<vmem>> -> memref<1x128xi32, #tpu.memory_space<vmem>>
        %dma_start3A_106 = tpu.memref_squeeze %dma_start3A_105 : memref<1x128xi32, #tpu.memory_space<vmem>> -> memref<128xi32, #tpu.memory_space<vmem>>
        %dma_start3A_107 = arith.constant 0 : i32
        %dma_start3A_108 = arith.constant 0 : i32
        %dma_start3A_109 = tpu.memref_slice %arg3[%dma_start3A_107, %dma_start3A_108] : memref<10016x16xf32, #tpu.memory_space<hbm>> -> memref<10016x16xf32, #tpu.memory_space<hbm>>
        tpu.enqueue_indirect_dma source(%dma_start3A_109 : memref<10016x16xf32, #tpu.memory_space<hbm>>) target(%arg12 : memref<128x16xf32, #tpu.memory_space<vmem>>) offsets(%dma_start3A_106 : memref<128xi32, #tpu.memory_space<vmem>>) semaphore(%arg19 : memref<!tpu.dma_semaphore, #tpu.memory_space<semaphore_mem>>)
      } else {
      }
      %dma_wait3A = arith.constant 0 : i32
      %dma_wait3A_50 = tpu.memref_slice %arg7[%mul3A_45, %dma_wait3A] : memref<80x128xi32, #tpu.memory_space<vmem>> -> memref<1x128xi32, #tpu.memory_space<vmem>>
      %dma_wait3A_51 = tpu.memref_squeeze %dma_wait3A_50 : memref<1x128xi32, #tpu.memory_space<vmem>> -> memref<128xi32, #tpu.memory_space<vmem>>
      %dma_wait3A_52 = arith.constant 0 : i32
      %dma_wait3A_53 = arith.constant 0 : i32
      %dma_wait3A_54 = tpu.memref_slice %arg2[%dma_wait3A_52, %dma_wait3A_53] : memref<10016x80xf32, #tpu.memory_space<hbm>> -> memref<10016x80xf32, #tpu.memory_space<hbm>>
      tpu.wait_indirect_dma semaphore(%arg16 : memref<!tpu.dma_semaphore, #tpu.memory_space<semaphore_mem>>) src(%dma_wait3A_54 : memref<10016x80xf32, #tpu.memory_space<hbm>>) dst(%arg9 : memref<128x80xf32, #tpu.memory_space<vmem>>)
      %dma_wait3A_55 = arith.constant 0 : i32
      %dma_wait3A_56 = tpu.memref_slice %arg8[%mul3A_45, %dma_wait3A_55] : memref<80x128xi32, #tpu.memory_space<vmem>> -> memref<1x128xi32, #tpu.memory_space<vmem>>
      %dma_wait3A_57 = tpu.memref_squeeze %dma_wait3A_56 : memref<1x128xi32, #tpu.memory_space<vmem>> -> memref<128xi32, #tpu.memory_space<vmem>>
      %dma_wait3A_58 = arith.constant 0 : i32
      %dma_wait3A_59 = arith.constant 0 : i32
      %dma_wait3A_60 = tpu.memref_slice %arg3[%dma_wait3A_58, %dma_wait3A_59] : memref<10016x16xf32, #tpu.memory_space<hbm>> -> memref<10016x16xf32, #tpu.memory_space<hbm>>
      tpu.wait_indirect_dma semaphore(%arg18 : memref<!tpu.dma_semaphore, #tpu.memory_space<semaphore_mem>>) src(%dma_wait3A_60 : memref<10016x16xf32, #tpu.memory_space<hbm>>) dst(%arg11 : memref<128x16xf32, #tpu.memory_space<vmem>>)
      %parallel_loop3A = arith.constant 0 : i32
      %parallel_loop3A_61 = arith.constant 128 : i32
      %parallel_loop3A_62 = arith.constant 1 : i32
      scf.for %parallel_loop3A_96 = %parallel_loop3A to %parallel_loop3A_61 step %parallel_loop3A_62  : i32 {
        %parallel_loop3A_97 = arith.index_cast %parallel_loop3A_96 : i32 to index
        %parallel_loop3A_98 = arith.constant 0 : index
        %parallel_loop3A_99 = tpu.vector_load %arg11[%parallel_loop3A_97, %parallel_loop3A_98] {strides = array<i32>} : memref<128x16xf32, #tpu.memory_space<vmem>>, vector<16xf32>,
        %parallel_loop3A_100 = arith.index_cast %parallel_loop3A_96 : i32 to index
        %parallel_loop3A_101 = arith.constant 64 : index
        %parallel_loop3A_102 = tpu.vector_load %arg9[%parallel_loop3A_100, %parallel_loop3A_101] {strides = array<i32>} : memref<128x80xf32, #tpu.memory_space<vmem>>, vector<16xf32>,
        %parallel_loop3A_103 = arith.addf %parallel_loop3A_99, %parallel_loop3A_102 : vector<16xf32>
        %parallel_loop3A_104 = arith.constant 0.000000e+00 : f32
        %parallel_loop3A_105 = vector.broadcast %parallel_loop3A_104 : f32 to vector<16xf32>
        %parallel_loop3A_106 = arith.cmpf ogt, %parallel_loop3A_103, %parallel_loop3A_105 : vector<16xf32>
        %parallel_loop3A_107 = arith.constant 2.000000e-01 : f32
        %parallel_loop3A_108 = vector.broadcast %parallel_loop3A_107 : f32 to vector<16xf32>
        %parallel_loop3A_109 = arith.mulf %parallel_loop3A_108, %parallel_loop3A_103 : vector<16xf32>
        %parallel_loop3A_110 = arith.select %parallel_loop3A_106, %parallel_loop3A_103, %parallel_loop3A_109 : vector<16xi1>, vector<16xf32>
        %parallel_loop3A_111 = math.exp %parallel_loop3A_110 : vector<16xf32>
        %parallel_loop3A_112 = arith.index_cast %parallel_loop3A_96 : i32 to index
        %parallel_loop3A_113 = arith.constant 0 : index
        %parallel_loop3A_114 = tpu.vector_load %arg15[%parallel_loop3A_112, %parallel_loop3A_113] {strides = array<i32>} : memref<128x16xf32, #tpu.memory_space<vmem>>, vector<16xf32>,
        tpu.vector_store %arg15[%parallel_loop3A_112, %parallel_loop3A_113], %parallel_loop3A_111 {strides = array<i32>} : memref<128x16xf32, #tpu.memory_space<vmem>>, vector<16xf32>,
        %parallel_loop3A_115 = arith.index_cast %parallel_loop3A_96 : i32 to index
        %parallel_loop3A_116 = arith.constant 64 : index
        %parallel_loop3A_117 = tpu.vector_load %arg13[%parallel_loop3A_115, %parallel_loop3A_116] {strides = array<i32>} : memref<128x80xf32, #tpu.memory_space<vmem>>, vector<16xf32>,
        tpu.vector_store %arg13[%parallel_loop3A_115, %parallel_loop3A_116], %parallel_loop3A_111 {strides = array<i32>} : memref<128x80xf32, #tpu.memory_space<vmem>>, vector<16xf32>,
      } {sc.loop_unroll_factor = 4 : i64, sc.parallel_access}
      %parallel_loop3A_63 = arith.constant 0 : i32
      %parallel_loop3A_64 = arith.constant 128 : i32
      %parallel_loop3A_65 = arith.constant 1 : i32
      scf.for %parallel_loop3A_96 = %parallel_loop3A_63 to %parallel_loop3A_64 step %parallel_loop3A_65  : i32 {
        %parallel_loop3A_97 = tpu.iota {dimensions = array<i32: 0>} : vector<16xi32>
        %parallel_loop3A_98 = arith.constant 0 : i32
        %parallel_loop3A_99 = vector.broadcast %parallel_loop3A_98 : i32 to vector<16xi32>
        %parallel_loop3A_100 = arith.muli %parallel_loop3A_97, %parallel_loop3A_99 : vector<16xi32>
        %parallel_loop3A_101 = vector.broadcast %parallel_loop3A_96 : i32 to vector<16xi32>
        %parallel_loop3A_102 = arith.addi %parallel_loop3A_100, %parallel_loop3A_101 : vector<16xi32>
        %parallel_loop3A_103 = arith.constant 8 : i32
        %parallel_loop3A_104 = vector.broadcast %parallel_loop3A_103 : i32 to vector<16xi32>
        %parallel_loop3A_105 = arith.cmpi sge, %parallel_loop3A_97, %parallel_loop3A_104 : vector<16xi32>
        %parallel_loop3A_106 = arith.extui %parallel_loop3A_105 : vector<16xi1> to vector<16xi32>
        %parallel_loop3A_107 = arith.constant 0 : i32
        %parallel_loop3A_108 = vector.broadcast %parallel_loop3A_107 : i32 to vector<16xi32>
        %parallel_loop3A_109 = arith.addi %parallel_loop3A_108, %parallel_loop3A_106 : vector<16xi32>
        %parallel_loop3A_110 = tpu.vector_load_idx %arg15[%parallel_loop3A_102, %parallel_loop3A_109] : memref<128x16xf32, #tpu.memory_space<vmem>>[vector<16xi32>, vector<16xi32>], vector<16xf32>,
        %parallel_loop3A_111 = arith.index_cast %parallel_loop3A_96 : i32 to index
        %parallel_loop3A_112 = arith.constant 0 : index
        %parallel_loop3A_113 = tpu.vector_load %arg9[%parallel_loop3A_111, %parallel_loop3A_112] {strides = array<i32>} : memref<128x80xf32, #tpu.memory_space<vmem>>, vector<16xf32>,
        %parallel_loop3A_114 = arith.mulf %parallel_loop3A_113, %parallel_loop3A_110 : vector<16xf32>
        %parallel_loop3A_115 = arith.index_cast %parallel_loop3A_96 : i32 to index
        %parallel_loop3A_116 = arith.constant 0 : index
        %parallel_loop3A_117 = tpu.vector_load %arg13[%parallel_loop3A_115, %parallel_loop3A_116] {strides = array<i32>} : memref<128x80xf32, #tpu.memory_space<vmem>>, vector<16xf32>,
        tpu.vector_store %arg13[%parallel_loop3A_115, %parallel_loop3A_116], %parallel_loop3A_114 {strides = array<i32>} : memref<128x80xf32, #tpu.memory_space<vmem>>, vector<16xf32>,
        %parallel_loop3A_118 = arith.constant 2 : i32
        %parallel_loop3A_119 = vector.broadcast %parallel_loop3A_118 : i32 to vector<16xi32>
        %parallel_loop3A_120 = arith.addi %parallel_loop3A_119, %parallel_loop3A_106 : vector<16xi32>
        %parallel_loop3A_121 = tpu.vector_load_idx %arg15[%parallel_loop3A_102, %parallel_loop3A_120] : memref<128x16xf32, #tpu.memory_space<vmem>>[vector<16xi32>, vector<16xi32>], vector<16xf32>,
        %parallel_loop3A_122 = arith.index_cast %parallel_loop3A_96 : i32 to index
        %parallel_loop3A_123 = arith.constant 16 : index
        %parallel_loop3A_124 = tpu.vector_load %arg9[%parallel_loop3A_122, %parallel_loop3A_123] {strides = array<i32>} : memref<128x80xf32, #tpu.memory_space<vmem>>, vector<16xf32>,
        %parallel_loop3A_125 = arith.mulf %parallel_loop3A_124, %parallel_loop3A_121 : vector<16xf32>
        %parallel_loop3A_126 = arith.index_cast %parallel_loop3A_96 : i32 to index
        %parallel_loop3A_127 = arith.constant 16 : index
        %parallel_loop3A_128 = tpu.vector_load %arg13[%parallel_loop3A_126, %parallel_loop3A_127] {strides = array<i32>} : memref<128x80xf32, #tpu.memory_space<vmem>>, vector<16xf32>,
        tpu.vector_store %arg13[%parallel_loop3A_126, %parallel_loop3A_127], %parallel_loop3A_125 {strides = array<i32>} : memref<128x80xf32, #tpu.memory_space<vmem>>, vector<16xf32>,
        %parallel_loop3A_129 = arith.constant 4 : i32
        %parallel_loop3A_130 = vector.broadcast %parallel_loop3A_129 : i32 to vector<16xi32>
        %parallel_loop3A_131 = arith.addi %parallel_loop3A_130, %parallel_loop3A_106 : vector<16xi32>
        %parallel_loop3A_132 = tpu.vector_load_idx %arg15[%parallel_loop3A_102, %parallel_loop3A_131] : memref<128x16xf32, #tpu.memory_space<vmem>>[vector<16xi32>, vector<16xi32>], vector<16xf32>,
        %parallel_loop3A_133 = arith.index_cast %parallel_loop3A_96 : i32 to index
        %parallel_loop3A_134 = arith.constant 32 : index
        %parallel_loop3A_135 = tpu.vector_load %arg9[%parallel_loop3A_133, %parallel_loop3A_134] {strides = array<i32>} : memref<128x80xf32, #tpu.memory_space<vmem>>, vector<16xf32>,
        %parallel_loop3A_136 = arith.mulf %parallel_loop3A_135, %parallel_loop3A_132 : vector<16xf32>
        %parallel_loop3A_137 = arith.index_cast %parallel_loop3A_96 : i32 to index
        %parallel_loop3A_138 = arith.constant 32 : index
        %parallel_loop3A_139 = tpu.vector_load %arg13[%parallel_loop3A_137, %parallel_loop3A_138] {strides = array<i32>} : memref<128x80xf32, #tpu.memory_space<vmem>>, vector<16xf32>,
        tpu.vector_store %arg13[%parallel_loop3A_137, %parallel_loop3A_138], %parallel_loop3A_136 {strides = array<i32>} : memref<128x80xf32, #tpu.memory_space<vmem>>, vector<16xf32>,
        %parallel_loop3A_140 = arith.constant 6 : i32
        %parallel_loop3A_141 = vector.broadcast %parallel_loop3A_140 : i32 to vector<16xi32>
        %parallel_loop3A_142 = arith.addi %parallel_loop3A_141, %parallel_loop3A_106 : vector<16xi32>
        %parallel_loop3A_143 = tpu.vector_load_idx %arg15[%parallel_loop3A_102, %parallel_loop3A_142] : memref<128x16xf32, #tpu.memory_space<vmem>>[vector<16xi32>, vector<16xi32>], vector<16xf32>,
        %parallel_loop3A_144 = arith.index_cast %parallel_loop3A_96 : i32 to index
        %parallel_loop3A_145 = arith.constant 48 : index
        %parallel_loop3A_146 = tpu.vector_load %arg9[%parallel_loop3A_144, %parallel_loop3A_145] {strides = array<i32>} : memref<128x80xf32, #tpu.memory_space<vmem>>, vector<16xf32>,
        %parallel_loop3A_147 = arith.mulf %parallel_loop3A_146, %parallel_loop3A_143 : vector<16xf32>
        %parallel_loop3A_148 = arith.index_cast %parallel_loop3A_96 : i32 to index
        %parallel_loop3A_149 = arith.constant 48 : index
        %parallel_loop3A_150 = tpu.vector_load %arg13[%parallel_loop3A_148, %parallel_loop3A_149] {strides = array<i32>} : memref<128x80xf32, #tpu.memory_space<vmem>>, vector<16xf32>,
        tpu.vector_store %arg13[%parallel_loop3A_148, %parallel_loop3A_149], %parallel_loop3A_147 {strides = array<i32>} : memref<128x80xf32, #tpu.memory_space<vmem>>, vector<16xf32>,
      } {sc.loop_unroll_factor = 4 : i64, sc.parallel_access}
      "tpu.region"() ({
        %run_scoped3A = tpu.sem_alloc : memref<!tpu.dma_semaphore, #tpu.memory_space<semaphore_mem>>
        %dma_start3A_96 = arith.constant 0 : i32
        %dma_start3A_97 = tpu.memref_slice %arg8[%mul3A_45, %dma_start3A_96] : memref<80x128xi32, #tpu.memory_space<vmem>> -> memref<1x128xi32, #tpu.memory_space<vmem>>
        %dma_start3A_98 = tpu.memref_squeeze %dma_start3A_97 : memref<1x128xi32, #tpu.memory_space<vmem>> -> memref<128xi32, #tpu.memory_space<vmem>>
        %dma_start3A_99 = arith.constant 0 : i32
        %dma_start3A_100 = arith.constant 0 : i32
        %dma_start3A_101 = tpu.memref_slice %arg20[%dma_start3A_99, %dma_start3A_100] : memref<10240x80xf32, #tpu.memory_space<vmem_shared>> -> memref<10240x80xf32, #tpu.memory_space<vmem_shared>>
        tpu.enqueue_indirect_dma source(%arg13 : memref<128x80xf32, #tpu.memory_space<vmem>>) target(%dma_start3A_101 : memref<10240x80xf32, #tpu.memory_space<vmem_shared>>) offsets(%dma_start3A_98 : memref<128xi32, #tpu.memory_space<vmem>>) semaphore(%run_scoped3A : memref<!tpu.dma_semaphore, #tpu.memory_space<semaphore_mem>>) {add = true}
        %dma_wait3A_102 = arith.constant 0 : i32
        %dma_wait3A_103 = tpu.memref_slice %arg8[%mul3A_45, %dma_wait3A_102] : memref<80x128xi32, #tpu.memory_space<vmem>> -> memref<1x128xi32, #tpu.memory_space<vmem>>
        %dma_wait3A_104 = tpu.memref_squeeze %dma_wait3A_103 : memref<1x128xi32, #tpu.memory_space<vmem>> -> memref<128xi32, #tpu.memory_space<vmem>>
        %dma_wait3A_105 = arith.constant 0 : i32
        %dma_wait3A_106 = arith.constant 0 : i32
        %dma_wait3A_107 = tpu.memref_slice %arg20[%dma_wait3A_105, %dma_wait3A_106] : memref<10240x80xf32, #tpu.memory_space<vmem_shared>> -> memref<10240x80xf32, #tpu.memory_space<vmem_shared>>
        tpu.wait_indirect_dma semaphore(%run_scoped3A : memref<!tpu.dma_semaphore, #tpu.memory_space<semaphore_mem>>) src(%arg13 : memref<128x80xf32, #tpu.memory_space<vmem>>) dst(%dma_wait3A_107 : memref<10240x80xf32, #tpu.memory_space<vmem_shared>>)
        tpu.yield
      }) : () -> ()
      %mul3A_66 = arith.constant 2 : i32
      %mul3A_67 = arith.muli %mul3A_66, %scan3A_42 : i32
      %add3A_68 = arith.constant 1 : i32
      %add3A_69 = arith.addi %mul3A_67, %add3A_68 : i32
      %add3A_70 = arith.constant 1 : i32
      %add3A_71 = arith.addi %add3A_69, %add3A_70 : i32
      %lt3A_72 = arith.constant 80 : i32
      %lt3A_73 = arith.cmpi slt, %add3A_71, %lt3A_72 : i32
      %convert_element_type3A_74 = arith.extui %lt3A_73 : i1 to i32
      %cond3A_75 = arith.constant 0 : i32
      %cond3A_76 = arith.cmpi ne, %convert_element_type3A_74, %cond3A_75 : i32
      scf.if %cond3A_76 {
        %add3A_96 = arith.constant 1 : i32
        %add3A_97 = arith.addi %add3A_69, %add3A_96 : i32
        %dma_start3A_98 = arith.constant 0 : i32
        %dma_start3A_99 = tpu.memref_slice %arg7[%add3A_97, %dma_start3A_98] : memref<80x128xi32, #tpu.memory_space<vmem>> -> memref<1x128xi32, #tpu.memory_space<vmem>>
        %dma_start3A_100 = tpu.memref_squeeze %dma_start3A_99 : memref<1x128xi32, #tpu.memory_space<vmem>> -> memref<128xi32, #tpu.memory_space<vmem>>
        %dma_start3A_101 = arith.constant 0 : i32
        %dma_start3A_102 = arith.constant 0 : i32
        %dma_start3A_103 = tpu.memref_slice %arg2[%dma_start3A_101, %dma_start3A_102] : memref<10016x80xf32, #tpu.memory_space<hbm>> -> memref<10016x80xf32, #tpu.memory_space<hbm>>
        tpu.enqueue_indirect_dma source(%dma_start3A_103 : memref<10016x80xf32, #tpu.memory_space<hbm>>) target(%arg9 : memref<128x80xf32, #tpu.memory_space<vmem>>) offsets(%dma_start3A_100 : memref<128xi32, #tpu.memory_space<vmem>>) semaphore(%arg16 : memref<!tpu.dma_semaphore, #tpu.memory_space<semaphore_mem>>)
        %dma_start3A_104 = arith.constant 0 : i32
        %dma_start3A_105 = tpu.memref_slice %arg8[%add3A_97, %dma_start3A_104] : memref<80x128xi32, #tpu.memory_space<vmem>> -> memref<1x128xi32, #tpu.memory_space<vmem>>
        %dma_start3A_106 = tpu.memref_squeeze %dma_start3A_105 : memref<1x128xi32, #tpu.memory_space<vmem>> -> memref<128xi32, #tpu.memory_space<vmem>>
        %dma_start3A_107 = arith.constant 0 : i32
        %dma_start3A_108 = arith.constant 0 : i32
        %dma_start3A_109 = tpu.memref_slice %arg3[%dma_start3A_107, %dma_start3A_108] : memref<10016x16xf32, #tpu.memory_space<hbm>> -> memref<10016x16xf32, #tpu.memory_space<hbm>>
        tpu.enqueue_indirect_dma source(%dma_start3A_109 : memref<10016x16xf32, #tpu.memory_space<hbm>>) target(%arg11 : memref<128x16xf32, #tpu.memory_space<vmem>>) offsets(%dma_start3A_106 : memref<128xi32, #tpu.memory_space<vmem>>) semaphore(%arg18 : memref<!tpu.dma_semaphore, #tpu.memory_space<semaphore_mem>>)
      } else {
      }
      %dma_wait3A_77 = arith.constant 0 : i32
      %dma_wait3A_78 = tpu.memref_slice %arg7[%add3A_69, %dma_wait3A_77] : memref<80x128xi32, #tpu.memory_space<vmem>> -> memref<1x128xi32, #tpu.memory_space<vmem>>
      %dma_wait3A_79 = tpu.memref_squeeze %dma_wait3A_78 : memref<1x128xi32, #tpu.memory_space<vmem>> -> memref<128xi32, #tpu.memory_space<vmem>>
      %dma_wait3A_80 = arith.constant 0 : i32
      %dma_wait3A_81 = arith.constant 0 : i32
      %dma_wait3A_82 = tpu.memref_slice %arg2[%dma_wait3A_80, %dma_wait3A_81] : memref<10016x80xf32, #tpu.memory_space<hbm>> -> memref<10016x80xf32, #tpu.memory_space<hbm>>
      tpu.wait_indirect_dma semaphore(%arg17 : memref<!tpu.dma_semaphore, #tpu.memory_space<semaphore_mem>>) src(%dma_wait3A_82 : memref<10016x80xf32, #tpu.memory_space<hbm>>) dst(%arg10 : memref<128x80xf32, #tpu.memory_space<vmem>>)
      %dma_wait3A_83 = arith.constant 0 : i32
      %dma_wait3A_84 = tpu.memref_slice %arg8[%add3A_69, %dma_wait3A_83] : memref<80x128xi32, #tpu.memory_space<vmem>> -> memref<1x128xi32, #tpu.memory_space<vmem>>
      %dma_wait3A_85 = tpu.memref_squeeze %dma_wait3A_84 : memref<1x128xi32, #tpu.memory_space<vmem>> -> memref<128xi32, #tpu.memory_space<vmem>>
      %dma_wait3A_86 = arith.constant 0 : i32
      %dma_wait3A_87 = arith.constant 0 : i32
      %dma_wait3A_88 = tpu.memref_slice %arg3[%dma_wait3A_86, %dma_wait3A_87] : memref<10016x16xf32, #tpu.memory_space<hbm>> -> memref<10016x16xf32, #tpu.memory_space<hbm>>
      tpu.wait_indirect_dma semaphore(%arg19 : memref<!tpu.dma_semaphore, #tpu.memory_space<semaphore_mem>>) src(%dma_wait3A_88 : memref<10016x16xf32, #tpu.memory_space<hbm>>) dst(%arg12 : memref<128x16xf32, #tpu.memory_space<vmem>>)
      %parallel_loop3A_89 = arith.constant 0 : i32
      %parallel_loop3A_90 = arith.constant 128 : i32
      %parallel_loop3A_91 = arith.constant 1 : i32
      scf.for %parallel_loop3A_96 = %parallel_loop3A_89 to %parallel_loop3A_90 step %parallel_loop3A_91  : i32 {
        %parallel_loop3A_97 = arith.index_cast %parallel_loop3A_96 : i32 to index
        %parallel_loop3A_98 = arith.constant 0 : index
        %parallel_loop3A_99 = tpu.vector_load %arg12[%parallel_loop3A_97, %parallel_loop3A_98] {strides = array<i32>} : memref<128x16xf32, #tpu.memory_space<vmem>>, vector<16xf32>,
        %parallel_loop3A_100 = arith.index_cast %parallel_loop3A_96 : i32 to index
        %parallel_loop3A_101 = arith.constant 64 : index
        %parallel_loop3A_102 = tpu.vector_load %arg10[%parallel_loop3A_100, %parallel_loop3A_101] {strides = array<i32>} : memref<128x80xf32, #tpu.memory_space<vmem>>, vector<16xf32>,
        %parallel_loop3A_103 = arith.addf %parallel_loop3A_99, %parallel_loop3A_102 : vector<16xf32>
        %parallel_loop3A_104 = arith.constant 0.000000e+00 : f32
        %parallel_loop3A_105 = vector.broadcast %parallel_loop3A_104 : f32 to vector<16xf32>
        %parallel_loop3A_106 = arith.cmpf ogt, %parallel_loop3A_103, %parallel_loop3A_105 : vector<16xf32>
        %parallel_loop3A_107 = arith.constant 2.000000e-01 : f32
        %parallel_loop3A_108 = vector.broadcast %parallel_loop3A_107 : f32 to vector<16xf32>
        %parallel_loop3A_109 = arith.mulf %parallel_loop3A_108, %parallel_loop3A_103 : vector<16xf32>
        %parallel_loop3A_110 = arith.select %parallel_loop3A_106, %parallel_loop3A_103, %parallel_loop3A_109 : vector<16xi1>, vector<16xf32>
        %parallel_loop3A_111 = math.exp %parallel_loop3A_110 : vector<16xf32>
        %parallel_loop3A_112 = arith.index_cast %parallel_loop3A_96 : i32 to index
        %parallel_loop3A_113 = arith.constant 0 : index
        %parallel_loop3A_114 = tpu.vector_load %arg15[%parallel_loop3A_112, %parallel_loop3A_113] {strides = array<i32>} : memref<128x16xf32, #tpu.memory_space<vmem>>, vector<16xf32>,
        tpu.vector_store %arg15[%parallel_loop3A_112, %parallel_loop3A_113], %parallel_loop3A_111 {strides = array<i32>} : memref<128x16xf32, #tpu.memory_space<vmem>>, vector<16xf32>,
        %parallel_loop3A_115 = arith.index_cast %parallel_loop3A_96 : i32 to index
        %parallel_loop3A_116 = arith.constant 64 : index
        %parallel_loop3A_117 = tpu.vector_load %arg14[%parallel_loop3A_115, %parallel_loop3A_116] {strides = array<i32>} : memref<128x80xf32, #tpu.memory_space<vmem>>, vector<16xf32>,
        tpu.vector_store %arg14[%parallel_loop3A_115, %parallel_loop3A_116], %parallel_loop3A_111 {strides = array<i32>} : memref<128x80xf32, #tpu.memory_space<vmem>>, vector<16xf32>,
      } {sc.loop_unroll_factor = 4 : i64, sc.parallel_access}
      %parallel_loop3A_92 = arith.constant 0 : i32
      %parallel_loop3A_93 = arith.constant 128 : i32
      %parallel_loop3A_94 = arith.constant 1 : i32
      scf.for %parallel_loop3A_96 = %parallel_loop3A_92 to %parallel_loop3A_93 step %parallel_loop3A_94  : i32 {
        %parallel_loop3A_97 = tpu.iota {dimensions = array<i32: 0>} : vector<16xi32>
        %parallel_loop3A_98 = arith.constant 0 : i32
        %parallel_loop3A_99 = vector.broadcast %parallel_loop3A_98 : i32 to vector<16xi32>
        %parallel_loop3A_100 = arith.muli %parallel_loop3A_97, %parallel_loop3A_99 : vector<16xi32>
        %parallel_loop3A_101 = vector.broadcast %parallel_loop3A_96 : i32 to vector<16xi32>
        %parallel_loop3A_102 = arith.addi %parallel_loop3A_100, %parallel_loop3A_101 : vector<16xi32>
        %parallel_loop3A_103 = arith.constant 8 : i32
        %parallel_loop3A_104 = vector.broadcast %parallel_loop3A_103 : i32 to vector<16xi32>
        %parallel_loop3A_105 = arith.cmpi sge, %parallel_loop3A_97, %parallel_loop3A_104 : vector<16xi32>
        %parallel_loop3A_106 = arith.extui %parallel_loop3A_105 : vector<16xi1> to vector<16xi32>
        %parallel_loop3A_107 = arith.constant 0 : i32
        %parallel_loop3A_108 = vector.broadcast %parallel_loop3A_107 : i32 to vector<16xi32>
        %parallel_loop3A_109 = arith.addi %parallel_loop3A_108, %parallel_loop3A_106 : vector<16xi32>
        %parallel_loop3A_110 = tpu.vector_load_idx %arg15[%parallel_loop3A_102, %parallel_loop3A_109] : memref<128x16xf32, #tpu.memory_space<vmem>>[vector<16xi32>, vector<16xi32>], vector<16xf32>,
        %parallel_loop3A_111 = arith.index_cast %parallel_loop3A_96 : i32 to index
        %parallel_loop3A_112 = arith.constant 0 : index
        %parallel_loop3A_113 = tpu.vector_load %arg10[%parallel_loop3A_111, %parallel_loop3A_112] {strides = array<i32>} : memref<128x80xf32, #tpu.memory_space<vmem>>, vector<16xf32>,
        %parallel_loop3A_114 = arith.mulf %parallel_loop3A_113, %parallel_loop3A_110 : vector<16xf32>
        %parallel_loop3A_115 = arith.index_cast %parallel_loop3A_96 : i32 to index
        %parallel_loop3A_116 = arith.constant 0 : index
        %parallel_loop3A_117 = tpu.vector_load %arg14[%parallel_loop3A_115, %parallel_loop3A_116] {strides = array<i32>} : memref<128x80xf32, #tpu.memory_space<vmem>>, vector<16xf32>,
        tpu.vector_store %arg14[%parallel_loop3A_115, %parallel_loop3A_116], %parallel_loop3A_114 {strides = array<i32>} : memref<128x80xf32, #tpu.memory_space<vmem>>, vector<16xf32>,
        %parallel_loop3A_118 = arith.constant 2 : i32
        %parallel_loop3A_119 = vector.broadcast %parallel_loop3A_118 : i32 to vector<16xi32>
        %parallel_loop3A_120 = arith.addi %parallel_loop3A_119, %parallel_loop3A_106 : vector<16xi32>
        %parallel_loop3A_121 = tpu.vector_load_idx %arg15[%parallel_loop3A_102, %parallel_loop3A_120] : memref<128x16xf32, #tpu.memory_space<vmem>>[vector<16xi32>, vector<16xi32>], vector<16xf32>,
        %parallel_loop3A_122 = arith.index_cast %parallel_loop3A_96 : i32 to index
        %parallel_loop3A_123 = arith.constant 16 : index
        %parallel_loop3A_124 = tpu.vector_load %arg10[%parallel_loop3A_122, %parallel_loop3A_123] {strides = array<i32>} : memref<128x80xf32, #tpu.memory_space<vmem>>, vector<16xf32>,
        %parallel_loop3A_125 = arith.mulf %parallel_loop3A_124, %parallel_loop3A_121 : vector<16xf32>
        %parallel_loop3A_126 = arith.index_cast %parallel_loop3A_96 : i32 to index
        %parallel_loop3A_127 = arith.constant 16 : index
        %parallel_loop3A_128 = tpu.vector_load %arg14[%parallel_loop3A_126, %parallel_loop3A_127] {strides = array<i32>} : memref<128x80xf32, #tpu.memory_space<vmem>>, vector<16xf32>,
        tpu.vector_store %arg14[%parallel_loop3A_126, %parallel_loop3A_127], %parallel_loop3A_125 {strides = array<i32>} : memref<128x80xf32, #tpu.memory_space<vmem>>, vector<16xf32>,
        %parallel_loop3A_129 = arith.constant 4 : i32
        %parallel_loop3A_130 = vector.broadcast %parallel_loop3A_129 : i32 to vector<16xi32>
        %parallel_loop3A_131 = arith.addi %parallel_loop3A_130, %parallel_loop3A_106 : vector<16xi32>
        %parallel_loop3A_132 = tpu.vector_load_idx %arg15[%parallel_loop3A_102, %parallel_loop3A_131] : memref<128x16xf32, #tpu.memory_space<vmem>>[vector<16xi32>, vector<16xi32>], vector<16xf32>,
        %parallel_loop3A_133 = arith.index_cast %parallel_loop3A_96 : i32 to index
        %parallel_loop3A_134 = arith.constant 32 : index
        %parallel_loop3A_135 = tpu.vector_load %arg10[%parallel_loop3A_133, %parallel_loop3A_134] {strides = array<i32>} : memref<128x80xf32, #tpu.memory_space<vmem>>, vector<16xf32>,
        %parallel_loop3A_136 = arith.mulf %parallel_loop3A_135, %parallel_loop3A_132 : vector<16xf32>
        %parallel_loop3A_137 = arith.index_cast %parallel_loop3A_96 : i32 to index
        %parallel_loop3A_138 = arith.constant 32 : index
        %parallel_loop3A_139 = tpu.vector_load %arg14[%parallel_loop3A_137, %parallel_loop3A_138] {strides = array<i32>} : memref<128x80xf32, #tpu.memory_space<vmem>>, vector<16xf32>,
        tpu.vector_store %arg14[%parallel_loop3A_137, %parallel_loop3A_138], %parallel_loop3A_136 {strides = array<i32>} : memref<128x80xf32, #tpu.memory_space<vmem>>, vector<16xf32>,
        %parallel_loop3A_140 = arith.constant 6 : i32
        %parallel_loop3A_141 = vector.broadcast %parallel_loop3A_140 : i32 to vector<16xi32>
        %parallel_loop3A_142 = arith.addi %parallel_loop3A_141, %parallel_loop3A_106 : vector<16xi32>
        %parallel_loop3A_143 = tpu.vector_load_idx %arg15[%parallel_loop3A_102, %parallel_loop3A_142] : memref<128x16xf32, #tpu.memory_space<vmem>>[vector<16xi32>, vector<16xi32>], vector<16xf32>,
        %parallel_loop3A_144 = arith.index_cast %parallel_loop3A_96 : i32 to index
        %parallel_loop3A_145 = arith.constant 48 : index
        %parallel_loop3A_146 = tpu.vector_load %arg10[%parallel_loop3A_144, %parallel_loop3A_145] {strides = array<i32>} : memref<128x80xf32, #tpu.memory_space<vmem>>, vector<16xf32>,
        %parallel_loop3A_147 = arith.mulf %parallel_loop3A_146, %parallel_loop3A_143 : vector<16xf32>
        %parallel_loop3A_148 = arith.index_cast %parallel_loop3A_96 : i32 to index
        %parallel_loop3A_149 = arith.constant 48 : index
        %parallel_loop3A_150 = tpu.vector_load %arg14[%parallel_loop3A_148, %parallel_loop3A_149] {strides = array<i32>} : memref<128x80xf32, #tpu.memory_space<vmem>>, vector<16xf32>,
        tpu.vector_store %arg14[%parallel_loop3A_148, %parallel_loop3A_149], %parallel_loop3A_147 {strides = array<i32>} : memref<128x80xf32, #tpu.memory_space<vmem>>, vector<16xf32>,
      } {sc.loop_unroll_factor = 4 : i64, sc.parallel_access}
      "tpu.region"() ({
        %run_scoped3A = tpu.sem_alloc : memref<!tpu.dma_semaphore, #tpu.memory_space<semaphore_mem>>
        %dma_start3A_96 = arith.constant 0 : i32
        %dma_start3A_97 = tpu.memref_slice %arg8[%add3A_69, %dma_start3A_96] : memref<80x128xi32, #tpu.memory_space<vmem>> -> memref<1x128xi32, #tpu.memory_space<vmem>>
        %dma_start3A_98 = tpu.memref_squeeze %dma_start3A_97 : memref<1x128xi32, #tpu.memory_space<vmem>> -> memref<128xi32, #tpu.memory_space<vmem>>
        %dma_start3A_99 = arith.constant 0 : i32
        %dma_start3A_100 = arith.constant 0 : i32
        %dma_start3A_101 = tpu.memref_slice %arg20[%dma_start3A_99, %dma_start3A_100] : memref<10240x80xf32, #tpu.memory_space<vmem_shared>> -> memref<10240x80xf32, #tpu.memory_space<vmem_shared>>
        tpu.enqueue_indirect_dma source(%arg14 : memref<128x80xf32, #tpu.memory_space<vmem>>) target(%dma_start3A_101 : memref<10240x80xf32, #tpu.memory_space<vmem_shared>>) offsets(%dma_start3A_98 : memref<128xi32, #tpu.memory_space<vmem>>) semaphore(%run_scoped3A : memref<!tpu.dma_semaphore, #tpu.memory_space<semaphore_mem>>) {add = true}
        %dma_wait3A_102 = arith.constant 0 : i32
        %dma_wait3A_103 = tpu.memref_slice %arg8[%add3A_69, %dma_wait3A_102] : memref<80x128xi32, #tpu.memory_space<vmem>> -> memref<1x128xi32, #tpu.memory_space<vmem>>
        %dma_wait3A_104 = tpu.memref_squeeze %dma_wait3A_103 : memref<1x128xi32, #tpu.memory_space<vmem>> -> memref<128xi32, #tpu.memory_space<vmem>>
        %dma_wait3A_105 = arith.constant 0 : i32
        %dma_wait3A_106 = arith.constant 0 : i32
        %dma_wait3A_107 = tpu.memref_slice %arg20[%dma_wait3A_105, %dma_wait3A_106] : memref<10240x80xf32, #tpu.memory_space<vmem_shared>> -> memref<10240x80xf32, #tpu.memory_space<vmem_shared>>
        tpu.wait_indirect_dma semaphore(%run_scoped3A : memref<!tpu.dma_semaphore, #tpu.memory_space<semaphore_mem>>) src(%arg14 : memref<128x80xf32, #tpu.memory_space<vmem>>) dst(%dma_wait3A_107 : memref<10240x80xf32, #tpu.memory_space<vmem_shared>>)
        tpu.yield
      }) : () -> ()
      %scan3A_95 = arith.constant 0 : i32
      scf.yield %scan3A_95 : i32
    }
    %scan3A_33 = arith.constant 40 : i32
    %barrier3A_34 = arith.constant 0 : index
    tpu.barrier barrier_id(%barrier3A_34)
    %scan3A_35 = arith.constant 0 : i32
    %scan3A_36 = arith.constant 0 : i32
    %scan3A_37 = arith.constant 5 : i32
    %scan3A_38 = arith.addi %scan3A_36, %scan3A_37 : i32
    %scan3A_39 = arith.constant 1 : i32
    %scan3A_40 = scf.for %scan3A_42 = %scan3A_36 to %scan3A_38 step %scan3A_39 iter_args(%scan3A_43 = %scan3A_35) -> (i32)  : i32 {
      %mul3A_44 = arith.constant 640 : i32
      %mul3A_45 = arith.muli %arg1, %mul3A_44 : i32
      %mul3A_46 = arith.constant 128 : i32
      %mul3A_47 = arith.muli %scan3A_42, %mul3A_46 : i32
      %add3A_48 = arith.addi %mul3A_45, %mul3A_47 : i32
      "tpu.region"() ({
        %run_scoped3A = tpu.sem_alloc : memref<!tpu.dma_semaphore, #tpu.memory_space<semaphore_mem>>
        %dma_start3A_50 = arith.constant 0 : i32
        %dma_start3A_51 = tpu.memref_slice %arg20[%add3A_48, %dma_start3A_50] : memref<10240x80xf32, #tpu.memory_space<vmem_shared>> -> memref<128x80xf32, #tpu.memory_space<vmem_shared>>
        %dma_start3A_52 = arith.constant 0 : i32
        %dma_start3A_53 = tpu.memref_slice %arg20[%add3A_48, %dma_start3A_52] : memref<10240x80xf32, #tpu.memory_space<vmem_shared>> -> memref<128x80xf32, #tpu.memory_space<vmem_shared>>
        tpu.enqueue_dma source(%dma_start3A_53 : memref<128x80xf32, #tpu.memory_space<vmem_shared>>) target(%arg13 : memref<128x80xf32, #tpu.memory_space<vmem>>) target_semaphore(%run_scoped3A : memref<!tpu.dma_semaphore, #tpu.memory_space<semaphore_mem>>)
        %dma_wait3A = arith.constant 0 : i32
        %dma_wait3A_54 = tpu.memref_slice %arg20[%add3A_48, %dma_wait3A] : memref<10240x80xf32, #tpu.memory_space<vmem_shared>> -> memref<128x80xf32, #tpu.memory_space<vmem_shared>>
        %dma_wait3A_55 = arith.constant 0 : i32
        %dma_wait3A_56 = tpu.memref_slice %arg20[%add3A_48, %dma_wait3A_55] : memref<10240x80xf32, #tpu.memory_space<vmem_shared>> -> memref<128x80xf32, #tpu.memory_space<vmem_shared>>
        tpu.wait_dma2 semaphore(%run_scoped3A : memref<!tpu.dma_semaphore, #tpu.memory_space<semaphore_mem>>) src(%dma_wait3A_56 : memref<128x80xf32, #tpu.memory_space<vmem_shared>>) dst(%arg13 : memref<128x80xf32, #tpu.memory_space<vmem>>)
        tpu.yield
      }) : () -> ()
      "tpu.region"() ({
        %run_scoped3A = tpu.sem_alloc : memref<!tpu.dma_semaphore, #tpu.memory_space<semaphore_mem>>
        %dma_start3A_50 = arith.constant 0 : i32
        %dma_start3A_51 = tpu.memref_slice %arg6[%arg0, %add3A_48, %dma_start3A_50] : memref<2x10240x80xf32, #tpu.memory_space<hbm>> -> memref<1x128x80xf32, #tpu.memory_space<hbm>>
        %dma_start3A_52 = tpu.memref_squeeze %dma_start3A_51 : memref<1x128x80xf32, #tpu.memory_space<hbm>> -> memref<128x80xf32, #tpu.memory_space<hbm>>
        %dma_start3A_53 = arith.constant 0 : i32
        %dma_start3A_54 = tpu.memref_slice %arg6[%arg0, %add3A_48, %dma_start3A_53] : memref<2x10240x80xf32, #tpu.memory_space<hbm>> -> memref<1x128x80xf32, #tpu.memory_space<hbm>>
        %dma_start3A_55 = tpu.memref_squeeze %dma_start3A_54 : memref<1x128x80xf32, #tpu.memory_space<hbm>> -> memref<128x80xf32, #tpu.memory_space<hbm>>
        tpu.enqueue_dma source(%arg13 : memref<128x80xf32, #tpu.memory_space<vmem>>) target(%dma_start3A_55 : memref<128x80xf32, #tpu.memory_space<hbm>>) target_semaphore(%run_scoped3A : memref<!tpu.dma_semaphore, #tpu.memory_space<semaphore_mem>>)
        %dma_wait3A = arith.constant 0 : i32
        %dma_wait3A_56 = tpu.memref_slice %arg6[%arg0, %add3A_48, %dma_wait3A] : memref<2x10240x80xf32, #tpu.memory_space<hbm>> -> memref<1x128x80xf32, #tpu.memory_space<hbm>>
        %dma_wait3A_57 = tpu.memref_squeeze %dma_wait3A_56 : memref<1x128x80xf32, #tpu.memory_space<hbm>> -> memref<128x80xf32, #tpu.memory_space<hbm>>
        %dma_wait3A_58 = arith.constant 0 : i32
        %dma_wait3A_59 = tpu.memref_slice %arg6[%arg0, %add3A_48, %dma_wait3A_58] : memref<2x10240x80xf32, #tpu.memory_space<hbm>> -> memref<1x128x80xf32, #tpu.memory_space<hbm>>
        %dma_wait3A_60 = tpu.memref_squeeze %dma_wait3A_59 : memref<1x128x80xf32, #tpu.memory_space<hbm>> -> memref<128x80xf32, #tpu.memory_space<hbm>>
        tpu.wait_dma2 semaphore(%run_scoped3A : memref<!tpu.dma_semaphore, #tpu.memory_space<semaphore_mem>>) src(%arg13 : memref<128x80xf32, #tpu.memory_space<vmem>>) dst(%dma_wait3A_60 : memref<128x80xf32, #tpu.memory_space<hbm>>)
        tpu.yield
      }) : () -> ()
      %scan3A_49 = arith.constant 0 : i32
      scf.yield %scan3A_49 : i32
    }
    %scan3A_41 = arith.constant 5 : i32
    return
  }
}

#map = affine_map<(d0, d1) -> (0, 0)>
#map1 = affine_map<(d0, d1) -> (0, 0, 0)>
module attributes {stable_mosaic.version = 14 : i64} {
  func.func @body(%arg0: i32, %arg1: i32, %arg2: memref<10016x16xf32, #tpu.memory_space<hbm>>, %arg3: memref<10016x16xf32, #tpu.memory_space<hbm>>, %arg4: memref<32x80x128xi32, #tpu.memory_space<hbm>>, %arg5: memref<32x80x128xi32, #tpu.memory_space<hbm>>, %arg6: memref<2x10240x16xf32, #tpu.memory_space<hbm>>, %arg7: memref<80x128xi32, #tpu.memory_space<vmem>>, %arg8: memref<80x128xi32, #tpu.memory_space<vmem>>, %arg9: memref<128x16xf32, #tpu.memory_space<vmem>>, %arg10: memref<128x16xf32, #tpu.memory_space<vmem>>, %arg11: memref<128x16xf32, #tpu.memory_space<vmem>>, %arg12: memref<128x16xf32, #tpu.memory_space<vmem>>, %arg13: memref<128x16xf32, #tpu.memory_space<vmem>>, %arg14: memref<128x16xf32, #tpu.memory_space<vmem>>, %arg15: memref<128x16xf32, #tpu.memory_space<vmem>>, %arg16: memref<!tpu.dma_semaphore, #tpu.memory_space<semaphore_mem>>, %arg17: memref<!tpu.dma_semaphore, #tpu.memory_space<semaphore_mem>>, %arg18: memref<!tpu.dma_semaphore, #tpu.memory_space<semaphore_mem>>, %arg19: memref<!tpu.dma_semaphore, #tpu.memory_space<semaphore_mem>>, %arg20: memref<10240x16xf32, #tpu.memory_space<vmem_shared>>) attributes {dimension_semantics = [#tpu.dimension_semantics<core_parallel>, #tpu.dimension_semantics<subcore_parallel>], iteration_bounds = array<i64: 2, 16>, scalar_prefetch = 0 : i64, scratch_operands = 14 : i64, tpu.core_type = #tpu.core_type<sc_vector_subcore>, window_params = [{transform_indices = #map}, {transform_indices = #map}, {transform_indices = #map1}, {transform_indices = #map1}, {transform_indices = #map1}]} {
    %mul3A = arith.constant 2 : i32
    %mul3A_0 = arith.muli %arg1, %mul3A : i32
    %add3A = arith.addi %mul3A_0, %arg0 : i32
    %scan3A = arith.constant 0 : i32
    %scan3A_1 = arith.constant 0 : i32
    %scan3A_2 = arith.constant 128 : i32
    %scan3A_3 = arith.addi %scan3A_1, %scan3A_2 : i32
    %scan3A_4 = arith.constant 1 : i32
    %scan3A_5 = scf.for %scan3A_42 = %scan3A_1 to %scan3A_3 step %scan3A_4 iter_args(%scan3A_43 = %scan3A) -> (i32)  : i32 {
      %iota3A = tpu.iota {dimensions = array<i32: 0>} : vector<16xi32>
      %mul3A_44 = arith.constant 0 : i32
      %mul3A_45 = vector.broadcast %mul3A_44 : i32 to vector<16xi32>
      %mul3A_46 = arith.muli %iota3A, %mul3A_45 : vector<16xi32>
      %convert_element_type3A = arith.sitofp %mul3A_46 : vector<16xi32> to vector<16xf32>
      %jit3A = arith.constant 1 : i32
      %div3A = arith.divsi %scan3A_42, %jit3A : i32
      %sign3A = arith.constant 0 : i32
      %sign3A_47 = arith.cmpi sgt, %scan3A_42, %sign3A : i32
      %sign3A_48 = arith.extui %sign3A_47 : i1 to i32
      %sign3A_49 = arith.constant 0 : i32
      %sign3A_50 = arith.cmpi slt, %scan3A_42, %sign3A_49 : i32
      %sign3A_51 = arith.extui %sign3A_50 : i1 to i32
      %sign3A_52 = arith.subi %sign3A_48, %sign3A_51 : i32
      %sign3A_53 = arith.constant 0 : i32
      %sign3A_54 = arith.cmpi sgt, %jit3A, %sign3A_53 : i32
      %sign3A_55 = arith.extui %sign3A_54 : i1 to i32
      %sign3A_56 = arith.constant 0 : i32
      %sign3A_57 = arith.cmpi slt, %jit3A, %sign3A_56 : i32
      %sign3A_58 = arith.extui %sign3A_57 : i1 to i32
      %sign3A_59 = arith.subi %sign3A_55, %sign3A_58 : i32
      %ne3A = arith.cmpi ne, %sign3A_52, %sign3A_59 : i32
      %rem3A = arith.remsi %scan3A_42, %jit3A : i32
      %ne3A_60 = arith.constant 0 : i32
      %ne3A_61 = arith.cmpi ne, %rem3A, %ne3A_60 : i32
      %and3A = arith.andi %ne3A, %ne3A_61 : i1
      %sub3A = arith.constant 1 : i32
      %sub3A_62 = arith.subi %div3A, %sub3A : i32
      %select_n3A = arith.select %and3A, %sub3A_62, %div3A : i32
      %jit3A_63 = arith.constant 1 : i32
      %eq3A = arith.constant 0 : i32
      %eq3A_64 = arith.cmpi eq, %jit3A_63, %eq3A : i32
      %jit3A_65 = arith.constant 1 : i32
      %select_n3A_66 = arith.select %eq3A_64, %jit3A_65, %jit3A_63 : i32
      %rem3A_67 = arith.remsi %scan3A_42, %select_n3A_66 : i32
      %ne3A_68 = arith.constant 0 : i32
      %ne3A_69 = arith.cmpi ne, %rem3A_67, %ne3A_68 : i32
      %lt3A = arith.constant 0 : i32
      %lt3A_70 = arith.cmpi slt, %rem3A_67, %lt3A : i32
      %lt3A_71 = arith.constant 0 : i32
      %lt3A_72 = arith.cmpi slt, %select_n3A_66, %lt3A_71 : i32
      %ne3A_73 = arith.xori %lt3A_70, %lt3A_72 : i1
      %and3A_74 = arith.andi %ne3A_73, %ne3A_69 : i1
      %add3A_75 = arith.addi %rem3A_67, %select_n3A_66 : i32
      %select_n3A_76 = arith.select %and3A_74, %add3A_75, %rem3A_67 : i32
      %mul3A_77 = arith.constant 16 : i32
      %mul3A_78 = arith.muli %select_n3A_76, %mul3A_77 : i32
      %swap3A = arith.index_cast %select_n3A : i32 to index
      %swap3A_79 = arith.index_cast %mul3A_78 : i32 to index
      %swap3A_80 = tpu.vector_load %arg13[%swap3A, %swap3A_79] {strides = array<i32>} : memref<128x16xf32, #tpu.memory_space<vmem>>, vector<16xf32>,
      tpu.vector_store %arg13[%swap3A, %swap3A_79], %convert_element_type3A {strides = array<i32>} : memref<128x16xf32, #tpu.memory_space<vmem>>, vector<16xf32>,
      %scan3A_81 = arith.constant 0 : i32
      scf.yield %scan3A_81 : i32
    }
    %scan3A_6 = arith.constant 128 : i32
    %scan3A_7 = arith.constant 0 : i32
    %scan3A_8 = arith.constant 0 : i32
    %scan3A_9 = arith.constant 5 : i32
    %scan3A_10 = arith.addi %scan3A_8, %scan3A_9 : i32
    %scan3A_11 = arith.constant 1 : i32
    %scan3A_12 = scf.for %scan3A_42 = %scan3A_8 to %scan3A_10 step %scan3A_11 iter_args(%scan3A_43 = %scan3A_7) -> (i32)  : i32 {
      %mul3A_44 = arith.constant 640 : i32
      %mul3A_45 = arith.muli %arg1, %mul3A_44 : i32
      %mul3A_46 = arith.constant 128 : i32
      %mul3A_47 = arith.muli %scan3A_42, %mul3A_46 : i32
      %add3A_48 = arith.addi %mul3A_45, %mul3A_47 : i32
      "tpu.region"() ({
        %run_scoped3A = tpu.sem_alloc : memref<!tpu.dma_semaphore, #tpu.memory_space<semaphore_mem>>
        %dma_start3A_50 = arith.constant 0 : i32
        %dma_start3A_51 = tpu.memref_slice %arg20[%add3A_48, %dma_start3A_50] : memref<10240x16xf32, #tpu.memory_space<vmem_shared>> -> memref<128x16xf32, #tpu.memory_space<vmem_shared>>
        %dma_start3A_52 = arith.constant 0 : i32
        %dma_start3A_53 = tpu.memref_slice %arg20[%add3A_48, %dma_start3A_52] : memref<10240x16xf32, #tpu.memory_space<vmem_shared>> -> memref<128x16xf32, #tpu.memory_space<vmem_shared>>
        tpu.enqueue_dma source(%arg13 : memref<128x16xf32, #tpu.memory_space<vmem>>) target(%dma_start3A_53 : memref<128x16xf32, #tpu.memory_space<vmem_shared>>) target_semaphore(%run_scoped3A : memref<!tpu.dma_semaphore, #tpu.memory_space<semaphore_mem>>)
        %dma_wait3A = arith.constant 0 : i32
        %dma_wait3A_54 = tpu.memref_slice %arg20[%add3A_48, %dma_wait3A] : memref<10240x16xf32, #tpu.memory_space<vmem_shared>> -> memref<128x16xf32, #tpu.memory_space<vmem_shared>>
        %dma_wait3A_55 = arith.constant 0 : i32
        %dma_wait3A_56 = tpu.memref_slice %arg20[%add3A_48, %dma_wait3A_55] : memref<10240x16xf32, #tpu.memory_space<vmem_shared>> -> memref<128x16xf32, #tpu.memory_space<vmem_shared>>
        tpu.wait_dma2 semaphore(%run_scoped3A : memref<!tpu.dma_semaphore, #tpu.memory_space<semaphore_mem>>) src(%arg13 : memref<128x16xf32, #tpu.memory_space<vmem>>) dst(%dma_wait3A_56 : memref<128x16xf32, #tpu.memory_space<vmem_shared>>)
        tpu.yield
      }) : () -> ()
      %scan3A_49 = arith.constant 0 : i32
      scf.yield %scan3A_49 : i32
    }
    %scan3A_13 = arith.constant 5 : i32
    "tpu.region"() ({
      %run_scoped3A = tpu.sem_alloc : memref<!tpu.dma_semaphore, #tpu.memory_space<semaphore_mem>>
      %dma_start3A_42 = arith.constant 0 : i32
      %dma_start3A_43 = arith.constant 0 : i32
      %dma_start3A_44 = tpu.memref_slice %arg4[%add3A, %dma_start3A_42, %dma_start3A_43] : memref<32x80x128xi32, #tpu.memory_space<hbm>> -> memref<1x80x128xi32, #tpu.memory_space<hbm>>
      %dma_start3A_45 = tpu.memref_squeeze %dma_start3A_44 : memref<1x80x128xi32, #tpu.memory_space<hbm>> -> memref<80x128xi32, #tpu.memory_space<hbm>>
      %dma_start3A_46 = arith.constant 0 : i32
      %dma_start3A_47 = arith.constant 0 : i32
      %dma_start3A_48 = tpu.memref_slice %arg4[%add3A, %dma_start3A_46, %dma_start3A_47] : memref<32x80x128xi32, #tpu.memory_space<hbm>> -> memref<1x80x128xi32, #tpu.memory_space<hbm>>
      %dma_start3A_49 = tpu.memref_squeeze %dma_start3A_48 : memref<1x80x128xi32, #tpu.memory_space<hbm>> -> memref<80x128xi32, #tpu.memory_space<hbm>>
      tpu.enqueue_dma source(%dma_start3A_49 : memref<80x128xi32, #tpu.memory_space<hbm>>) target(%arg7 : memref<80x128xi32, #tpu.memory_space<vmem>>) target_semaphore(%run_scoped3A : memref<!tpu.dma_semaphore, #tpu.memory_space<semaphore_mem>>)
      %dma_wait3A = arith.constant 0 : i32
      %dma_wait3A_50 = arith.constant 0 : i32
      %dma_wait3A_51 = tpu.memref_slice %arg4[%add3A, %dma_wait3A, %dma_wait3A_50] : memref<32x80x128xi32, #tpu.memory_space<hbm>> -> memref<1x80x128xi32, #tpu.memory_space<hbm>>
      %dma_wait3A_52 = tpu.memref_squeeze %dma_wait3A_51 : memref<1x80x128xi32, #tpu.memory_space<hbm>> -> memref<80x128xi32, #tpu.memory_space<hbm>>
      %dma_wait3A_53 = arith.constant 0 : i32
      %dma_wait3A_54 = arith.constant 0 : i32
      %dma_wait3A_55 = tpu.memref_slice %arg4[%add3A, %dma_wait3A_53, %dma_wait3A_54] : memref<32x80x128xi32, #tpu.memory_space<hbm>> -> memref<1x80x128xi32, #tpu.memory_space<hbm>>
      %dma_wait3A_56 = tpu.memref_squeeze %dma_wait3A_55 : memref<1x80x128xi32, #tpu.memory_space<hbm>> -> memref<80x128xi32, #tpu.memory_space<hbm>>
      tpu.wait_dma2 semaphore(%run_scoped3A : memref<!tpu.dma_semaphore, #tpu.memory_space<semaphore_mem>>) src(%dma_wait3A_56 : memref<80x128xi32, #tpu.memory_space<hbm>>) dst(%arg7 : memref<80x128xi32, #tpu.memory_space<vmem>>)
      tpu.yield
    }) : () -> ()
    "tpu.region"() ({
      %run_scoped3A = tpu.sem_alloc : memref<!tpu.dma_semaphore, #tpu.memory_space<semaphore_mem>>
      %dma_start3A_42 = arith.constant 0 : i32
      %dma_start3A_43 = arith.constant 0 : i32
      %dma_start3A_44 = tpu.memref_slice %arg5[%add3A, %dma_start3A_42, %dma_start3A_43] : memref<32x80x128xi32, #tpu.memory_space<hbm>> -> memref<1x80x128xi32, #tpu.memory_space<hbm>>
      %dma_start3A_45 = tpu.memref_squeeze %dma_start3A_44 : memref<1x80x128xi32, #tpu.memory_space<hbm>> -> memref<80x128xi32, #tpu.memory_space<hbm>>
      %dma_start3A_46 = arith.constant 0 : i32
      %dma_start3A_47 = arith.constant 0 : i32
      %dma_start3A_48 = tpu.memref_slice %arg5[%add3A, %dma_start3A_46, %dma_start3A_47] : memref<32x80x128xi32, #tpu.memory_space<hbm>> -> memref<1x80x128xi32, #tpu.memory_space<hbm>>
      %dma_start3A_49 = tpu.memref_squeeze %dma_start3A_48 : memref<1x80x128xi32, #tpu.memory_space<hbm>> -> memref<80x128xi32, #tpu.memory_space<hbm>>
      tpu.enqueue_dma source(%dma_start3A_49 : memref<80x128xi32, #tpu.memory_space<hbm>>) target(%arg8 : memref<80x128xi32, #tpu.memory_space<vmem>>) target_semaphore(%run_scoped3A : memref<!tpu.dma_semaphore, #tpu.memory_space<semaphore_mem>>)
      %dma_wait3A = arith.constant 0 : i32
      %dma_wait3A_50 = arith.constant 0 : i32
      %dma_wait3A_51 = tpu.memref_slice %arg5[%add3A, %dma_wait3A, %dma_wait3A_50] : memref<32x80x128xi32, #tpu.memory_space<hbm>> -> memref<1x80x128xi32, #tpu.memory_space<hbm>>
      %dma_wait3A_52 = tpu.memref_squeeze %dma_wait3A_51 : memref<1x80x128xi32, #tpu.memory_space<hbm>> -> memref<80x128xi32, #tpu.memory_space<hbm>>
      %dma_wait3A_53 = arith.constant 0 : i32
      %dma_wait3A_54 = arith.constant 0 : i32
      %dma_wait3A_55 = tpu.memref_slice %arg5[%add3A, %dma_wait3A_53, %dma_wait3A_54] : memref<32x80x128xi32, #tpu.memory_space<hbm>> -> memref<1x80x128xi32, #tpu.memory_space<hbm>>
      %dma_wait3A_56 = tpu.memref_squeeze %dma_wait3A_55 : memref<1x80x128xi32, #tpu.memory_space<hbm>> -> memref<80x128xi32, #tpu.memory_space<hbm>>
      tpu.wait_dma2 semaphore(%run_scoped3A : memref<!tpu.dma_semaphore, #tpu.memory_space<semaphore_mem>>) src(%dma_wait3A_56 : memref<80x128xi32, #tpu.memory_space<hbm>>) dst(%arg8 : memref<80x128xi32, #tpu.memory_space<vmem>>)
      tpu.yield
    }) : () -> ()
    %barrier3A = arith.constant 0 : index
    tpu.barrier barrier_id(%barrier3A)
    %dma_start3A = arith.constant 0 : i32
    %dma_start3A_14 = arith.constant 0 : i32
    %dma_start3A_15 = tpu.memref_slice %arg7[%dma_start3A, %dma_start3A_14] : memref<80x128xi32, #tpu.memory_space<vmem>> -> memref<1x128xi32, #tpu.memory_space<vmem>>
    %dma_start3A_16 = tpu.memref_squeeze %dma_start3A_15 : memref<1x128xi32, #tpu.memory_space<vmem>> -> memref<128xi32, #tpu.memory_space<vmem>>
    %dma_start3A_17 = arith.constant 0 : i32
    %dma_start3A_18 = arith.constant 0 : i32
    %dma_start3A_19 = tpu.memref_slice %arg2[%dma_start3A_17, %dma_start3A_18] : memref<10016x16xf32, #tpu.memory_space<hbm>> -> memref<10016x16xf32, #tpu.memory_space<hbm>>
    tpu.enqueue_indirect_dma source(%dma_start3A_19 : memref<10016x16xf32, #tpu.memory_space<hbm>>) target(%arg9 : memref<128x16xf32, #tpu.memory_space<vmem>>) offsets(%dma_start3A_16 : memref<128xi32, #tpu.memory_space<vmem>>) semaphore(%arg16 : memref<!tpu.dma_semaphore, #tpu.memory_space<semaphore_mem>>)
    %dma_start3A_20 = arith.constant 0 : i32
    %dma_start3A_21 = arith.constant 0 : i32
    %dma_start3A_22 = tpu.memref_slice %arg8[%dma_start3A_20, %dma_start3A_21] : memref<80x128xi32, #tpu.memory_space<vmem>> -> memref<1x128xi32, #tpu.memory_space<vmem>>
    %dma_start3A_23 = tpu.memref_squeeze %dma_start3A_22 : memref<1x128xi32, #tpu.memory_space<vmem>> -> memref<128xi32, #tpu.memory_space<vmem>>
    %dma_start3A_24 = arith.constant 0 : i32
    %dma_start3A_25 = arith.constant 0 : i32
    %dma_start3A_26 = tpu.memref_slice %arg3[%dma_start3A_24, %dma_start3A_25] : memref<10016x16xf32, #tpu.memory_space<hbm>> -> memref<10016x16xf32, #tpu.memory_space<hbm>>
    tpu.enqueue_indirect_dma source(%dma_start3A_26 : memref<10016x16xf32, #tpu.memory_space<hbm>>) target(%arg11 : memref<128x16xf32, #tpu.memory_space<vmem>>) offsets(%dma_start3A_23 : memref<128xi32, #tpu.memory_space<vmem>>) semaphore(%arg18 : memref<!tpu.dma_semaphore, #tpu.memory_space<semaphore_mem>>)
    %scan3A_27 = arith.constant 0 : i32
    %scan3A_28 = arith.constant 0 : i32
    %scan3A_29 = arith.constant 40 : i32
    %scan3A_30 = arith.addi %scan3A_28, %scan3A_29 : i32
    %scan3A_31 = arith.constant 1 : i32
    %scan3A_32 = scf.for %scan3A_42 = %scan3A_28 to %scan3A_30 step %scan3A_31 iter_args(%scan3A_43 = %scan3A_27) -> (i32)  : i32 {
      %mul3A_44 = arith.constant 2 : i32
      %mul3A_45 = arith.muli %mul3A_44, %scan3A_42 : i32
      %add3A_46 = arith.constant 1 : i32
      %add3A_47 = arith.addi %mul3A_45, %add3A_46 : i32
      %lt3A = arith.constant 80 : i32
      %lt3A_48 = arith.cmpi slt, %add3A_47, %lt3A : i32
      %convert_element_type3A = arith.extui %lt3A_48 : i1 to i32
      %cond3A = arith.constant 0 : i32
      %cond3A_49 = arith.cmpi ne, %convert_element_type3A, %cond3A : i32
      scf.if %cond3A_49 {
        %add3A_96 = arith.constant 1 : i32
        %add3A_97 = arith.addi %mul3A_45, %add3A_96 : i32
        %dma_start3A_98 = arith.constant 0 : i32
        %dma_start3A_99 = tpu.memref_slice %arg7[%add3A_97, %dma_start3A_98] : memref<80x128xi32, #tpu.memory_space<vmem>> -> memref<1x128xi32, #tpu.memory_space<vmem>>
        %dma_start3A_100 = tpu.memref_squeeze %dma_start3A_99 : memref<1x128xi32, #tpu.memory_space<vmem>> -> memref<128xi32, #tpu.memory_space<vmem>>
        %dma_start3A_101 = arith.constant 0 : i32
        %dma_start3A_102 = arith.constant 0 : i32
        %dma_start3A_103 = tpu.memref_slice %arg2[%dma_start3A_101, %dma_start3A_102] : memref<10016x16xf32, #tpu.memory_space<hbm>> -> memref<10016x16xf32, #tpu.memory_space<hbm>>
        tpu.enqueue_indirect_dma source(%dma_start3A_103 : memref<10016x16xf32, #tpu.memory_space<hbm>>) target(%arg10 : memref<128x16xf32, #tpu.memory_space<vmem>>) offsets(%dma_start3A_100 : memref<128xi32, #tpu.memory_space<vmem>>) semaphore(%arg17 : memref<!tpu.dma_semaphore, #tpu.memory_space<semaphore_mem>>)
        %dma_start3A_104 = arith.constant 0 : i32
        %dma_start3A_105 = tpu.memref_slice %arg8[%add3A_97, %dma_start3A_104] : memref<80x128xi32, #tpu.memory_space<vmem>> -> memref<1x128xi32, #tpu.memory_space<vmem>>
        %dma_start3A_106 = tpu.memref_squeeze %dma_start3A_105 : memref<1x128xi32, #tpu.memory_space<vmem>> -> memref<128xi32, #tpu.memory_space<vmem>>
        %dma_start3A_107 = arith.constant 0 : i32
        %dma_start3A_108 = arith.constant 0 : i32
        %dma_start3A_109 = tpu.memref_slice %arg3[%dma_start3A_107, %dma_start3A_108] : memref<10016x16xf32, #tpu.memory_space<hbm>> -> memref<10016x16xf32, #tpu.memory_space<hbm>>
        tpu.enqueue_indirect_dma source(%dma_start3A_109 : memref<10016x16xf32, #tpu.memory_space<hbm>>) target(%arg12 : memref<128x16xf32, #tpu.memory_space<vmem>>) offsets(%dma_start3A_106 : memref<128xi32, #tpu.memory_space<vmem>>) semaphore(%arg19 : memref<!tpu.dma_semaphore, #tpu.memory_space<semaphore_mem>>)
      } else {
      }
      %dma_wait3A = arith.constant 0 : i32
      %dma_wait3A_50 = tpu.memref_slice %arg7[%mul3A_45, %dma_wait3A] : memref<80x128xi32, #tpu.memory_space<vmem>> -> memref<1x128xi32, #tpu.memory_space<vmem>>
      %dma_wait3A_51 = tpu.memref_squeeze %dma_wait3A_50 : memref<1x128xi32, #tpu.memory_space<vmem>> -> memref<128xi32, #tpu.memory_space<vmem>>
      %dma_wait3A_52 = arith.constant 0 : i32
      %dma_wait3A_53 = arith.constant 0 : i32
      %dma_wait3A_54 = tpu.memref_slice %arg2[%dma_wait3A_52, %dma_wait3A_53] : memref<10016x16xf32, #tpu.memory_space<hbm>> -> memref<10016x16xf32, #tpu.memory_space<hbm>>
      tpu.wait_indirect_dma semaphore(%arg16 : memref<!tpu.dma_semaphore, #tpu.memory_space<semaphore_mem>>) src(%dma_wait3A_54 : memref<10016x16xf32, #tpu.memory_space<hbm>>) dst(%arg9 : memref<128x16xf32, #tpu.memory_space<vmem>>)
      %dma_wait3A_55 = arith.constant 0 : i32
      %dma_wait3A_56 = tpu.memref_slice %arg8[%mul3A_45, %dma_wait3A_55] : memref<80x128xi32, #tpu.memory_space<vmem>> -> memref<1x128xi32, #tpu.memory_space<vmem>>
      %dma_wait3A_57 = tpu.memref_squeeze %dma_wait3A_56 : memref<1x128xi32, #tpu.memory_space<vmem>> -> memref<128xi32, #tpu.memory_space<vmem>>
      %dma_wait3A_58 = arith.constant 0 : i32
      %dma_wait3A_59 = arith.constant 0 : i32
      %dma_wait3A_60 = tpu.memref_slice %arg3[%dma_wait3A_58, %dma_wait3A_59] : memref<10016x16xf32, #tpu.memory_space<hbm>> -> memref<10016x16xf32, #tpu.memory_space<hbm>>
      tpu.wait_indirect_dma semaphore(%arg18 : memref<!tpu.dma_semaphore, #tpu.memory_space<semaphore_mem>>) src(%dma_wait3A_60 : memref<10016x16xf32, #tpu.memory_space<hbm>>) dst(%arg11 : memref<128x16xf32, #tpu.memory_space<vmem>>)
      %parallel_loop3A = arith.constant 0 : i32
      %parallel_loop3A_61 = arith.constant 128 : i32
      %parallel_loop3A_62 = arith.constant 1 : i32
      scf.for %parallel_loop3A_96 = %parallel_loop3A to %parallel_loop3A_61 step %parallel_loop3A_62  : i32 {
        %parallel_loop3A_97 = arith.index_cast %parallel_loop3A_96 : i32 to index
        %parallel_loop3A_98 = arith.constant 0 : index
        %parallel_loop3A_99 = tpu.vector_load %arg9[%parallel_loop3A_97, %parallel_loop3A_98] {strides = array<i32>} : memref<128x16xf32, #tpu.memory_space<vmem>>, vector<16xf32>,
        %parallel_loop3A_100 = arith.index_cast %parallel_loop3A_96 : i32 to index
        %parallel_loop3A_101 = arith.constant 0 : index
        %parallel_loop3A_102 = tpu.vector_load %arg11[%parallel_loop3A_100, %parallel_loop3A_101] {strides = array<i32>} : memref<128x16xf32, #tpu.memory_space<vmem>>, vector<16xf32>,
        %parallel_loop3A_103 = arith.addf %parallel_loop3A_99, %parallel_loop3A_102 : vector<16xf32>
        %parallel_loop3A_104 = arith.constant 0.000000e+00 : f32
        %parallel_loop3A_105 = vector.broadcast %parallel_loop3A_104 : f32 to vector<16xf32>
        %parallel_loop3A_106 = arith.cmpf ogt, %parallel_loop3A_103, %parallel_loop3A_105 : vector<16xf32>
        %parallel_loop3A_107 = arith.constant 2.000000e-01 : f32
        %parallel_loop3A_108 = vector.broadcast %parallel_loop3A_107 : f32 to vector<16xf32>
        %parallel_loop3A_109 = arith.mulf %parallel_loop3A_108, %parallel_loop3A_103 : vector<16xf32>
        %parallel_loop3A_110 = arith.select %parallel_loop3A_106, %parallel_loop3A_103, %parallel_loop3A_109 : vector<16xi1>, vector<16xf32>
        %parallel_loop3A_111 = math.exp %parallel_loop3A_110 : vector<16xf32>
        %parallel_loop3A_112 = arith.index_cast %parallel_loop3A_96 : i32 to index
        %parallel_loop3A_113 = arith.constant 0 : index
        %parallel_loop3A_114 = tpu.vector_load %arg15[%parallel_loop3A_112, %parallel_loop3A_113] {strides = array<i32>} : memref<128x16xf32, #tpu.memory_space<vmem>>, vector<16xf32>,
        tpu.vector_store %arg15[%parallel_loop3A_112, %parallel_loop3A_113], %parallel_loop3A_111 {strides = array<i32>} : memref<128x16xf32, #tpu.memory_space<vmem>>, vector<16xf32>,
      } {sc.loop_unroll_factor = 4 : i64, sc.parallel_access}
      %parallel_loop3A_63 = arith.constant 0 : i32
      %parallel_loop3A_64 = arith.constant 128 : i32
      %parallel_loop3A_65 = arith.constant 1 : i32
      scf.for %parallel_loop3A_96 = %parallel_loop3A_63 to %parallel_loop3A_64 step %parallel_loop3A_65  : i32 {
        %parallel_loop3A_97 = tpu.iota {dimensions = array<i32: 0>} : vector<16xi32>
        %parallel_loop3A_98 = arith.constant 0 : i32
        %parallel_loop3A_99 = vector.broadcast %parallel_loop3A_98 : i32 to vector<16xi32>
        %parallel_loop3A_100 = arith.muli %parallel_loop3A_97, %parallel_loop3A_99 : vector<16xi32>
        %parallel_loop3A_101 = vector.broadcast %parallel_loop3A_96 : i32 to vector<16xi32>
        %parallel_loop3A_102 = arith.addi %parallel_loop3A_100, %parallel_loop3A_101 : vector<16xi32>
        %parallel_loop3A_103 = arith.constant 0 : i32
        %parallel_loop3A_104 = vector.broadcast %parallel_loop3A_103 : i32 to vector<16xi32>
        %parallel_loop3A_105 = arith.muli %parallel_loop3A_97, %parallel_loop3A_104 : vector<16xi32>
        %parallel_loop3A_106 = arith.constant 8 : i32
        %parallel_loop3A_107 = vector.broadcast %parallel_loop3A_106 : i32 to vector<16xi32>
        %parallel_loop3A_108 = arith.addi %parallel_loop3A_105, %parallel_loop3A_107 : vector<16xi32>
        %parallel_loop3A_109 = tpu.vector_load_idx %arg15[%parallel_loop3A_102, %parallel_loop3A_108] : memref<128x16xf32, #tpu.memory_space<vmem>>[vector<16xi32>, vector<16xi32>], vector<16xf32>,
        %parallel_loop3A_110 = arith.index_cast %parallel_loop3A_96 : i32 to index
        %parallel_loop3A_111 = arith.constant 0 : index
        %parallel_loop3A_112 = tpu.vector_load %arg9[%parallel_loop3A_110, %parallel_loop3A_111] {strides = array<i32>} : memref<128x16xf32, #tpu.memory_space<vmem>>, vector<16xf32>,
        %parallel_loop3A_113 = arith.mulf %parallel_loop3A_109, %parallel_loop3A_112 : vector<16xf32>
        %parallel_loop3A_114 = arith.index_cast %parallel_loop3A_96 : i32 to index
        %parallel_loop3A_115 = arith.constant 0 : index
        %parallel_loop3A_116 = tpu.vector_load %arg13[%parallel_loop3A_114, %parallel_loop3A_115] {strides = array<i32>} : memref<128x16xf32, #tpu.memory_space<vmem>>, vector<16xf32>,
        tpu.vector_store %arg13[%parallel_loop3A_114, %parallel_loop3A_115], %parallel_loop3A_113 {strides = array<i32>} : memref<128x16xf32, #tpu.memory_space<vmem>>, vector<16xf32>,
      } {sc.loop_unroll_factor = 4 : i64, sc.parallel_access}
      "tpu.region"() ({
        %run_scoped3A = tpu.sem_alloc : memref<!tpu.dma_semaphore, #tpu.memory_space<semaphore_mem>>
        %dma_start3A_96 = arith.constant 0 : i32
        %dma_start3A_97 = tpu.memref_slice %arg8[%mul3A_45, %dma_start3A_96] : memref<80x128xi32, #tpu.memory_space<vmem>> -> memref<1x128xi32, #tpu.memory_space<vmem>>
        %dma_start3A_98 = tpu.memref_squeeze %dma_start3A_97 : memref<1x128xi32, #tpu.memory_space<vmem>> -> memref<128xi32, #tpu.memory_space<vmem>>
        %dma_start3A_99 = arith.constant 0 : i32
        %dma_start3A_100 = arith.constant 0 : i32
        %dma_start3A_101 = tpu.memref_slice %arg20[%dma_start3A_99, %dma_start3A_100] : memref<10240x16xf32, #tpu.memory_space<vmem_shared>> -> memref<10240x16xf32, #tpu.memory_space<vmem_shared>>
        tpu.enqueue_indirect_dma source(%arg13 : memref<128x16xf32, #tpu.memory_space<vmem>>) target(%dma_start3A_101 : memref<10240x16xf32, #tpu.memory_space<vmem_shared>>) offsets(%dma_start3A_98 : memref<128xi32, #tpu.memory_space<vmem>>) semaphore(%run_scoped3A : memref<!tpu.dma_semaphore, #tpu.memory_space<semaphore_mem>>) {add = true}
        %dma_wait3A_102 = arith.constant 0 : i32
        %dma_wait3A_103 = tpu.memref_slice %arg8[%mul3A_45, %dma_wait3A_102] : memref<80x128xi32, #tpu.memory_space<vmem>> -> memref<1x128xi32, #tpu.memory_space<vmem>>
        %dma_wait3A_104 = tpu.memref_squeeze %dma_wait3A_103 : memref<1x128xi32, #tpu.memory_space<vmem>> -> memref<128xi32, #tpu.memory_space<vmem>>
        %dma_wait3A_105 = arith.constant 0 : i32
        %dma_wait3A_106 = arith.constant 0 : i32
        %dma_wait3A_107 = tpu.memref_slice %arg20[%dma_wait3A_105, %dma_wait3A_106] : memref<10240x16xf32, #tpu.memory_space<vmem_shared>> -> memref<10240x16xf32, #tpu.memory_space<vmem_shared>>
        tpu.wait_indirect_dma semaphore(%run_scoped3A : memref<!tpu.dma_semaphore, #tpu.memory_space<semaphore_mem>>) src(%arg13 : memref<128x16xf32, #tpu.memory_space<vmem>>) dst(%dma_wait3A_107 : memref<10240x16xf32, #tpu.memory_space<vmem_shared>>)
        tpu.yield
      }) : () -> ()
      %mul3A_66 = arith.constant 2 : i32
      %mul3A_67 = arith.muli %mul3A_66, %scan3A_42 : i32
      %add3A_68 = arith.constant 1 : i32
      %add3A_69 = arith.addi %mul3A_67, %add3A_68 : i32
      %add3A_70 = arith.constant 1 : i32
      %add3A_71 = arith.addi %add3A_69, %add3A_70 : i32
      %lt3A_72 = arith.constant 80 : i32
      %lt3A_73 = arith.cmpi slt, %add3A_71, %lt3A_72 : i32
      %convert_element_type3A_74 = arith.extui %lt3A_73 : i1 to i32
      %cond3A_75 = arith.constant 0 : i32
      %cond3A_76 = arith.cmpi ne, %convert_element_type3A_74, %cond3A_75 : i32
      scf.if %cond3A_76 {
        %add3A_96 = arith.constant 1 : i32
        %add3A_97 = arith.addi %add3A_69, %add3A_96 : i32
        %dma_start3A_98 = arith.constant 0 : i32
        %dma_start3A_99 = tpu.memref_slice %arg7[%add3A_97, %dma_start3A_98] : memref<80x128xi32, #tpu.memory_space<vmem>> -> memref<1x128xi32, #tpu.memory_space<vmem>>
        %dma_start3A_100 = tpu.memref_squeeze %dma_start3A_99 : memref<1x128xi32, #tpu.memory_space<vmem>> -> memref<128xi32, #tpu.memory_space<vmem>>
        %dma_start3A_101 = arith.constant 0 : i32
        %dma_start3A_102 = arith.constant 0 : i32
        %dma_start3A_103 = tpu.memref_slice %arg2[%dma_start3A_101, %dma_start3A_102] : memref<10016x16xf32, #tpu.memory_space<hbm>> -> memref<10016x16xf32, #tpu.memory_space<hbm>>
        tpu.enqueue_indirect_dma source(%dma_start3A_103 : memref<10016x16xf32, #tpu.memory_space<hbm>>) target(%arg9 : memref<128x16xf32, #tpu.memory_space<vmem>>) offsets(%dma_start3A_100 : memref<128xi32, #tpu.memory_space<vmem>>) semaphore(%arg16 : memref<!tpu.dma_semaphore, #tpu.memory_space<semaphore_mem>>)
        %dma_start3A_104 = arith.constant 0 : i32
        %dma_start3A_105 = tpu.memref_slice %arg8[%add3A_97, %dma_start3A_104] : memref<80x128xi32, #tpu.memory_space<vmem>> -> memref<1x128xi32, #tpu.memory_space<vmem>>
        %dma_start3A_106 = tpu.memref_squeeze %dma_start3A_105 : memref<1x128xi32, #tpu.memory_space<vmem>> -> memref<128xi32, #tpu.memory_space<vmem>>
        %dma_start3A_107 = arith.constant 0 : i32
        %dma_start3A_108 = arith.constant 0 : i32
        %dma_start3A_109 = tpu.memref_slice %arg3[%dma_start3A_107, %dma_start3A_108] : memref<10016x16xf32, #tpu.memory_space<hbm>> -> memref<10016x16xf32, #tpu.memory_space<hbm>>
        tpu.enqueue_indirect_dma source(%dma_start3A_109 : memref<10016x16xf32, #tpu.memory_space<hbm>>) target(%arg11 : memref<128x16xf32, #tpu.memory_space<vmem>>) offsets(%dma_start3A_106 : memref<128xi32, #tpu.memory_space<vmem>>) semaphore(%arg18 : memref<!tpu.dma_semaphore, #tpu.memory_space<semaphore_mem>>)
      } else {
      }
      %dma_wait3A_77 = arith.constant 0 : i32
      %dma_wait3A_78 = tpu.memref_slice %arg7[%add3A_69, %dma_wait3A_77] : memref<80x128xi32, #tpu.memory_space<vmem>> -> memref<1x128xi32, #tpu.memory_space<vmem>>
      %dma_wait3A_79 = tpu.memref_squeeze %dma_wait3A_78 : memref<1x128xi32, #tpu.memory_space<vmem>> -> memref<128xi32, #tpu.memory_space<vmem>>
      %dma_wait3A_80 = arith.constant 0 : i32
      %dma_wait3A_81 = arith.constant 0 : i32
      %dma_wait3A_82 = tpu.memref_slice %arg2[%dma_wait3A_80, %dma_wait3A_81] : memref<10016x16xf32, #tpu.memory_space<hbm>> -> memref<10016x16xf32, #tpu.memory_space<hbm>>
      tpu.wait_indirect_dma semaphore(%arg17 : memref<!tpu.dma_semaphore, #tpu.memory_space<semaphore_mem>>) src(%dma_wait3A_82 : memref<10016x16xf32, #tpu.memory_space<hbm>>) dst(%arg10 : memref<128x16xf32, #tpu.memory_space<vmem>>)
      %dma_wait3A_83 = arith.constant 0 : i32
      %dma_wait3A_84 = tpu.memref_slice %arg8[%add3A_69, %dma_wait3A_83] : memref<80x128xi32, #tpu.memory_space<vmem>> -> memref<1x128xi32, #tpu.memory_space<vmem>>
      %dma_wait3A_85 = tpu.memref_squeeze %dma_wait3A_84 : memref<1x128xi32, #tpu.memory_space<vmem>> -> memref<128xi32, #tpu.memory_space<vmem>>
      %dma_wait3A_86 = arith.constant 0 : i32
      %dma_wait3A_87 = arith.constant 0 : i32
      %dma_wait3A_88 = tpu.memref_slice %arg3[%dma_wait3A_86, %dma_wait3A_87] : memref<10016x16xf32, #tpu.memory_space<hbm>> -> memref<10016x16xf32, #tpu.memory_space<hbm>>
      tpu.wait_indirect_dma semaphore(%arg19 : memref<!tpu.dma_semaphore, #tpu.memory_space<semaphore_mem>>) src(%dma_wait3A_88 : memref<10016x16xf32, #tpu.memory_space<hbm>>) dst(%arg12 : memref<128x16xf32, #tpu.memory_space<vmem>>)
      %parallel_loop3A_89 = arith.constant 0 : i32
      %parallel_loop3A_90 = arith.constant 128 : i32
      %parallel_loop3A_91 = arith.constant 1 : i32
      scf.for %parallel_loop3A_96 = %parallel_loop3A_89 to %parallel_loop3A_90 step %parallel_loop3A_91  : i32 {
        %parallel_loop3A_97 = arith.index_cast %parallel_loop3A_96 : i32 to index
        %parallel_loop3A_98 = arith.constant 0 : index
        %parallel_loop3A_99 = tpu.vector_load %arg10[%parallel_loop3A_97, %parallel_loop3A_98] {strides = array<i32>} : memref<128x16xf32, #tpu.memory_space<vmem>>, vector<16xf32>,
        %parallel_loop3A_100 = arith.index_cast %parallel_loop3A_96 : i32 to index
        %parallel_loop3A_101 = arith.constant 0 : index
        %parallel_loop3A_102 = tpu.vector_load %arg12[%parallel_loop3A_100, %parallel_loop3A_101] {strides = array<i32>} : memref<128x16xf32, #tpu.memory_space<vmem>>, vector<16xf32>,
        %parallel_loop3A_103 = arith.addf %parallel_loop3A_99, %parallel_loop3A_102 : vector<16xf32>
        %parallel_loop3A_104 = arith.constant 0.000000e+00 : f32
        %parallel_loop3A_105 = vector.broadcast %parallel_loop3A_104 : f32 to vector<16xf32>
        %parallel_loop3A_106 = arith.cmpf ogt, %parallel_loop3A_103, %parallel_loop3A_105 : vector<16xf32>
        %parallel_loop3A_107 = arith.constant 2.000000e-01 : f32
        %parallel_loop3A_108 = vector.broadcast %parallel_loop3A_107 : f32 to vector<16xf32>
        %parallel_loop3A_109 = arith.mulf %parallel_loop3A_108, %parallel_loop3A_103 : vector<16xf32>
        %parallel_loop3A_110 = arith.select %parallel_loop3A_106, %parallel_loop3A_103, %parallel_loop3A_109 : vector<16xi1>, vector<16xf32>
        %parallel_loop3A_111 = math.exp %parallel_loop3A_110 : vector<16xf32>
        %parallel_loop3A_112 = arith.index_cast %parallel_loop3A_96 : i32 to index
        %parallel_loop3A_113 = arith.constant 0 : index
        %parallel_loop3A_114 = tpu.vector_load %arg15[%parallel_loop3A_112, %parallel_loop3A_113] {strides = array<i32>} : memref<128x16xf32, #tpu.memory_space<vmem>>, vector<16xf32>,
        tpu.vector_store %arg15[%parallel_loop3A_112, %parallel_loop3A_113], %parallel_loop3A_111 {strides = array<i32>} : memref<128x16xf32, #tpu.memory_space<vmem>>, vector<16xf32>,
      } {sc.loop_unroll_factor = 4 : i64, sc.parallel_access}
      %parallel_loop3A_92 = arith.constant 0 : i32
      %parallel_loop3A_93 = arith.constant 128 : i32
      %parallel_loop3A_94 = arith.constant 1 : i32
      scf.for %parallel_loop3A_96 = %parallel_loop3A_92 to %parallel_loop3A_93 step %parallel_loop3A_94  : i32 {
        %parallel_loop3A_97 = tpu.iota {dimensions = array<i32: 0>} : vector<16xi32>
        %parallel_loop3A_98 = arith.constant 0 : i32
        %parallel_loop3A_99 = vector.broadcast %parallel_loop3A_98 : i32 to vector<16xi32>
        %parallel_loop3A_100 = arith.muli %parallel_loop3A_97, %parallel_loop3A_99 : vector<16xi32>
        %parallel_loop3A_101 = vector.broadcast %parallel_loop3A_96 : i32 to vector<16xi32>
        %parallel_loop3A_102 = arith.addi %parallel_loop3A_100, %parallel_loop3A_101 : vector<16xi32>
        %parallel_loop3A_103 = arith.constant 0 : i32
        %parallel_loop3A_104 = vector.broadcast %parallel_loop3A_103 : i32 to vector<16xi32>
        %parallel_loop3A_105 = arith.muli %parallel_loop3A_97, %parallel_loop3A_104 : vector<16xi32>
        %parallel_loop3A_106 = arith.constant 8 : i32
        %parallel_loop3A_107 = vector.broadcast %parallel_loop3A_106 : i32 to vector<16xi32>
        %parallel_loop3A_108 = arith.addi %parallel_loop3A_105, %parallel_loop3A_107 : vector<16xi32>
        %parallel_loop3A_109 = tpu.vector_load_idx %arg15[%parallel_loop3A_102, %parallel_loop3A_108] : memref<128x16xf32, #tpu.memory_space<vmem>>[vector<16xi32>, vector<16xi32>], vector<16xf32>,
        %parallel_loop3A_110 = arith.index_cast %parallel_loop3A_96 : i32 to index
        %parallel_loop3A_111 = arith.constant 0 : index
        %parallel_loop3A_112 = tpu.vector_load %arg10[%parallel_loop3A_110, %parallel_loop3A_111] {strides = array<i32>} : memref<128x16xf32, #tpu.memory_space<vmem>>, vector<16xf32>,
        %parallel_loop3A_113 = arith.mulf %parallel_loop3A_109, %parallel_loop3A_112 : vector<16xf32>
        %parallel_loop3A_114 = arith.index_cast %parallel_loop3A_96 : i32 to index
        %parallel_loop3A_115 = arith.constant 0 : index
        %parallel_loop3A_116 = tpu.vector_load %arg14[%parallel_loop3A_114, %parallel_loop3A_115] {strides = array<i32>} : memref<128x16xf32, #tpu.memory_space<vmem>>, vector<16xf32>,
        tpu.vector_store %arg14[%parallel_loop3A_114, %parallel_loop3A_115], %parallel_loop3A_113 {strides = array<i32>} : memref<128x16xf32, #tpu.memory_space<vmem>>, vector<16xf32>,
      } {sc.loop_unroll_factor = 4 : i64, sc.parallel_access}
      "tpu.region"() ({
        %run_scoped3A = tpu.sem_alloc : memref<!tpu.dma_semaphore, #tpu.memory_space<semaphore_mem>>
        %dma_start3A_96 = arith.constant 0 : i32
        %dma_start3A_97 = tpu.memref_slice %arg8[%add3A_69, %dma_start3A_96] : memref<80x128xi32, #tpu.memory_space<vmem>> -> memref<1x128xi32, #tpu.memory_space<vmem>>
        %dma_start3A_98 = tpu.memref_squeeze %dma_start3A_97 : memref<1x128xi32, #tpu.memory_space<vmem>> -> memref<128xi32, #tpu.memory_space<vmem>>
        %dma_start3A_99 = arith.constant 0 : i32
        %dma_start3A_100 = arith.constant 0 : i32
        %dma_start3A_101 = tpu.memref_slice %arg20[%dma_start3A_99, %dma_start3A_100] : memref<10240x16xf32, #tpu.memory_space<vmem_shared>> -> memref<10240x16xf32, #tpu.memory_space<vmem_shared>>
        tpu.enqueue_indirect_dma source(%arg14 : memref<128x16xf32, #tpu.memory_space<vmem>>) target(%dma_start3A_101 : memref<10240x16xf32, #tpu.memory_space<vmem_shared>>) offsets(%dma_start3A_98 : memref<128xi32, #tpu.memory_space<vmem>>) semaphore(%run_scoped3A : memref<!tpu.dma_semaphore, #tpu.memory_space<semaphore_mem>>) {add = true}
        %dma_wait3A_102 = arith.constant 0 : i32
        %dma_wait3A_103 = tpu.memref_slice %arg8[%add3A_69, %dma_wait3A_102] : memref<80x128xi32, #tpu.memory_space<vmem>> -> memref<1x128xi32, #tpu.memory_space<vmem>>
        %dma_wait3A_104 = tpu.memref_squeeze %dma_wait3A_103 : memref<1x128xi32, #tpu.memory_space<vmem>> -> memref<128xi32, #tpu.memory_space<vmem>>
        %dma_wait3A_105 = arith.constant 0 : i32
        %dma_wait3A_106 = arith.constant 0 : i32
        %dma_wait3A_107 = tpu.memref_slice %arg20[%dma_wait3A_105, %dma_wait3A_106] : memref<10240x16xf32, #tpu.memory_space<vmem_shared>> -> memref<10240x16xf32, #tpu.memory_space<vmem_shared>>
        tpu.wait_indirect_dma semaphore(%run_scoped3A : memref<!tpu.dma_semaphore, #tpu.memory_space<semaphore_mem>>) src(%arg14 : memref<128x16xf32, #tpu.memory_space<vmem>>) dst(%dma_wait3A_107 : memref<10240x16xf32, #tpu.memory_space<vmem_shared>>)
        tpu.yield
      }) : () -> ()
      %scan3A_95 = arith.constant 0 : i32
      scf.yield %scan3A_95 : i32
    }
    %scan3A_33 = arith.constant 40 : i32
    %barrier3A_34 = arith.constant 0 : index
    tpu.barrier barrier_id(%barrier3A_34)
    %scan3A_35 = arith.constant 0 : i32
    %scan3A_36 = arith.constant 0 : i32
    %scan3A_37 = arith.constant 5 : i32
    %scan3A_38 = arith.addi %scan3A_36, %scan3A_37 : i32
    %scan3A_39 = arith.constant 1 : i32
    %scan3A_40 = scf.for %scan3A_42 = %scan3A_36 to %scan3A_38 step %scan3A_39 iter_args(%scan3A_43 = %scan3A_35) -> (i32)  : i32 {
      %mul3A_44 = arith.constant 640 : i32
      %mul3A_45 = arith.muli %arg1, %mul3A_44 : i32
      %mul3A_46 = arith.constant 128 : i32
      %mul3A_47 = arith.muli %scan3A_42, %mul3A_46 : i32
      %add3A_48 = arith.addi %mul3A_45, %mul3A_47 : i32
      "tpu.region"() ({
        %run_scoped3A = tpu.sem_alloc : memref<!tpu.dma_semaphore, #tpu.memory_space<semaphore_mem>>
        %dma_start3A_50 = arith.constant 0 : i32
        %dma_start3A_51 = tpu.memref_slice %arg20[%add3A_48, %dma_start3A_50] : memref<10240x16xf32, #tpu.memory_space<vmem_shared>> -> memref<128x16xf32, #tpu.memory_space<vmem_shared>>
        %dma_start3A_52 = arith.constant 0 : i32
        %dma_start3A_53 = tpu.memref_slice %arg20[%add3A_48, %dma_start3A_52] : memref<10240x16xf32, #tpu.memory_space<vmem_shared>> -> memref<128x16xf32, #tpu.memory_space<vmem_shared>>
        tpu.enqueue_dma source(%dma_start3A_53 : memref<128x16xf32, #tpu.memory_space<vmem_shared>>) target(%arg13 : memref<128x16xf32, #tpu.memory_space<vmem>>) target_semaphore(%run_scoped3A : memref<!tpu.dma_semaphore, #tpu.memory_space<semaphore_mem>>)
        %dma_wait3A = arith.constant 0 : i32
        %dma_wait3A_54 = tpu.memref_slice %arg20[%add3A_48, %dma_wait3A] : memref<10240x16xf32, #tpu.memory_space<vmem_shared>> -> memref<128x16xf32, #tpu.memory_space<vmem_shared>>
        %dma_wait3A_55 = arith.constant 0 : i32
        %dma_wait3A_56 = tpu.memref_slice %arg20[%add3A_48, %dma_wait3A_55] : memref<10240x16xf32, #tpu.memory_space<vmem_shared>> -> memref<128x16xf32, #tpu.memory_space<vmem_shared>>
        tpu.wait_dma2 semaphore(%run_scoped3A : memref<!tpu.dma_semaphore, #tpu.memory_space<semaphore_mem>>) src(%dma_wait3A_56 : memref<128x16xf32, #tpu.memory_space<vmem_shared>>) dst(%arg13 : memref<128x16xf32, #tpu.memory_space<vmem>>)
        tpu.yield
      }) : () -> ()
      "tpu.region"() ({
        %run_scoped3A = tpu.sem_alloc : memref<!tpu.dma_semaphore, #tpu.memory_space<semaphore_mem>>
        %dma_start3A_50 = arith.constant 0 : i32
        %dma_start3A_51 = tpu.memref_slice %arg6[%arg0, %add3A_48, %dma_start3A_50] : memref<2x10240x16xf32, #tpu.memory_space<hbm>> -> memref<1x128x16xf32, #tpu.memory_space<hbm>>
        %dma_start3A_52 = tpu.memref_squeeze %dma_start3A_51 : memref<1x128x16xf32, #tpu.memory_space<hbm>> -> memref<128x16xf32, #tpu.memory_space<hbm>>
        %dma_start3A_53 = arith.constant 0 : i32
        %dma_start3A_54 = tpu.memref_slice %arg6[%arg0, %add3A_48, %dma_start3A_53] : memref<2x10240x16xf32, #tpu.memory_space<hbm>> -> memref<1x128x16xf32, #tpu.memory_space<hbm>>
        %dma_start3A_55 = tpu.memref_squeeze %dma_start3A_54 : memref<1x128x16xf32, #tpu.memory_space<hbm>> -> memref<128x16xf32, #tpu.memory_space<hbm>>
        tpu.enqueue_dma source(%arg13 : memref<128x16xf32, #tpu.memory_space<vmem>>) target(%dma_start3A_55 : memref<128x16xf32, #tpu.memory_space<hbm>>) target_semaphore(%run_scoped3A : memref<!tpu.dma_semaphore, #tpu.memory_space<semaphore_mem>>)
        %dma_wait3A = arith.constant 0 : i32
        %dma_wait3A_56 = tpu.memref_slice %arg6[%arg0, %add3A_48, %dma_wait3A] : memref<2x10240x16xf32, #tpu.memory_space<hbm>> -> memref<1x128x16xf32, #tpu.memory_space<hbm>>
        %dma_wait3A_57 = tpu.memref_squeeze %dma_wait3A_56 : memref<1x128x16xf32, #tpu.memory_space<hbm>> -> memref<128x16xf32, #tpu.memory_space<hbm>>
        %dma_wait3A_58 = arith.constant 0 : i32
        %dma_wait3A_59 = tpu.memref_slice %arg6[%arg0, %add3A_48, %dma_wait3A_58] : memref<2x10240x16xf32, #tpu.memory_space<hbm>> -> memref<1x128x16xf32, #tpu.memory_space<hbm>>
        %dma_wait3A_60 = tpu.memref_squeeze %dma_wait3A_59 : memref<1x128x16xf32, #tpu.memory_space<hbm>> -> memref<128x16xf32, #tpu.memory_space<hbm>>
        tpu.wait_dma2 semaphore(%run_scoped3A : memref<!tpu.dma_semaphore, #tpu.memory_space<semaphore_mem>>) src(%arg13 : memref<128x16xf32, #tpu.memory_space<vmem>>) dst(%dma_wait3A_60 : memref<128x16xf32, #tpu.memory_space<hbm>>)
        tpu.yield
      }) : () -> ()
      %scan3A_49 = arith.constant 0 : i32
      scf.yield %scan3A_49 : i32
    }
    %scan3A_41 = arith.constant 5 : i32
    return
  }
}

module attributes {stable_mosaic.version = 14 : i64} {
  func.func @_stage_a_body(%arg0: memref<10000x128xf32, #tpu.memory_space<vmem>>, %arg1: memref<128x96xf32, #tpu.memory_space<vmem>>, %arg2: memref<10000x96xf32, #tpu.memory_space<vmem>>) attributes {dimension_semantics = [], scalar_prefetch = 0 : i64, scratch_operands = 0 : i64, tpu.core_type = #tpu.core_type<tc>} {
    %get3A = arith.constant 0 : index
    %get3A_0 = arith.constant 0 : index
    %get3A_1 = vector.load %arg0[%get3A, %get3A_0] : memref<10000x128xf32, #tpu.memory_space<vmem>>, vector<10000x128xf32>
    %get3A_2 = arith.constant 0 : index
    %get3A_3 = arith.constant 0 : index
    %get3A_4 = vector.load %arg1[%get3A_2, %get3A_3] : memref<128x96xf32, #tpu.memory_space<vmem>>, vector<128x96xf32>
    %dot_general3A = arith.constant dense<0.000000e+00> : vector<10000x96xf32>
    %dot_general3A_5 = tpu.matmul %get3A_1, %get3A_4, %dot_general3A {dimension_numbers = #tpu.dot_dimension_numbers<[1], [0], [0], [1], [0, 0, 1, 1], [], []>, transpose_lhs_hint = false} : vector<10000x128xf32>, vector<128x96xf32>, vector<10000x96xf32> -> vector<10000x96xf32>
    %swap3A = arith.constant 0 : index
    %swap3A_6 = arith.constant 0 : index
    %swap3A_7 = vector.load %arg2[%swap3A, %swap3A_6] : memref<10000x96xf32, #tpu.memory_space<vmem>>, vector<10000x96xf32>
    tpu.vector_store %arg2[%swap3A, %swap3A_6], %dot_general3A_5 {strides = array<i32>} : memref<10000x96xf32, #tpu.memory_space<vmem>>, vector<10000x96xf32>,
    return
  }
}

module attributes {stable_mosaic.version = 14 : i64} {
  func.func @_stage_c_body(%arg0: i32, %arg1: memref<2000x80xf32, #tpu.memory_space<vmem>>, %arg2: memref<2000x80xf32, #tpu.memory_space<vmem>>, %arg3: memref<2000x80xf32, #tpu.memory_space<vmem>>, %arg4: memref<2000x16xf32, #tpu.memory_space<vmem>>, %arg5: memref<64x32xf32, #tpu.memory_space<vmem>>, %arg6: memref<1x64xf32, #tpu.memory_space<vmem>>, %arg7: memref<2000x32xf32, #tpu.memory_space<vmem>>) attributes {dimension_semantics = [#tpu.dimension_semantics<arbitrary>], iteration_bounds = array<i64: 5>, scalar_prefetch = 0 : i64, scratch_operands = 0 : i64, tpu.core_type = #tpu.core_type<tc>, window_params = [{transform_indices = @transform_0, window_bounds = array<i64: 2000, 80>}, {transform_indices = @transform_1, window_bounds = array<i64: 2000, 80>}, {transform_indices = @transform_2, window_bounds = array<i64: 2000, 80>}, {transform_indices = @transform_3, window_bounds = array<i64: 2000, 16>}, {pipeline_mode = #tpu.pipeline_mode<synchronous>, transform_indices = @transform_4, window_bounds = array<i64: 64, 32>}, {pipeline_mode = #tpu.pipeline_mode<synchronous>, transform_indices = @transform_5, window_bounds = array<i64: 1, 64>}, {transform_indices = @transform_6, window_bounds = array<i64: 2000, 32>}]} {
    %get3A = arith.constant 0 : index
    %get3A_0 = arith.constant 0 : index
    %get3A_1 = vector.load %arg1[%get3A, %get3A_0] : memref<2000x80xf32, #tpu.memory_space<vmem>>, vector<2000x80xf32>
    %get3A_2 = arith.constant 0 : index
    %get3A_3 = arith.constant 0 : index
    %get3A_4 = vector.load %arg2[%get3A_2, %get3A_3] : memref<2000x80xf32, #tpu.memory_space<vmem>>, vector<2000x80xf32>
    %add3A = arith.addf %get3A_1, %get3A_4 : vector<2000x80xf32>
    %get3A_5 = arith.constant 0 : index
    %get3A_6 = arith.constant 0 : index
    %get3A_7 = vector.load %arg3[%get3A_5, %get3A_6] : memref<2000x80xf32, #tpu.memory_space<vmem>>, vector<2000x64xf32>
    %get3A_8 = arith.constant 0 : index
    %get3A_9 = arith.constant 64 : index
    %get3A_10 = vector.load %arg3[%get3A_8, %get3A_9] : memref<2000x80xf32, #tpu.memory_space<vmem>>, vector<2000x8xf32>
    %get3A_11 = arith.constant 0 : index
    %get3A_12 = arith.constant 0 : index
    %get3A_13 = vector.load %arg4[%get3A_11, %get3A_12] : memref<2000x16xf32, #tpu.memory_space<vmem>>, vector<2000x8xf32>
    %add3A_14 = arith.addf %get3A_10, %get3A_13 : vector<2000x8xf32>
    %gt3A = arith.constant 0.000000e+00 : f32
    %gt3A_15 = vector.broadcast %gt3A : f32 to vector<2000x8xf32>
    %gt3A_16 = arith.cmpf ogt, %add3A_14, %gt3A_15 : vector<2000x8xf32>
    %mul3A = arith.constant 2.000000e-01 : f32
    %mul3A_17 = vector.broadcast %mul3A : f32 to vector<2000x8xf32>
    %mul3A_18 = arith.mulf %mul3A_17, %add3A_14 : vector<2000x8xf32>
    %select_n3A = arith.select %gt3A_16, %add3A_14, %mul3A_18 : vector<2000x8xi1>, vector<2000x8xf32>
    %exp3A = math.exp %select_n3A : vector<2000x8xf32>
    %iota3A = tpu.iota {dimensions = array<i32: 0>} : vector<8x64xi32>
    %iota3A_19 = tpu.iota {dimensions = array<i32: 1>} : vector<8x64xi32>
    %jit3A = arith.constant 8 : i32
    %div3A = vector.broadcast %jit3A : i32 to vector<8x64xi32>
    %div3A_20 = arith.divsi %iota3A_19, %div3A : vector<8x64xi32>
    %sign3A = arith.constant 0 : i32
    %sign3A_21 = vector.broadcast %sign3A : i32 to vector<8x64xi32>
    %sign3A_22 = arith.cmpi sgt, %iota3A_19, %sign3A_21 : vector<8x64xi32>
    %sign3A_23 = arith.extui %sign3A_22 : vector<8x64xi1> to vector<8x64xi32>
    %sign3A_24 = arith.constant 0 : i32
    %sign3A_25 = vector.broadcast %sign3A_24 : i32 to vector<8x64xi32>
    %sign3A_26 = arith.cmpi slt, %iota3A_19, %sign3A_25 : vector<8x64xi32>
    %sign3A_27 = arith.extui %sign3A_26 : vector<8x64xi1> to vector<8x64xi32>
    %sign3A_28 = arith.subi %sign3A_23, %sign3A_27 : vector<8x64xi32>
    %sign3A_29 = arith.constant 0 : i32
    %sign3A_30 = arith.cmpi sgt, %jit3A, %sign3A_29 : i32
    %sign3A_31 = arith.extui %sign3A_30 : i1 to i32
    %sign3A_32 = arith.constant 0 : i32
    %sign3A_33 = arith.cmpi slt, %jit3A, %sign3A_32 : i32
    %sign3A_34 = arith.extui %sign3A_33 : i1 to i32
    %sign3A_35 = arith.subi %sign3A_31, %sign3A_34 : i32
    %ne3A = vector.broadcast %sign3A_35 : i32 to vector<8x64xi32>
    %ne3A_36 = arith.cmpi ne, %sign3A_28, %ne3A : vector<8x64xi32>
    %rem3A = vector.broadcast %jit3A : i32 to vector<8x64xi32>
    %rem3A_37 = arith.remsi %iota3A_19, %rem3A : vector<8x64xi32>
    %ne3A_38 = arith.constant 0 : i32
    %ne3A_39 = vector.broadcast %ne3A_38 : i32 to vector<8x64xi32>
    %ne3A_40 = arith.cmpi ne, %rem3A_37, %ne3A_39 : vector<8x64xi32>
    %and3A = arith.andi %ne3A_36, %ne3A_40 : vector<8x64xi1>
    %sub3A = arith.constant 1 : i32
    %sub3A_41 = vector.broadcast %sub3A : i32 to vector<8x64xi32>
    %sub3A_42 = arith.subi %div3A_20, %sub3A_41 : vector<8x64xi32>
    %select_n3A_43 = arith.select %and3A, %sub3A_42, %div3A_20 : vector<8x64xi1>, vector<8x64xi32>
    %eq3A = arith.cmpi eq, %iota3A, %select_n3A_43 : vector<8x64xi32>
    %convert_element_type3A = arith.extui %eq3A : vector<8x64xi1> to vector<8x64xi32>
    %convert_element_type3A_44 = arith.sitofp %convert_element_type3A : vector<8x64xi32> to vector<8x64xf32>
    %dot_general3A = arith.constant dense<0.000000e+00> : vector<2000x64xf32>
    %dot_general3A_45 = tpu.matmul %exp3A, %convert_element_type3A_44, %dot_general3A {dimension_numbers = #tpu.dot_dimension_numbers<[1], [0], [0], [1], [0, 0, 1, 1], [], []>, transpose_lhs_hint = false} : vector<2000x8xf32>, vector<8x64xf32>, vector<2000x64xf32> -> vector<2000x64xf32>
    %slice3A = vector.extract_strided_slice %add3A {offsets = [0, 64], sizes = [2000, 8], strides = [1, 1]} : vector<2000x80xf32> to vector<2000x8xf32>
    %add3A_46 = arith.addf %slice3A, %exp3A : vector<2000x8xf32>
    %dot_general3A_47 = arith.constant dense<0.000000e+00> : vector<2000x64xf32>
    %dot_general3A_48 = tpu.matmul %add3A_46, %convert_element_type3A_44, %dot_general3A_47 {dimension_numbers = #tpu.dot_dimension_numbers<[1], [0], [0], [1], [0, 0, 1, 1], [], []>, transpose_lhs_hint = false} : vector<2000x8xf32>, vector<8x64xf32>, vector<2000x64xf32> -> vector<2000x64xf32>
    %slice3A_49 = vector.extract_strided_slice %add3A {offsets = [0, 0], sizes = [2000, 64], strides = [1, 1]} : vector<2000x80xf32> to vector<2000x64xf32>
    %mul3A_50 = arith.mulf %get3A_7, %dot_general3A_45 : vector<2000x64xf32>
    %add3A_51 = arith.addf %slice3A_49, %mul3A_50 : vector<2000x64xf32>
    %add3A_52 = arith.constant 1.000000e-16 : f32
    %add3A_53 = vector.broadcast %add3A_52 : f32 to vector<2000x64xf32>
    %add3A_54 = arith.addf %dot_general3A_48, %add3A_53 : vector<2000x64xf32>
    %div3A_55 = arith.divf %add3A_51, %add3A_54 : vector<2000x64xf32>
    %get3A_56 = arith.constant 0 : index
    %get3A_57 = arith.constant 0 : index
    %get3A_58 = vector.load %arg6[%get3A_56, %get3A_57] : memref<1x64xf32, #tpu.memory_space<vmem>>, vector<1x64xf32>
    %add3A_59 = vector.broadcast %get3A_58 : vector<1x64xf32> to vector<2000x64xf32>
    %add3A_60 = arith.addf %div3A_55, %add3A_59 : vector<2000x64xf32>
    %gt3A_61 = arith.constant 0.000000e+00 : f32
    %gt3A_62 = vector.broadcast %gt3A_61 : f32 to vector<2000x64xf32>
    %gt3A_63 = arith.cmpf ogt, %add3A_60, %gt3A_62 : vector<2000x64xf32>
    %min3A = arith.constant 0.000000e+00 : f32
    %min3A_64 = vector.broadcast %min3A : f32 to vector<2000x64xf32>
    %min3A_65 = arith.minimumf %add3A_60, %min3A_64 : vector<2000x64xf32>
    %exp3A_66 = math.exp %min3A_65 : vector<2000x64xf32>
    %sub3A_67 = arith.constant 1.000000e+00 : f32
    %sub3A_68 = vector.broadcast %sub3A_67 : f32 to vector<2000x64xf32>
    %sub3A_69 = arith.subf %exp3A_66, %sub3A_68 : vector<2000x64xf32>
    %select_n3A_70 = arith.select %gt3A_63, %add3A_60, %sub3A_69 : vector<2000x64xi1>, vector<2000x64xf32>
    %get3A_71 = arith.constant 0 : index
    %get3A_72 = arith.constant 0 : index
    %get3A_73 = vector.load %arg5[%get3A_71, %get3A_72] : memref<64x32xf32, #tpu.memory_space<vmem>>, vector<64x32xf32>
    %dot_general3A_74 = arith.constant dense<0.000000e+00> : vector<2000x32xf32>
    %dot_general3A_75 = tpu.matmul %select_n3A_70, %get3A_73, %dot_general3A_74 {dimension_numbers = #tpu.dot_dimension_numbers<[1], [0], [0], [1], [0, 0, 1, 1], [], []>, transpose_lhs_hint = false} : vector<2000x64xf32>, vector<64x32xf32>, vector<2000x32xf32> -> vector<2000x32xf32>
    %iota3A_76 = tpu.iota {dimensions = array<i32: 1>} : vector<2000x32xi32>
    %eq3A_77 = arith.constant 7 : i32
    %eq3A_78 = vector.broadcast %eq3A_77 : i32 to vector<2000x32xi32>
    %eq3A_79 = arith.cmpi eq, %iota3A_76, %eq3A_78 : vector<2000x32xi32>
    %convert_element_type3A_80 = arith.extui %eq3A_79 : vector<2000x32xi1> to vector<2000x32xi32>
    %convert_element_type3A_81 = arith.sitofp %convert_element_type3A_80 : vector<2000x32xi32> to vector<2000x32xf32>
    %add3A_82 = arith.addf %dot_general3A_75, %convert_element_type3A_81 : vector<2000x32xf32>
    %swap3A = arith.constant 0 : index
    %swap3A_83 = arith.constant 0 : index
    %swap3A_84 = vector.load %arg7[%swap3A, %swap3A_83] : memref<2000x32xf32, #tpu.memory_space<vmem>>, vector<2000x32xf32>
    tpu.vector_store %arg7[%swap3A, %swap3A_83], %add3A_82 {strides = array<i32>} : memref<2000x32xf32, #tpu.memory_space<vmem>>, vector<2000x32xf32>,
    return
  }
  func.func @transform_0(%arg0: i32) -> (i32, i32) {
    %c0_i32 = arith.constant 0 : i32
    %c0_i32_0 = arith.constant 0 : i32
    return %arg0, %c0_i32 : i32, i32
  }
  func.func @transform_1(%arg0: i32) -> (i32, i32) {
    %c0_i32 = arith.constant 0 : i32
    %c0_i32_0 = arith.constant 0 : i32
    return %arg0, %c0_i32 : i32, i32
  }
  func.func @transform_2(%arg0: i32) -> (i32, i32) {
    %c0_i32 = arith.constant 0 : i32
    %c0_i32_0 = arith.constant 0 : i32
    return %arg0, %c0_i32 : i32, i32
  }
  func.func @transform_3(%arg0: i32) -> (i32, i32) {
    %c0_i32 = arith.constant 0 : i32
    %c0_i32_0 = arith.constant 0 : i32
    return %arg0, %c0_i32 : i32, i32
  }
  func.func @transform_4(%arg0: i32) -> (i32, i32) {
    %c0_i32 = arith.constant 0 : i32
    %c0_i32_0 = arith.constant 0 : i32
    %c0_i32_1 = arith.constant 0 : i32
    return %c0_i32, %c0_i32_0 : i32, i32
  }
  func.func @transform_5(%arg0: i32) -> (i32, i32) {
    %c0_i32 = arith.constant 0 : i32
    %c0_i32_0 = arith.constant 0 : i32
    %c0_i32_1 = arith.constant 0 : i32
    return %c0_i32, %c0_i32_0 : i32, i32
  }
  func.func @transform_6(%arg0: i32) -> (i32, i32) {
    %c0_i32 = arith.constant 0 : i32
    %c0_i32_0 = arith.constant 0 : i32
    return %arg0, %c0_i32 : i32, i32
  }
}

module attributes {stable_mosaic.version = 14 : i64} {
  func.func @_stage_e_body(%arg0: i32, %arg1: memref<2000x16xf32, #tpu.memory_space<vmem>>, %arg2: memref<2000x16xf32, #tpu.memory_space<vmem>>, %arg3: memref<2000x16xf32, #tpu.memory_space<vmem>>, %arg4: memref<2000x16xf32, #tpu.memory_space<vmem>>, %arg5: memref<1x7xf32, #tpu.memory_space<vmem>>, %arg6: memref<2000x7xf32, #tpu.memory_space<vmem>>) attributes {dimension_semantics = [#tpu.dimension_semantics<arbitrary>], iteration_bounds = array<i64: 5>, scalar_prefetch = 0 : i64, scratch_operands = 0 : i64, tpu.core_type = #tpu.core_type<tc>, window_params = [{transform_indices = @transform_0, window_bounds = array<i64: 2000, 16>}, {transform_indices = @transform_1, window_bounds = array<i64: 2000, 16>}, {transform_indices = @transform_2, window_bounds = array<i64: 2000, 16>}, {transform_indices = @transform_3, window_bounds = array<i64: 2000, 16>}, {pipeline_mode = #tpu.pipeline_mode<synchronous>, transform_indices = @transform_4, window_bounds = array<i64: 1, 7>}, {transform_indices = @transform_5, window_bounds = array<i64: 2000, 7>}]} {
    %get3A = arith.constant 0 : index
    %get3A_0 = arith.constant 0 : index
    %get3A_1 = vector.load %arg1[%get3A, %get3A_0] : memref<2000x16xf32, #tpu.memory_space<vmem>>, vector<2000x16xf32>
    %get3A_2 = arith.constant 0 : index
    %get3A_3 = arith.constant 0 : index
    %get3A_4 = vector.load %arg2[%get3A_2, %get3A_3] : memref<2000x16xf32, #tpu.memory_space<vmem>>, vector<2000x16xf32>
    %add3A = arith.addf %get3A_1, %get3A_4 : vector<2000x16xf32>
    %get3A_5 = arith.constant 0 : index
    %get3A_6 = arith.constant 0 : index
    %get3A_7 = vector.load %arg3[%get3A_5, %get3A_6] : memref<2000x16xf32, #tpu.memory_space<vmem>>, vector<2000x7xf32>
    %get3A_8 = arith.constant 0 : index
    %get3A_9 = arith.constant 8 : index
    %get3A_10 = vector.load %arg3[%get3A_8, %get3A_9] : memref<2000x16xf32, #tpu.memory_space<vmem>>, vector<2000x1xf32>
    %get3A_11 = arith.constant 0 : index
    %get3A_12 = arith.constant 0 : index
    %get3A_13 = vector.load %arg4[%get3A_11, %get3A_12] : memref<2000x16xf32, #tpu.memory_space<vmem>>, vector<2000x1xf32>
    %add3A_14 = arith.addf %get3A_10, %get3A_13 : vector<2000x1xf32>
    %gt3A = arith.constant 0.000000e+00 : f32
    %gt3A_15 = vector.broadcast %gt3A : f32 to vector<2000x1xf32>
    %gt3A_16 = arith.cmpf ogt, %add3A_14, %gt3A_15 : vector<2000x1xf32>
    %mul3A = arith.constant 2.000000e-01 : f32
    %mul3A_17 = vector.broadcast %mul3A : f32 to vector<2000x1xf32>
    %mul3A_18 = arith.mulf %mul3A_17, %add3A_14 : vector<2000x1xf32>
    %select_n3A = arith.select %gt3A_16, %add3A_14, %mul3A_18 : vector<2000x1xi1>, vector<2000x1xf32>
    %exp3A = math.exp %select_n3A : vector<2000x1xf32>
    %slice3A = vector.extract_strided_slice %add3A {offsets = [0, 0], sizes = [2000, 7], strides = [1, 1]} : vector<2000x16xf32> to vector<2000x7xf32>
    %mul3A_19 = vector.broadcast %exp3A : vector<2000x1xf32> to vector<2000x7xf32>
    %mul3A_20 = arith.mulf %mul3A_19, %get3A_7 : vector<2000x7xf32>
    %add3A_21 = arith.addf %slice3A, %mul3A_20 : vector<2000x7xf32>
    %slice3A_22 = vector.extract_strided_slice %add3A {offsets = [0, 7], sizes = [2000, 1], strides = [1, 1]} : vector<2000x16xf32> to vector<2000x1xf32>
    %add3A_23 = arith.addf %slice3A_22, %exp3A : vector<2000x1xf32>
    %add3A_24 = arith.constant 1.000000e-16 : f32
    %add3A_25 = vector.broadcast %add3A_24 : f32 to vector<2000x1xf32>
    %add3A_26 = arith.addf %add3A_23, %add3A_25 : vector<2000x1xf32>
    %div3A = vector.broadcast %add3A_26 : vector<2000x1xf32> to vector<2000x7xf32>
    %div3A_27 = arith.divf %add3A_21, %div3A : vector<2000x7xf32>
    %get3A_28 = arith.constant 0 : index
    %get3A_29 = arith.constant 0 : index
    %get3A_30 = vector.load %arg5[%get3A_28, %get3A_29] : memref<1x7xf32, #tpu.memory_space<vmem>>, vector<1x7xf32>
    %add3A_31 = vector.broadcast %get3A_30 : vector<1x7xf32> to vector<2000x7xf32>
    %add3A_32 = arith.addf %div3A_27, %add3A_31 : vector<2000x7xf32>
    %reduce_max3A = arith.constant dense<0xFF800000> : vector<2000xf32>
    %reduce_max3A_33 = vector.multi_reduction <maximumf>, %add3A_32, %reduce_max3A [1] : vector<2000x7xf32> to vector<2000xf32>
    %broadcast_in_dim3A = vector.shape_cast %reduce_max3A_33 : vector<2000xf32> to vector<2000x1xf32>
    %sub3A = vector.broadcast %broadcast_in_dim3A : vector<2000x1xf32> to vector<2000x7xf32>
    %sub3A_34 = arith.subf %add3A_32, %sub3A : vector<2000x7xf32>
    %exp3A_35 = math.exp %sub3A_34 : vector<2000x7xf32>
    %reduce_sum3A = arith.constant dense<0.000000e+00> : vector<2000xf32>
    %reduce_sum3A_36 = vector.multi_reduction <add>, %exp3A_35, %reduce_sum3A [1] : vector<2000x7xf32> to vector<2000xf32>
    %broadcast_in_dim3A_37 = vector.shape_cast %reduce_sum3A_36 : vector<2000xf32> to vector<2000x1xf32>
    %log3A = math.log %broadcast_in_dim3A_37 : vector<2000x1xf32>
    %sub3A_38 = vector.broadcast %log3A : vector<2000x1xf32> to vector<2000x7xf32>
    %sub3A_39 = arith.subf %sub3A_34, %sub3A_38 : vector<2000x7xf32>
    %swap3A = arith.constant 0 : index
    %swap3A_40 = arith.constant 0 : index
    %swap3A_41 = vector.load %arg6[%swap3A, %swap3A_40] : memref<2000x7xf32, #tpu.memory_space<vmem>>, vector<2000x7xf32>
    tpu.vector_store %arg6[%swap3A, %swap3A_40], %sub3A_39 {strides = array<i32>} : memref<2000x7xf32, #tpu.memory_space<vmem>>, vector<2000x7xf32>,
    return
  }
  func.func @transform_0(%arg0: i32) -> (i32, i32) {
    %c0_i32 = arith.constant 0 : i32
    %c0_i32_0 = arith.constant 0 : i32
    return %arg0, %c0_i32 : i32, i32
  }
  func.func @transform_1(%arg0: i32) -> (i32, i32) {
    %c0_i32 = arith.constant 0 : i32
    %c0_i32_0 = arith.constant 0 : i32
    return %arg0, %c0_i32 : i32, i32
  }
  func.func @transform_2(%arg0: i32) -> (i32, i32) {
    %c0_i32 = arith.constant 0 : i32
    %c0_i32_0 = arith.constant 0 : i32
    return %arg0, %c0_i32 : i32, i32
  }
  func.func @transform_3(%arg0: i32) -> (i32, i32) {
    %c0_i32 = arith.constant 0 : i32
    %c0_i32_0 = arith.constant 0 : i32
    return %arg0, %c0_i32 : i32, i32
  }
  func.func @transform_4(%arg0: i32) -> (i32, i32) {
    %c0_i32 = arith.constant 0 : i32
    %c0_i32_0 = arith.constant 0 : i32
    %c0_i32_1 = arith.constant 0 : i32
    return %c0_i32, %c0_i32_0 : i32, i32
  }
  func.func @transform_5(%arg0: i32) -> (i32, i32) {
    %c0_i32 = arith.constant 0 : i32
    %c0_i32_0 = arith.constant 0 : i32
    return %arg0, %c0_i32 : i32, i32
  }
}

</mosaic_0001>

<sc_bundles>
// kernel: kernel.10.cloned.1.call-start
scs
__scs_entry_jumppad:
0x0: {  	(pc) =	sbr.rel $0x88, $3  }
0x1: {  	(tag) =	ssettag $0x0;
	lr =	simm.s32 $0x1  }
0x2: {  	[smem:$0x3F97] =	sst lr;
	_ =	strace $0xD0000000  }
0x3: {  	_ = 	snop  }
0x4: {  	_ = 	snop  }
0x5: {  	_ = 	snop  }
0x6: {  	_ = 	snop  }
0x7: {  	_ = 	snop  }
__scs_overlays_trampoline_lowered:
0x8: {  	[smem:$0x3FA6] =	sst s0  }
0x9: {  	[smem:$0x3FA7] =	sst s1  }
0xa: {  	[smem:$0x3FA8] =	sst s2  }
0xb: {  	[smem:$0x3FA9] =	sst s3  }
0xc: {  	[smem:$0x3FAA] =	sst s4  }
0xd: {  	[smem:$0x3FAB] =	sst s5  }
0xe: {  	[smem:$0x3FAC] =	sst s6  }
0xf: {  	[smem:$0x3FAD] =	sst s7  }
0x10: {  	[smem:$0x3FAE] =	sst s8  }
0x11: {  	[smem:$0x3FAF] =	sst s9;
	s0 =	simm.s32 @!p0 $0x0  }
0x12: {  	s1 =	sld [smem:$0x3F95];
	s0 =	simm.s32 @p0 $0x1  }
0x13: {  	[smem:$0x3FB0] =	sst s0;
	s0 =	simm.s32 @!p1 $0x0  }
0x14: {  	s2 =	sld [smem:$0x3F94];
	s0 =	simm.s32 @p1 $0x1  }
0x15: {  	[smem:$0x3FB1] =	sst s0;
	s0 =	simm.s32 @!p2 $0x0  }
0x16: {  	s3 =	sld [smem:$0x3FDB];
	s0 =	simm.s32 @p2 $0x1  }
0x17: {  	s4 =	simm.s32 $0x1BF5;
	[smem:$0x3FB3] =	sst s0  }
0x18: {  	s0 =	sld [smem:$0x3F96];
	_ =	swait.ge [sflag:s4], $0x0  }
0x19: {  	s7 =	sld [smem:$0x3F97]  }
0x1a: {  	s8 =	sadd.s32 $0xFFFFE003, lr  }
0x1b: {  	s9 =	sadd.s32 $0xFFFFFEF7, lr;
	s5 =	simm.s32 $0xFFFFFFFF;
	p2 =	slt.u32 s8, $0xFFFFF086  }
0x1c: {  	p1 =	slt.u32 s9, $0xF7A;
	s5 =	simm.s32 @!p2 $0x0  }
0x1d: {  	s5 =	simm.s32 @p1 $0x1;
	p0 =	seq.s32 s7, s2  }
0x1e: {  	s7 =	smul.u32 @!p0 $0xF7A, s2;
	p2 =	seq.s32 @!p0 s5, $0x0  }
0x1f: {  	s9 =	smul.u32 $0xF7A, s1;
	s8 =	simm.s32 @!p0 $0x1BF5;
	p2 =	por !p2, p0  }
0x20: {  	[sflag:s8] =	ssyncset.s32 @!p0 $0xFFFFF086;
	s6 =	sadd.s32 @!p0 s3, s7;
	s7 =	simm.s32 @!p0 $0x108  }
0x21: {  	s3 =	sadd.s32 s3, s9;
	s6 =	sadd.s32 @!p0 $0x88, s6;
	s7 =	simm.s32 @p2 $0x1082  }
0x22: {  	[simem:s7], [sflag:s8] =	dma.local @!p0 [hbm:s6], $0xF7A  }
0x23: {  	s9 =	sor.u32 $0xD0000000, s2;
	s6 =	simm.s32 $0x108;
	_ =	swait.ge @!p0 [sflag:s8], $0x0  }
0x24: {  	s3 =	sadd.s32 $0x88, s3;
	s6 =	simm.s32 @!p1 $0x1082;
	[sflag:s4] =	ssyncset.s32 $0xFFFFF086  }
0x25: {  	[simem:s6], [sflag:s4] =	dma.local [hbm:s3], $0xF7A  }
0x26: {  	[smem:$0x3F97] =	sst s1;
	(tag) =	ssettag s2;
	_ =	strace s9  }
0x27: {  	s1 =	sld [smem:$0x3FA7]  }
0x28: {  	s2 =	sld [smem:$0x3FA8]  }
0x29: {  	s4 =	sld [smem:$0x3FAA]  }
0x2a: {  	p0 =	seq.s32 s5, $0x0;
	s5 =	sld [smem:$0x3FAB]  }
0x2b: {  	s6 =	sld [smem:$0x3FAC]  }
0x2c: {  	s7 =	sld [smem:$0x3FAD]  }
0x2d: {  	s3 =	simm.s32 $0x108;
	s8 =	sld [smem:$0x3FAE]  }
0x2e: {  	s3 =	simm.s32 @!p0 $0x1082;
	s9 =	sld [smem:$0x3FAF]  }
0x2f: {  	lr =	sadd.s32 s0, s3;
	s0 =	sld [smem:$0x3FA6]  }
0x30: {  	s3 =	sld [smem:$0x3FA9]  }
0x31: {  	[smem:$0x3FB2] =	sst s10  }
0x32: {  	s10 =	sld [smem:$0x3FB0];
	_ =	sdelay $0x3  }
0x33: {  	p0 =	seq.s32 s10, $0x1;
	s10 =	sld [smem:$0x3FB2];
	_ =	sdelay $0x3  }
0x34: {  	[smem:$0x3FB2] =	sst s10  }
0x35: {  	s10 =	sld [smem:$0x3FB1];
	_ =	sdelay $0x3  }
0x36: {  	p1 =	seq.s32 s10, $0x1;
	s10 =	sld [smem:$0x3FB2];
	_ =	sdelay $0x3  }
0x37: {  	[smem:$0x3FB2] =	sst s10  }
0x38: {  	s10 =	sld [smem:$0x3FB3]  }
0x39: {  	_ = 	snop;
	(pc) =	sbr.ind lr, $3  }
0x3a: {  	_ = 	snop  }
0x3b: {  	_ = 	snop  }
0x3c: {  	p2 =	seq.s32 s10, $0x1;
	s10 =	sld [smem:$0x3FB2]  }
0x3d: {  	_ =	shalt  }
0x3e: {  	_ =	shalt  }
0x3f: {  	_ =	shalt  }
0x40: {  	_ =	shalt  }
0x41: {  	_ =	shalt  }
0x42: {  	_ =	shalt  }
0x43: {  	_ =	shalt  }
0x44: {  	_ =	shalt  }
0x45: {  	_ =	shalt  }
0x46: {  	_ =	shalt  }
0x47: {  	_ =	shalt  }
0x48: {  	_ =	shalt  }
0x49: {  	_ =	shalt  }
0x4a: {  	_ =	shalt  }
0x4b: {  	_ =	shalt  }
0x4c: {  	_ =	shalt  }
0x4d: {  	_ =	shalt  }
0x4e: {  	_ =	shalt  }
0x4f: {  	_ =	shalt  }
0x50: {  	_ =	shalt  }
0x51: {  	_ =	shalt  }
0x52: {  	_ =	shalt  }
0x53: {  	_ =	shalt  }
0x54: {  	_ =	shalt  }
0x55: {  	_ =	shalt  }
0x56: {  	_ =	shalt  }
0x57: {  	_ =	shalt  }
0x58: {  	_ =	shalt  }
0x59: {  	_ =	shalt  }
0x5a: {  	_ =	shalt  }
0x5b: {  	_ =	shalt  }
0x5c: {  	_ =	shalt  }
0x5d: {  	_ =	shalt  }
0x5e: {  	_ =	shalt  }
0x5f: {  	_ =	shalt  }
0x60: {  	_ =	shalt  }
0x61: {  	_ =	shalt  }
0x62: {  	_ =	shalt  }
0x63: {  	_ =	shalt  }
0x64: {  	_ =	shalt  }
0x65: {  	_ =	shalt  }
0x66: {  	_ =	shalt  }
0x67: {  	_ =	shalt  }
0x68: {  	_ =	shalt  }
0x69: {  	_ =	shalt  }
0x6a: {  	_ =	shalt  }
0x6b: {  	_ =	shalt  }
0x6c: {  	_ =	shalt  }
0x6d: {  	_ =	shalt  }
0x6e: {  	_ =	shalt  }
0x6f: {  	_ =	shalt  }
0x70: {  	_ =	shalt  }
0x71: {  	_ =	shalt  }
0x72: {  	_ =	shalt  }
0x73: {  	_ =	shalt  }
0x74: {  	_ =	shalt  }
0x75: {  	_ =	shalt  }
0x76: {  	_ =	shalt  }
0x77: {  	_ =	shalt  }
0x78: {  	_ =	shalt  }
0x79: {  	_ =	shalt  }
0x7a: {  	_ =	shalt  }
0x7b: {  	_ =	shalt  }
0x7c: {  	_ =	shalt  }
0x7d: {  	_ =	shalt  }
0x7e: {  	_ =	shalt  }
0x7f: {  	_ =	shalt  }
0x80: {  	_ =	shalt  }
0x81: {  	_ =	shalt  }
0x82: {  	_ =	shalt  }
0x83: {  	_ =	shalt  }
0x84: {  	_ =	shalt  }
0x85: {  	_ =	shalt  }
0x86: {  	_ =	shalt  }
0x87: {  	_ =	shalt  }
.Lfunc_end0:
.L_simem_size_0:
called_computation.1_lowered:
.L_overlay_start_0:
0x88: {  	s2 =	sld [smem:$0x3FD9]  }
0x89: {  	s3 =	sld [smem:$0x3FFE];
	_ =	sdelay $0x1  }
0x8a: {  	s1 =	srdreg.scid  }
0x8b: {  	s0 =	sand.u32 $0x1, s1  }
0x8c: {  	s16 =	sshll.u32 s0, $0xA;
	s2 =	sadd.s32 s3, s2  }
0x8d: {  	s2 =	sadd.s32 s2, s16  }
0x8e: {  	[smem:$0x3FBE] =	sst s2  }
0x8f: {  	_ = 	snop  }
0x90: {  	(tm) =	ssettm $0x1  }
0x91: {  	s17 =	sld [smem:$0x3FFB];
	_ =	sdelay $0x3  }
0x92: {  	_ =	strace s17  }
0x93: {  	s2 =	sld [smem:$0x3FFC];
	_ =	sdelay $0x3  }
0x94: {  	_ =	strace s2  }
0x95: {  	s2 =	sld [smem:$0x3FFD];
	_ =	sdelay $0x3  }
0x96: {  	_ =	strace s2  }
0x97: {  	_ =	strace $0x8FFFFFFF  }
0x98: {  	s18 =	sld [smem:$0x3FDB];
	_ =	sdelay $0x1  }
0x99: {  	s19 =	simm.s32 $_scs_section_size  }
0x9a: {  	s4 =	simm.s32 $_size__tile_overlayer_lowered;
	s5 =	simm.s32 $_tile_overlayer_lowered  }
0x9b: {  	s22 =	simm.s32 $0x1BFF;
	s21 =	sshll.u32 s5, $0x1;
	s2 =	sadd.s32 s19, s18  }
0x9c: {  	s6 =	simm.s32 $0x0;
	s20 =	sshll.u32 s4, $0x1;
	s4 =	sadd.s32 s21, s2  }
0x9d: {  	[timem:s6], [sflag:s22] =	dma.local [hbm:s4], s20  }
0x9e: {  	_ =	swait.ge [sflag:s22], s20  }
0x9f: {  	s3 =	ssub.s32 $0x0, s20;
	[sflag:s22] =	ssyncset.done $0x0  }
0xa0: {  	[sflag:s22] =	ssyncadd.s32 s3;
	_ =	sdelay $0x1  }
0xa1: {  	s23 =	simm.s32 $0x1B8B  }
0xa2: {  	_ =	swait.ge [sflag:s23], $0x1  }
0xa3: {  	[sflag:s23] =	ssyncset.done $0x0  }
0xa4: {  	s25 =	simm.s32 $0x1B8E;
	s24 =	sld [smem:$0x3FFE];
	[sflag:s23] =	ssyncadd.s32 $0xFFFFFFFF  }
0xa5: {  	s26 =	simm.s32 $execute0_lowered;
	[smem:$0x3FD2] =	sst s25  }
0xa6: {  	s4 =	sshll.u32 s26, $0x1;
	_ =	strace $0x80000049;
	[dreg:$0x1] =	wrdreg $0xFFFFFFFF  }
0xa7: {  	s28 =	simm.s32 $_size_execute0_lowered;
	s2 =	sadd.s32 s2, s4;
	[dreg:$0x0] =	wrdreg $0x0  }
0xa8: {  	s4 =	sshll.u32 s28, $0x1;
	[dreg:$0x2] =	wrdreg s2  }
0xa9: {  	[dreg:$0x3] =	wrdreg s4  }
0xaa: {  	[dreg:$0x4] =	wrdreg $0xC0  }
0xab: {  	_ =	task [dreg:s6], $0x5FFFF  }
0xac: {  	[dreg:$0x1] =	wrdreg $0xFFFFFFFF  }
0xad: {  	[dreg:$0x0] =	wrdreg $0x60  }
0xae: {  	[dreg:$0x2] =	wrdreg s24  }
0xaf: {  	[dreg:$0x3] =	wrdreg $0x88000  }
0xb0: {  	[dreg:$0x4] =	wrdreg $0x9  }
0xb1: {  	_ =	task.clear_ibuf [dreg:s6], $0x5FFFF;
	_ =	strace $0x90000049  }
0xb2: {  	s29 =	simm.s32 $0x9;
	_ =	strace $0x8000004B  }
0xb3: {  	_ =	swait.ge [sflag:s29], $0x1  }
0xb4: {  	[sflag:s29] =	ssyncadd.s32 $0xFFFFFFFF  }
0xb5: {  	_ =	strace $0x9000004B  }
0xb6: {  	_ =	sfence  }
0xb7: {  	s30 =	sld [smem:$0x0];
	_ =	sdelay $0x2  }
0xb8: {  	s31 =	sshll.u32 s1, $0xD;
	s1 =	sshrl.u32 s1, $0x2  }
0xb9: {  	s3 =	sand.u32 $0x4000, s31;
	s1 =	sadd.s32 s1, s30  }
0xba: {  	s0 =	sor.u32 s3, s0;
	s1 =	sshll.u32 s1, $0x11  }
0xbb: {  	s0 =	sor.u32 s1, s0  }
0xbc: {  	s0 =	sadd.s32 $0x8F2B, s0  }
0xbd: {  	[sflag:s0] =	ssyncadd.remote.s32 $0x1  }
0xbe: {  	_ =	sfence.sel $0xFFFF  }
0xbf: {  	[dreg:$0x0] =	wrdreg $0xFFFFFFFF;
	(pc) =	sbr.abs _section_cstart, $3  }
0xc0: {  	[dreg:$0x1] =	wrdreg $0xFFFFFFFF  }
0xc1: {  	_ =	task.clear_ibuf [dreg:s6], $0x2FFFF;
	_ =	strace $0x9FFFFFFF  }
0xc2: {  	(tm) =	ssettm $0x7FFFFFFF  }
0xc3: {  	_ =	shalt  }
tec
execute0_lowered:
.L_overlay_start_1:
0x0: {  	(tag) =	ssettag $0x1  }
0x1: {  	s0 =	rddreg [dreg:$0x0]  }
0x2: {  	s2 =	rddreg [dreg:$0x1];
	s1 =	srdreg.scid  }
0x3: {  	s10 =	stileid.u32;
	s3 =	simm.s32 $0x0;
	s28 =	simm.s32 $0x80  }
0x4: {  	s31 =	simm.s32 $0x5800;
	s29 =	simm.s32 $0x3;
	s30 =	simm.s32 $0x8000  }
0x5: {  	s1 =	sand.u32 $0x1, s1;
	s4 =	sshll.u32 s10, $0x1;
	s8 =	smul.u32 $0xA000, s10  }
0x6: {  	[smem:$0x7FF] =	sst s3;
	s12 =	smul.u32 $0x2800, s10;
	s10 =	simm.s32 $0x0  }
0x7: {  	s5 =	sor.u32 s1, s4;
	s7 =	ssub.s32 $0x2, s1;
	s1 =	smul.u32 $0x28000, s1  }
0x8: {  	_ =	strace $0x8000004A;
	s4 =	sadd.s32 $0x2DC00, s0;
	s6 =	smul.u32 $0x500, s5  }
0x9: {  	s5 =	sadd.s32 $0x28C00, s0;
	s26 =	sshrl.u32 s7, $0x1;
	s11 =	sshrl.u32 s8, $0x2  }
0xa: {  	s14 =	sadd.s32 s12, s2;
	s19 =	sadd.s32 $0x800, s12;
	s22 =	sadd.s32 $0x1000, s12  }
0xb: {  	s25 =	sadd.s32 $0x1800, s12;
	s8 =	sadd.s32 $0x2000, s12;
	s7 =	ssub.s32 s7, s26  }
0xc: {  	[dreg:$0x5] =	wrdreg s14;
	s17 =	sadd.s32 s1, s12;
	s21 =	sadd.s32 s1, s19  }
0xd: {  	s23 =	sadd.s32 s22, s2;
	s24 =	sadd.s32 s1, s22;
	s26 =	sadd.s32 s1, s25  }
0xe: {  	s9 =	sadd.s32 s6, s0;
	s7 =	smax.u32 s7, $0x1;
	[dreg:$0xe] =	wrdreg s23  }
0xf: {  	s1 =	sadd.s32 s1, s8;
	s13 =	sadd.s32 $0x50400, s9;
	[dreg:$0x6] =	wrdreg s7  }
0x10: {  	s6 =	sadd.s32 s11, s2;
	s9 =	sadd.s32 $0x46400, s9;
	[dreg:$0x3] =	wrdreg s13  }
0x11: {  	s22 =	sadd.s32 s8, s2;
	s15 =	sadd.s32 $0x800, s6;
	[dreg:$0x4] =	wrdreg s9  }
0x12: {  	s8 =	simm.s32 $0x4;
	s16 =	sadd.s32 $0x1000, s6;
	[dreg:$0x7] =	wrdreg s15  }
0x13: {  	s0 =	sadd.s32 $0x32C00, s0;
	s18 =	sadd.s32 $0x1800, s6;
	[dreg:$0x8] =	wrdreg s16  }
0x14: {  	s7 =	sshrl.u32 s17, $0x3;
	s20 =	sadd.s32 $0x2000, s6;
	[dreg:$0x9] =	wrdreg s18  }
0x15: {  	s1 =	sshrl.u32 s1, $0x3;
	[dreg:$0xa] =	wrdreg s20;
	s7 =	sadd.s32 s0, s7  }
0x16: {  	s23 =	sadd.s32 s0, s1;
	s9 =	sadd.s32 s19, s2;
	[dreg:$0xb] =	wrdreg s7  }
0x17: {  	s1 =	simm.s32 $0x1;
	[dreg:$0xc] =	wrdreg s9;
	s7 =	sshrl.u32 s21, $0x3  }
.Ltmp0:
0x18: {  	s9 =	sadd.s32 s25, s2;
	s7 =	sadd.s32 s0, s7;
	(pc) =	sbr.rel .LBB2_1-.Ltmp0, $4  }
0x19: {  	s25 =	simm.s32 $0x5;
	[dreg:$0xd] =	wrdreg s7;
	s7 =	sshrl.u32 s24, $0x3  }
0x1a: {  	[dreg:$0x10] =	wrdreg s9;
	s9 =	simm.s32 $0x7800;
	s7 =	sadd.s32 s0, s7  }
0x1b: {  	s24 =	simm.s32 $0x7000;
	[dreg:$0xf] =	wrdreg s7;
	s7 =	sshrl.u32 s26, $0x3  }
0x1c: {  	v0 =	vimm.f32 $0.0e+00;
	s21 =	sadd.s32 s0, s7;
	s0 =	simm.s32 $0x6800;
	s7 =	simm.s32 $0x2  }
.LBB2_27:
0x1d: {  	[bflag:$0x0] =	sbarrier.arrive $0xFFFF  }
0x1e: {  	s11 =	rddreg [dreg:$0x5]  }
0x1f: {  	[tilespmem:s24], [sflag:$0x5] =	stream.linear.gather [spmem:s11], $0x800, $0x38;
	[tilespmem:$0xB000] =	vst v63  }
0x20: {  	_ =	swait.ge [sflag:s25], $0x800  }
0x21: {  	[sflag:s25] =	ssyncset.done $0x0  }
0x22: {  	s15 =	rddreg [dreg:$0xb];
	[sflag:s25] =	ssyncadd.s32 $0xFFFFF800  }
0x23: {  	[hbm4b:s15+s3] =	stream.linear.scatter [tilespmem:s24], [sflag:$0x5], $0x800, $0x38;
	[tilespmem:$0xB000] =	vst v63  }
0x24: {  	_ =	swait.ge [sflag:s25], $0x800  }
0x25: {  	[sflag:s25] =	ssyncset.done $0x0  }
0x26: {  	s16 =	rddreg [dreg:$0xc];
	[sflag:s25] =	ssyncadd.s32 $0xFFFFF800  }
0x27: {  	[tilespmem:s24], [sflag:$0x5] =	stream.linear.gather [spmem:s16], $0x800, $0x38;
	[tilespmem:$0xB000] =	vst v63  }
0x28: {  	_ =	swait.ge [sflag:s25], $0x800  }
0x29: {  	[sflag:s25] =	ssyncset.done $0x0  }
0x2a: {  	s17 =	rddreg [dreg:$0xd];
	[sflag:s25] =	ssyncadd.s32 $0xFFFFF800  }
0x2b: {  	[hbm4b:s17+s3] =	stream.linear.scatter [tilespmem:s24], [sflag:$0x5], $0x800, $0x38;
	[tilespmem:$0xB000] =	vst v63  }
0x2c: {  	_ =	swait.ge [sflag:s25], $0x800  }
0x2d: {  	[sflag:s25] =	ssyncset.done $0x0  }
0x2e: {  	s18 =	rddreg [dreg:$0xe];
	[sflag:s25] =	ssyncadd.s32 $0xFFFFF800  }
0x2f: {  	[tilespmem:s24], [sflag:$0x5] =	stream.linear.gather [spmem:s18], $0x800, $0x38;
	[tilespmem:$0xB000] =	vst v63  }
0x30: {  	_ =	swait.ge [sflag:s25], $0x800  }
0x31: {  	[sflag:s25] =	ssyncset.done $0x0  }
0x32: {  	s19 =	rddreg [dreg:$0xf];
	[sflag:s25] =	ssyncadd.s32 $0xFFFFF800  }
0x33: {  	[hbm4b:s19+s3] =	stream.linear.scatter [tilespmem:s24], [sflag:$0x5], $0x800, $0x38;
	[tilespmem:$0xB000] =	vst v63  }
0x34: {  	_ =	swait.ge [sflag:s25], $0x800  }
0x35: {  	[sflag:s25] =	ssyncset.done $0x0  }
0x36: {  	s20 =	rddreg [dreg:$0x10];
	[sflag:s25] =	ssyncadd.s32 $0xFFFFF800  }
0x37: {  	[tilespmem:s24], [sflag:$0x5] =	stream.linear.gather [spmem:s20], $0x800, $0x38;
	[tilespmem:$0xB000] =	vst v63  }
0x38: {  	_ =	swait.ge [sflag:s25], $0x800  }
0x39: {  	[sflag:s25] =	ssyncset.done $0x0  }
0x3a: {  	[sflag:s25] =	ssyncadd.s32 $0xFFFFF800  }
0x3b: {  	[hbm4b:s21+s3] =	stream.linear.scatter [tilespmem:s24], [sflag:$0x5], $0x800, $0x38;
	[tilespmem:$0xB000] =	vst v63  }
0x3c: {  	_ =	swait.ge [sflag:s25], $0x800  }
0x3d: {  	[sflag:s25] =	ssyncset.done $0x0  }
0x3e: {  	[sflag:s25] =	ssyncadd.s32 $0xFFFFF800  }
0x3f: {  	[tilespmem:s24], [sflag:$0x5] =	stream.linear.gather [spmem:s22], $0x800, $0x38;
	[tilespmem:$0xB000] =	vst v63  }
0x40: {  	_ =	swait.ge [sflag:s25], $0x800  }
0x41: {  	[sflag:s25] =	ssyncset.done $0x0  }
0x42: {  	[sflag:s25] =	ssyncadd.s32 $0xFFFFF800  }
0x43: {  	[hbm4b:s23+s3] =	stream.linear.scatter [tilespmem:s24], [sflag:$0x5], $0x800, $0x38;
	[tilespmem:$0xB000] =	vst v63  }
0x44: {  	_ =	swait.ge [sflag:s25], $0x800  }
0x45: {  	s10 =	sadd.s32 $0x1, s10;
	s26 =	rddreg [dreg:$0x6]  }
0x46: {  	p0 =	sne.s32 s10, s26  }
.Ltmp1:
0x47: {  	_ = 	snop;
	(pc) =	sbr.rel @!p0 .LBB2_28-.Ltmp1, $3  }
0x48: {  	_ =	sdelay $0x1  }
0x49: {  	[sflag:s25] =	ssyncset.done $0x0  }
0x4a: {  	[sflag:s25] =	ssyncadd.s32 $0xFFFFF800  }
.LBB2_1:
0x4b: {  	s11 =	simm.s32 $0x40;
	s12 =	simm.s32 $0x0  }
.LBB2_2:
0x4c: {  	p0 =	sne.s32 s11, $0x1FC0;
	[tilespmem:s12+$0x7000] =	vst v0;
	s12 =	smov.u32 s11;
	s11 =	sadd.s32 $0x40, s11  }
.Ltmp2:
0x4d: {  	(pc) =	sbr.rel @p0 .LBB2_2-.Ltmp2, $2  }
0x4e: {  	_ =	sdelay $0x2  }
0x4f: {  	s12 =	sshra.s32 s12, $0x2  }
0x50: {  	[tilespmem:s12+$0x7000] =	vst v0  }
0x51: {  	[spmem:s6] =	stream.linear.scatter [tilespmem:s24], [sflag:$0x5], $0x800, $0x38;
	[tilespmem:$0xB000] =	vst v63  }
0x52: {  	_ =	swait.ge [sflag:s25], $0x800  }
0x53: {  	[sflag:s25] =	ssyncset.done $0x0  }
0x54: {  	s11 =	rddreg [dreg:$0x7];
	[sflag:s25] =	ssyncadd.s32 $0xFFFFF800  }
0x55: {  	[spmem:s11] =	stream.linear.scatter [tilespmem:s24], [sflag:$0x5], $0x800, $0x38;
	[tilespmem:$0xB000] =	vst v63  }
0x56: {  	_ =	swait.ge [sflag:s25], $0x800  }
0x57: {  	[sflag:s25] =	ssyncset.done $0x0  }
0x58: {  	s15 =	rddreg [dreg:$0x8];
	[sflag:s25] =	ssyncadd.s32 $0xFFFFF800  }
0x59: {  	[spmem:s15] =	stream.linear.scatter [tilespmem:s24], [sflag:$0x5], $0x800, $0x38;
	[tilespmem:$0xB000] =	vst v63  }
0x5a: {  	_ =	swait.ge [sflag:s25], $0x800  }
0x5b: {  	[sflag:s25] =	ssyncset.done $0x0  }
0x5c: {  	s16 =	rddreg [dreg:$0x9];
	[sflag:s25] =	ssyncadd.s32 $0xFFFFF800  }
0x5d: {  	[spmem:s16] =	stream.linear.scatter [tilespmem:s24], [sflag:$0x5], $0x800, $0x38;
	[tilespmem:$0xB000] =	vst v63  }
0x5e: {  	_ =	swait.ge [sflag:s25], $0x800  }
0x5f: {  	[sflag:s25] =	ssyncset.done $0x0  }
0x60: {  	s17 =	rddreg [dreg:$0xa];
	[sflag:s25] =	ssyncadd.s32 $0xFFFFF800  }
0x61: {  	[spmem:s17] =	stream.linear.scatter [tilespmem:s24], [sflag:$0x5], $0x800, $0x38;
	[tilespmem:$0xB000] =	vst v63  }
0x62: {  	_ =	swait.ge [sflag:s25], $0x800  }
0x63: {  	[sflag:s25] =	ssyncset.done $0x0  }
0x64: {  	s11 =	simm.s32 $0x0;
	s18 =	rddreg [dreg:$0x3];
	[sflag:s25] =	ssyncadd.s32 $0xFFFFF800  }
0x65: {  	[tilespmem:s11], [sflag:$0x5] =	stream.linear.gather [hbm4b:s18+s11], $0x2800, $0x38;
	[tilespmem:$0xB000] =	vst v63  }
0x66: {  	_ =	swait.ge [sflag:s25], $0x2800  }
0x67: {  	[sflag:s25] =	ssyncset.done $0x0  }
0x68: {  	s13 =	simm.s32 $0x2800;
	s19 =	rddreg [dreg:$0x4];
	[sflag:s25] =	ssyncadd.s32 $0xFFFFD800  }
0x69: {  	[tilespmem:s13], [sflag:$0x5] =	stream.linear.gather [hbm4b:s19+s11], $0x2800, $0x38;
	[tilespmem:$0xB000] =	vst v63  }
0x6a: {  	_ =	swait.ge [sflag:s25], $0x2800  }
0x6b: {  	[sflag:s25] =	ssyncset.done $0x0  }
0x6c: {  	[sflag:s25] =	ssyncadd.s32 $0xFFFFD800  }
0x6d: {  	s20 =	simm.s32 $0x5000;
	[bflag:$0x0] =	sbarrier.arrive $0xFFFF  }
0x6e: {  	[tilespmem:s20], [sflag:$0x1] =	stream.indirect.gather [hbm4b:s4+s28], $0x10, s11, s28, $0xb8;
	[tilespmem:$0xB000] =	vst v63  }
0x6f: {  	s26 =	simm.s32 $0x6000  }
0x70: {  	[tilespmem:s26], [sflag:$0x3] =	stream.indirect.gather [hbm4b:s5+s28], $0x10, s13, s28, $0xb8;
	[tilespmem:$0xB000] =	vst v63  }
.LBB2_4:
0x71: {  	s12 =	sshllo.u32 s11, $0x1  }
0x72: {  	s12 =	sshll.u32 s12, $0x7  }
0x73: {  	[tilespmem:s31], [sflag:$0x2] =	stream.indirect.gather [hbm4b:s4+s28], $0x10, s12, s28, $0xb8;
	[tilespmem:$0xB000] =	vst v63  }
0x74: {  	s13 =	sadd.s32 $0x2800, s12  }
0x75: {  	[tilespmem:s0], [sflag:$0x4] =	stream.indirect.gather [hbm4b:s5+s28], $0x10, s13, s28, $0xb8;
	[tilespmem:$0xB000] =	vst v63  }
0x76: {  	_ =	swait.ge [sflag:s1], $0x800  }
0x77: {  	[sflag:s1] =	ssyncset.done $0x0  }
0x78: {  	[sflag:s1] =	ssyncadd.s32 $0xFFFFF800  }
0x79: {  	_ =	swait.ge [sflag:s29], $0x800  }
0x7a: {  	[sflag:s29] =	ssyncset.done $0x0  }
0x7b: {  	s13 =	simm.s32 $0x5020;
	[sflag:s29] =	ssyncadd.s32 $0xFFFFF800  }
0x7c: {  	s14 =	simm.s32 $0x6020;
	v1 =	vld [tilespmem:s13+$0x10]  }
0x7d: {  	v2 =	vld [tilespmem:s14+$0x10]  }
0x7e: {  	v3 =	vld [tilespmem:s14+$0xFFFFFFE0]  }
0x7f: {  	v4 =	vld [tilespmem:s13+$0xFFFFFFF0]  }
0x80: {  	v5 =	vld [tilespmem:s14+$0xFFFFFFF0]  }
0x81: {  	v6 =	vld [tilespmem:s13+$0x0]  }
0x82: {  	s15 =	simm.s32 $0x6060;
	v7 =	vld [tilespmem:s14+$0x0]  }
0x83: {  	s14 =	simm.s32 $0x5060;
	v10 =	vld [tilespmem:s15+$0x10]  }
0x84: {  	v8 =	vld [tilespmem:s14+$0x10]  }
0x85: {  	v1 =	vadd.f32 v2, v1;
	v2 =	vld [tilespmem:s13+$0xFFFFFFE0];
	_ =	sdelay $0x1  }
0x86: {  	v11 =	vld [tilespmem:s15+$0xFFFFFFF0];
	v9 =	vmul.f32 $2.000000030e-01, v1  }
0x87: {  	v13 =	vld [tilespmem:s14+$0xFFFFFFE0];
	v4 =	vadd.f32 v5, v4;
	vm0 =	vgt.f32 v1, $0.0e+00  }
0x88: {  	v5 =	vld [tilespmem:s15+$0xFFFFFFE0];
	v6 =	vadd.f32 v7, v6;
	v8 =	vadd.f32 v10, v8;
	v1 =	vsel vm0, v1, v9  }
0x89: {  	v7 =	vmul.f32 $2.000000030e-01, v4;
	v9 =	vld [tilespmem:s14+$0xFFFFFFF0];
	v1 =	vmul.f32 $1.442695020e+00, v1;
	v2 =	vadd.f32 v3, v2  }
0x8a: {  	vm1 =	vgt.f32 v6, $0.0e+00;
	v12 =	vmul.f32 $2.000000030e-01, v6;
	v58 =	vmul.f32 $2.000000030e-01, v8;
	v3 =	vld [tilespmem:s14+$0x0]  }
0x8b: {  	s26 =	simm.s32 $0x50A0;
	vm0 =	vgt.f32 v4, $0.0e+00;
	(erf) = vpow2.f32 v1;
	v1 =	vld [tilespmem:s15+$0x0];
	v10 =	vmul.f32 $2.000000030e-01, v2  }
0x8c: {  	s16 =	simm.s32 $0x60A0;
	v6 =	vsel vm1, v6, v12;
	v4 =	vsel vm0, v4, v7;
	v7 =	vld [tilespmem:s26+$0x10];
	vm2 =	vgt.f32 v2, $0.0e+00  }
0x8d: {  	vm0 =	vgt.f32 v8, $0.0e+00;
	v4 =	vmul.f32 $1.442695020e+00, v4;
	v2 =	vsel vm2, v2, v10;
	v10 =	vld [tilespmem:s16+$0x10]  }
0x8e: {  	v6 =	vmul.f32 $1.442695020e+00, v6;
	v5 =	vadd.f32 v5, v13;
	v9 =	vadd.f32 v11, v9  }
0x8f: {  	v60 =	vld [tilespmem:s26+$0x0];
	v8 =	vsel vm0, v8, v58;
	(erf) = vpow2.f32 v4;
	v2 =	vmul.f32 $1.442695020e+00, v2  }
0x90: {  	v4 =	vld [tilespmem:s26+$0xFFFFFFF0];
	vm2 =	vgt.f32 v5, $0.0e+00;
	v59 =	vmul.f32 $2.000000030e-01, v9;
	v1 =	vadd.f32 v1, v3  }
0x91: {  	vm0 =	vgt.f32 v9, $0.0e+00;
	v3 =	vmul.f32 $1.442695020e+00, v8;
	v8 =	vld [tilespmem:s16+$0xFFFFFFF0];
	(erf) = vpow2.f32 v2  }
0x92: {  	v14 =	vld [tilespmem:s26+$0xFFFFFFE0];
	v9 =	vsel vm0, v9, v59;
	v2 =	vmul.f32 $2.000000030e-01, v1;
	v7 =	vadd.f32 v10, v7  }
0x93: {  	v11 =	vld [tilespmem:s16+$0xFFFFFFE0];
	vm1 =	vgt.f32 v1, $0.0e+00;
	(erf) = vpow2.f32 v3;
	v10 =	vmul.f32 $2.000000030e-01, v5  }
0x94: {  	v3 =	vld [tilespmem:s16+$0x0];
	(erf) = vpow2.f32 v6;
	v2 =	vsel vm1, v1, v2;
	v6 =	vmul.f32 $2.000000030e-01, v7  }
0x95: {  	s18 =	simm.s32 $0x50E0;
	v1 =	vsel vm2, v5, v10;
	v5 =	vmul.f32 $1.442695020e+00, v9;
	vm0 =	vgt.f32 v7, $0.0e+00  }
0x96: {  	s17 =	simm.s32 $0x60E0;
	v61 =	vld [tilespmem:s18+$0x10];
	v15 =	vadd.f32 v8, v4;
	v4 =	vsel vm0, v7, v6  }
0x97: {  	v9 =	vld [tilespmem:s17+$0x10];
	v7 =	vmul.f32 $1.442695020e+00, v4  }
0x98: {  	v8 =	vmul.f32 $1.442695020e+00, v1;
	v1 =	vld [tilespmem:s17+$0xFFFFFFE0];
	(erf) = vpow2.f32 v5;
	v6 =	vadd.f32 v11, v14  }
0x99: {  	s15 =	simm.s32 $0x8020;
	v16 =	vmul.f32 $1.442695020e+00, v2;
	v2 =	vld [tilespmem:s18+$0xFFFFFFF0];
	v17 =	vmul.f32 $2.000000030e-01, v15;
	v13 =	vadd.f32 v3, v60;
	v5 =	vpop (erf)  }
0x9a: {  	v4 =	vld [tilespmem:s17+$0xFFFFFFF0];
	(erf) = vpow2.f32 v8;
	v10 =	vmul.f32 $2.000000030e-01, v6;
	[tilespmem:s15+$0x10] =	vst v5;
	v3 =	vpop (erf)  }
0x9b: {  	vm1 =	vgt.f32 v15, $0.0e+00;
	v62 =	vmul.f32 $2.000000030e-01, v13;
	(erf) = vpow2.f32 v7;
	v5 =	vld [tilespmem:s17+$0x0];
	[tilespmem:s15+$0xFFFFFFF0] =	vst v3;
	v7 =	vpop (erf)  }
0x9c: {  	s16 =	simm.s32 $0x8060;
	vm2 =	vgt.f32 v13, $0.0e+00;
	v8 =	vadd.f32 v9, v61;
	v3 =	vld [tilespmem:s18+$0x0];
	(erf) = vpow2.f32 v16;
	v63 =	vpop (erf);
	[tilespmem:s15+$0xFFFFFFE0] =	vst v7  }
0x9d: {  	s26 =	simm.s32 $0xC;
	vm0 =	vgt.f32 v6, $0.0e+00;
	v11 =	vsel vm1, v15, v17;
	v9 =	vsel vm2, v13, v62;
	v7 =	vld [tilespmem:s18+$0xFFFFFFE0];
	s18 =	simm.s32 $0x5120;
	[tilespmem:s16+$0x10] =	vst v63  }
.LBB2_5:
0x9e: {  	v12 =	vld [tilespmem:s18+$0x10];
	v13 =	vmul.f32 $2.000000030e-01, v8;
	s17 =	sadd.s32 $0x40, s17;
	v6 =	vsel vm0, v6, v10;
	v10 =	vmul.f32 $1.442695020e+00, v11;
	v11 =	vpop (erf)  }
0x9f: {  	s26 =	sadd.s32 $0x4, s26;
	vm0 =	vgt.f32 v8, $0.0e+00;
	v14 =	vld [tilespmem:s17+$0x10];
	v15 =	vadd.f32 v4, v2;
	v16 =	vmul.f32 $1.442695020e+00, v6;
	[tilespmem:s15+$0x0] =	vst v11;
	s15 =	smov.u32 s16  }
0xa0: {  	p0 =	slt.u32 s26, $0x7C;
	v17 =	vld [tilespmem:s17+$0xFFFFFFE0];
	v4 =	vsel vm0, v8, v13;
	v13 =	vmul.f32 $1.442695020e+00, v9;
	(erf) = vpow2.f32 v10  }
.Ltmp3:
0xa1: {  	v2 =	vld [tilespmem:s18+$0xFFFFFFF0];
	v9 =	vmul.f32 $2.000000030e-01, v15;
	v18 =	vadd.f32 v5, v3;
	v5 =	vmul.f32 $1.442695020e+00, v4;
	v3 =	vpop (erf);
	(pc) =	sbr.rel @p0 .LBB2_5-.Ltmp3, $4  }
0xa2: {  	vm1 =	vgt.f32 v15, $0.0e+00;
	v4 =	vld [tilespmem:s17+$0xFFFFFFF0];
	v6 =	vadd.f32 v1, v7;
	(erf) = vpow2.f32 v16;
	[tilespmem:s16+$0xFFFFFFF0] =	vst v3  }
0xa3: {  	v3 =	vld [tilespmem:s18+$0x0];
	vm2 =	vgt.f32 v18, $0.0e+00;
	v16 =	vmul.f32 $2.000000030e-01, v18;
	(erf) = vpow2.f32 v5;
	v7 =	vpop (erf)  }
0xa4: {  	s16 =	sadd.s32 $0x40, s16;
	v5 =	vld [tilespmem:s17+$0x0];
	v8 =	vadd.f32 v14, v12;
	vm0 =	vgt.f32 v6, $0.0e+00;
	v10 =	vmul.f32 $2.000000030e-01, v6;
	v12 =	vpop (erf);
	[tilespmem:s15+$0xFFFFFFE0] =	vst v7  }
0xa5: {  	v11 =	vsel vm1, v15, v9;
	v7 =	vld [tilespmem:s18+$0xFFFFFFE0];
	s18 =	sadd.s32 $0x40, s18;
	v9 =	vsel vm2, v18, v16;
	[tilespmem:s16+$0x10] =	vst v12;
	(erf) = vpow2.f32 v13;
	v1 =	vmovc v17  }
0xa6: {  	_ =	sdelay $0x1  }
0xa7: {  	v12 =	vmul.f32 $2.000000030e-01, v8;
	v6 =	vsel vm0, v6, v10;
	v56 =	vmul.f32 $1.442695020e+00, v11  }
0xa8: {  	vm14 =	vgt.f32 v8, $0.0e+00;
	v59 =	vmul.f32 $1.442695020e+00, v9;
	v2 =	vadd.f32 v4, v2  }
0xa9: {  	v57 =	vmul.f32 $1.442695020e+00, v6;
	v58 =	vsel vm14, v8, v12;
	v1 =	vadd.f32 v1, v7  }
0xaa: {  	(erf) = vpow2.f32 v56;
	v3 =	vadd.f32 v5, v3;
	v60 =	vmul.f32 $2.000000030e-01, v2  }
0xab: {  	v6 =	vmul.f32 $1.442695020e+00, v58;
	vm15 =	vgt.f32 v2, $0.0e+00;
	v61 =	vmul.f32 $2.000000030e-01, v1  }
0xac: {  	(erf) = vpow2.f32 v57;
	v2 =	vsel vm15, v2, v60;
	vm2 =	vgt.f32 v1, $0.0e+00  }
0xad: {  	v62 =	vmul.f32 $2.000000030e-01, v3;
	v2 =	vmul.f32 $1.442695020e+00, v2;
	v1 =	vsel vm2, v1, v61  }
0xae: {  	vm1 =	vgt.f32 v3, $0.0e+00;
	(erf) = vpow2.f32 v6;
	v1 =	vmul.f32 $1.442695020e+00, v1  }
0xaf: {  	(erf) = vpow2.f32 v59;
	v3 =	vsel vm1, v3, v62  }
0xb0: {  	v63 =	vpop (erf);
	v3 =	vmul.f32 $1.442695020e+00, v3;
	(erf) = vpow2.f32 v2  }
0xb1: {  	[tilespmem:s15+$0x0] =	vst v63;
	v2 =	vpop (erf);
	(erf) = vpow2.f32 v1  }
0xb2: {  	[tilespmem:s16+$0xFFFFFFF0] =	vst v2;
	v1 =	vpop (erf);
	(erf) = vpow2.f32 v3  }
0xb3: {  	s19 =	sadd.s32 $0x40, s16;
	v2 =	vpop (erf);
	[tilespmem:s16+$0xFFFFFFE0] =	vst v1  }
0xb4: {  	v1 =	vpop (erf);
	[tilespmem:s19+$0x10] =	vst v2  }
0xb5: {  	v2 =	vpop (erf);
	[tilespmem:s16+$0x0] =	vst v1  }
0xb6: {  	[tilespmem:s19+$0xFFFFFFF0] =	vst v2;
	v1 =	vpop (erf)  }
0xb7: {  	p3 =	por $0x1, $0x1;
	s20 =	sadd.s32 $0x40, s19;
	v2 =	vpop (erf);
	[tilespmem:s19+$0xFFFFFFE0] =	vst v1  }
.Ltmp4:
0xb8: {  	[tilespmem:s20+$0x10] =	vst v2;
	v1 =	vpop (erf);
	(pc) =	sbr.rel @!p3 .LBB2_7-.Ltmp4, $4  }
0xb9: {  	[tilespmem:s19+$0x0] =	vst v1;
	v1 =	vpop (erf)  }
0xba: {  	[tilespmem:s20+$0xFFFFFFF0] =	vst v1;
	v1 =	vpop (erf)  }
0xbb: {  	s26 =	simm.s32 $0x0;
	p0 =	por $0x0, $0x0;
	[tilespmem:s20+$0xFFFFFFE0] =	vst v1;
	v1 =	vpop (erf)  }
0xbc: {  	p1 =	por $0x0, $0x0;
	p2 =	por $0x0, $0x0;
	s15 =	simm.s32 $0x7020;
	[tilespmem:s20+$0x0] =	vst v1  }
0xbd: {  	p3 =	por $0x1, $0x1  }
.Ltmp5:
0xbe: {  	v1 =	vmov s26;
	s16 =	simm.s32 $0x30;
	s17 =	simm.s32 $0x10;
	(pc) =	sbr.rel @!p3 .LBB2_9-.Ltmp5, $4  }
0xbf: {  	s18 =	simm.s32 $0x20;
	v1 =	vor.u32 $0x8, v1;
	v2 =	vmov s16;
	v3 =	vmov s17  }
0xc0: {  	v4 =	vmov s18;
	v2 =	vor.u32 $0x8, v2;
	v3 =	vor.u32 $0x8, v3  }
0xc1: {  	v4 =	vor.u32 $0x8, v4;
	v10 =	vbroadcast v1, $0x0;
	v8 =	vbroadcast v2, $0x0  }
0xc2: {  	s26 =	simm.s32 $0x40;
	p0 =	por $0x1, $0x1;
	v7 =	vbroadcast v3, $0x0;
	v9 =	vbroadcast v4, $0x0  }
0xc3: {  	_ =	sdelay $0x3  }
0xc4: {  	v5 =	vld.idx.msk [tilespmem:v8+s30+$0x0], $0xffff  }
0xc5: {  	s16 =	simm.s32 $0x70;
	v11 =	vld [tilespmem:s13+$0x10];
	p3 =	por $0x1, $0x1  }
.Ltmp6:
0xc6: {  	v3 =	vmov s26;
	s17 =	simm.s32 $0x50;
	s18 =	simm.s32 $0x60;
	v2 =	vmov s16;
	v1 =	vld.idx.msk [tilespmem:v7+s30+$0x0], $0xffff;
	(pc) =	sbr.rel @!p3 .LBB2_11-.Ltmp6, $4  }
0xc7: {  	v6 =	vmov s17;
	v7 =	vmov s18;
	v4 =	vld.idx.msk [tilespmem:v9+s30+$0x0], $0xffff;
	v2 =	vor.u32 $0x8, v2  }
0xc8: {  	v6 =	vor.u32 $0x8, v6;
	v9 =	vor.u32 $0x8, v7;
	v8 =	vbroadcast v2, $0x0;
	v2 =	vld.idx.msk [tilespmem:v10+s30+$0x0], $0xffff  }
0xc9: {  	v10 =	vor.u32 $0x8, v3;
	v7 =	vbroadcast v6, $0x0;
	v9 =	vbroadcast v9, $0x0;
	v3 =	vld [tilespmem:s13+$0xFFFFFFE0]  }
0xca: {  	s26 =	simm.s32 $0x80;
	p1 =	por $0x1, $0x1;
	v6 =	vld [tilespmem:s13+$0xFFFFFFF0];
	v10 =	vbroadcast v10, $0x0;
	v5 =	vmul.f32 v11, v5  }
0xcb: {  	_ =	sdelay $0x2  }
0xcc: {  	v16 =	vld [tilespmem:s13+$0x0];
	s16 =	simm.s32 $0xB0  }
0xcd: {  	s17 =	simm.s32 $0x90;
	v18 =	vld.idx.msk [tilespmem:v8+s30+$0x0], $0xffff;
	v8 =	vmov s16  }
0xce: {  	s18 =	simm.s32 $0xA0;
	v19 =	vld [tilespmem:s14+$0x10];
	p3 =	por $0x1, $0x1;
	v11 =	vmov s17;
	v8 =	vor.u32 $0x8, v8  }
.Ltmp7:
0xcf: {  	v13 =	vmov s18;
	v14 =	vor.u32 $0x8, v11;
	v11 =	vld.idx.msk [tilespmem:v7+s30+$0x0], $0xffff;
	v8 =	vbroadcast v8, $0x0;
	(pc) =	sbr.rel @!p3 .LBB2_13-.Ltmp7, $4  }
0xd0: {  	v12 =	vmov s26;
	v15 =	vor.u32 $0x8, v13;
	v13 =	vld.idx.msk [tilespmem:v9+s30+$0x0], $0xffff;
	v7 =	vbroadcast v14, $0x0  }
0xd1: {  	v14 =	vor.u32 $0x8, v12;
	v9 =	vbroadcast v15, $0x0;
	v12 =	vld.idx.msk [tilespmem:v10+s30+$0x0], $0xffff;
	v20 =	vmul.f32 v6, v1  }
0xd2: {  	s26 =	simm.s32 $0xC0;
	p2 =	por $0x1, $0x1;
	[tilespmem:s15+$0x10] =	vst v5;
	v10 =	vbroadcast v14, $0x0;
	v14 =	vld [tilespmem:s14+$0xFFFFFFE0];
	v17 =	vmul.f32 v16, v4  }
0xd3: {  	s18 =	simm.s32 $0x10;
	s16 =	simm.s32 $0x7020;
	s17 =	simm.s32 $0x7020;
	v15 =	vmul.f32 v3, v2;
	v16 =	vld [tilespmem:s14+$0xFFFFFFF0];
	v18 =	vmul.f32 v19, v18;
	[tilespmem:s15+$0xFFFFFFF0] =	vst v20  }
.LBB2_14:
0xd4: {  	p3 =	slt.u32 s18, $0x7C;
	v19 =	vmov s26;
	s19 =	sadd.s32 $0x30, s26;
	v20 =	vld [tilespmem:s14+$0x0];
	[tilespmem:s16+$0x0] =	vst v17;
	s17 =	sadd.s32 $0x40, s17  }
0xd5: {  	s20 =	sadd.s32 $0x10, s26;
	s26 =	sadd.s32 $0x20, s26;
	s14 =	sadd.s32 $0x40, s14;
	v17 =	vor.u32 $0x8, v19;
	v25 =	vmov s19;
	v21 =	vld.idx.msk [tilespmem:v8+s30+$0x0], $0xffff;
	[tilespmem:s17+$0x10] =	vst v18;
	v18 =	vmov v11  }
0xd6: {  	v8 =	vmov s20;
	v11 =	vmov s26;
	v23 =	vmovc v13;
	v24 =	vor.u32 $0x8, v25;
	v22 =	vld [tilespmem:s14+$0x10];
	[tilespmem:s16+$0xFFFFFFE0] =	vst v15;
	s16 =	smov.u32 s17  }
.Ltmp8:
0xd7: {  	v13 =	vor.u32 $0x8, v8;
	v15 =	vor.u32 $0x8, v11;
	v8 =	vbroadcast v24, $0x0;
	v11 =	vld.idx.msk [tilespmem:v7+s30+$0x0], $0xffff;
	v19 =	vmovc v12;
	(pc) =	sbr.rel @p3 .LBB2_14-.Ltmp8, $4  }
0xd8: {  	v7 =	vbroadcast v13, $0x0;
	v13 =	vld.idx.msk [tilespmem:v9+s30+$0x0], $0xffff;
	v9 =	vbroadcast v15, $0x0  }
0xd9: {  	v24 =	vmul.f32 v16, v18;
	v12 =	vld.idx.msk [tilespmem:v10+s30+$0x0], $0xffff;
	v10 =	vbroadcast v17, $0x0  }
0xda: {  	v15 =	vmul.f32 v14, v19;
	v17 =	vmul.f32 v20, v23;
	v14 =	vld [tilespmem:s14+$0xFFFFFFE0]  }
0xdb: {  	s26 =	sshll.u32 s18, $0x4;
	s18 =	sadd.s32 $0x4, s18;
	v16 =	vld [tilespmem:s14+$0xFFFFFFF0];
	v18 =	vmul.f32 v22, v21;
	[tilespmem:s17+$0xFFFFFFF0] =	vst v24  }
.LBB2_15:
0xdc: {  	_ =	sdelay $0x2  }
0xdd: {  	v19 =	vld @p1 [tilespmem:s14+$0x0]  }
0xde: {  	v8 =	vld.idx.msk @p0 [tilespmem:v8+s30+$0x0], $0xffff  }
0xdf: {  	v7 =	vld.idx.msk @p0 [tilespmem:v7+s30+$0x0], $0xffff  }
0xe0: {  	s18 =	sadd.s32 $0x30, s26;
	s14 =	sadd.s32 @p1 $0x40, s14;
	s19 =	simm.s32 $0x5020;
	v9 =	vld.idx.msk @p0 [tilespmem:v9+s30+$0x0], $0xffff;
	v24 =	vmov s26  }
0xe1: {  	s20 =	sadd.s32 $0x20, s26;
	v10 =	vld.idx.msk @p0 [tilespmem:v10+s30+$0x0], $0xffff;
	v20 =	vmov s18;
	s19 =	smov.u32 @p1 s14;
	v24 =	vor.u32 $0x8, v24  }
0xe2: {  	s18 =	sadd.s32 $0x10, s26;
	v23 =	vmov s20;
	v20 =	vor.u32 $0x8, v20;
	v21 =	vld @p0 [tilespmem:s19+$0x10];
	v24 =	vbroadcast v24, $0x0  }
0xe3: {  	v22 =	vmov s18;
	v23 =	vor.u32 $0x8, v23;
	v25 =	vld @p0 [tilespmem:s19+$0xFFFFFFE0];
	v20 =	vbroadcast v20, $0x0  }
0xe4: {  	v26 =	vld @p0 [tilespmem:s19+$0xFFFFFFF0];
	s18 =	sadd.s32 @p0 $0x40, s19;
	v22 =	vor.u32 $0x8, v22;
	v23 =	vbroadcast v23, $0x0  }
0xe5: {  	[tilespmem:s16+$0x0] =	vst @p2 v17;
	s14 =	sadd.s32 @p2 $0x40, s17;
	s17 =	simm.s32 $0x7020;
	v27 =	vld @p0 [tilespmem:s19+$0x0];
	s13 =	smov.u32 @p0 s18;
	v22 =	vbroadcast v22, $0x0  }
0xe6: {  	[tilespmem:s16+$0xFFFFFFE0] =	vst @p2 v15;
	s17 =	smov.u32 @p2 s14;
	v49 =	vld [tilespmem:s13+$0x10]  }
0xe7: {  	[tilespmem:s17+$0x10] =	vst @p1 v18;
	v4 =	vpsel p0, v9, v4;
	v9 =	vld [tilespmem:s13+$0xFFFFFFF0]  }
0xe8: {  	v11 =	vmul.f32 @p1 v16, v11;
	v13 =	vmul.f32 @p1 v19, v13;
	v1 =	vpsel p0, v7, v1;
	v7 =	vld.idx.msk [tilespmem:v24+s30+$0x0], $0xffff  }
0xe9: {  	s14 =	smov.u32 @p1 s17;
	v12 =	vmul.f32 @p1 v14, v12;
	v2 =	vpsel p0, v10, v2;
	v8 =	vmul.f32 @p0 v21, v8;
	v48 =	vld.idx.msk [tilespmem:v20+s30+$0x0], $0xffff  }
0xea: {  	s16 =	sadd.s32 @p1 $0x40, s17;
	s14 =	smov.u32 @p1 s14;
	[tilespmem:s17+$0xFFFFFFF0] =	vst @p1 v11;
	s17 =	simm.s32 $0x7020;
	v11 =	vpsel p1, v13, v0;
	v6 =	vpsel p0, v26, v6;
	v51 =	vld.idx.msk [tilespmem:v23+s30+$0x0], $0xffff  }
0xeb: {  	s17 =	smov.u32 @p1 s16;
	v4 =	vmul.f32 @p0 v27, v4;
	[tilespmem:s14+$0x0] =	vst @p1 v11;
	v5 =	vpsel p0, v8, v5;
	v50 =	vld.idx.msk [tilespmem:v22+s30+$0x0], $0xffff  }
0xec: {  	v3 =	vpsel p0, v25, v3;
	v1 =	vmul.f32 @p0 v6, v1;
	v8 =	vpsel p1, v12, v0;
	[tilespmem:s17+$0x10] =	vst @p0 v5;
	v5 =	vld [tilespmem:s13+$0x0]  }
0xed: {  	v6 =	vld [tilespmem:s13+$0xFFFFFFE0];
	v2 =	vmul.f32 @p0 v3, v2;
	[tilespmem:s14+$0xFFFFFFE0] =	vst @p1 v8;
	s14 =	smov.u32 @p0 s17  }
0xee: {  	[tilespmem:s17+$0xFFFFFFF0] =	vst @p0 v1;
	v1 =	vpsel p0, v4, v0;
	s13 =	smov.u32 @p0 s14  }
0xef: {  	s14 =	sadd.s32 @p0 $0x40, s17;
	[tilespmem:s13+$0x0] =	vst @p0 v1;
	v1 =	vpsel p0, v2, v0;
	v3 =	vmul.f32 v49, v48  }
0xf0: {  	s15 =	smov.u32 @p0 s14;
	[tilespmem:s13+$0xFFFFFFE0] =	vst @p0 v1;
	v2 =	vmul.f32 v9, v50  }
0xf1: {  	v1 =	vmul.f32 v5, v51;
	[tilespmem:s15+$0x10] =	vst v3  }
0xf2: {  	s14 =	sshll.u32 s11, $0x8;
	v3 =	vmul.f32 v6, v7;
	[tilespmem:s15+$0xFFFFFFF0] =	vst v2  }
0xf3: {  	s13 =	sand.u32 $0x3FFFFF00, s14;
	[tilespmem:s15+$0x0] =	vst v1  }
0xf4: {  	s13 =	sadd.s32 $0x2800, s13;
	[tilespmem:s15+$0xFFFFFFE0] =	vst v3  }
0xf5: {  	[spmem:s2] =	stream.indirect.scatter.add.f32 [tilespmem:s24], [sflag:$0x5], $0x10, s13, s28, $0xb8;
	[tilespmem:$0xB000] =	vst v63  }
0xf6: {  	p0 =	seq.s32 s11, $0x27;
	_ =	swait.ge [sflag:s25], $0x800  }
0xf7: {  	s16 =	simm.s32 @!p0 $0x5000;
	s13 =	sshll.u32 @!p0 s11, $0x8;
	[sflag:s25] =	ssyncset.done $0x0  }
0xf8: {  	s15 =	simm.s32 @!p0 $0x80;
	s14 =	sadd.s32 @!p0 $0x100, s13;
	[sflag:s25] =	ssyncadd.s32 $0xFFFFF800  }
0xf9: {  	[tilespmem:s16], [sflag:$0x1] =	stream.indirect.gather @!p0 [hbm4b:s4+s15], $0x10, s14, s15, $0xb8;
	[tilespmem:$0xB000] =	vst v63  }
0xfa: {  	s13 =	sadd.s32 @!p0 $0x2900, s13;
	s14 =	simm.s32 @!p0 $0x6000  }
0xfb: {  	[tilespmem:s14], [sflag:$0x3] =	stream.indirect.gather @!p0 [hbm4b:s5+s15], $0x10, s13, s15, $0xb8;
	[tilespmem:$0xB000] =	vst v63  }
0xfc: {  	_ =	swait.ge [sflag:s7], $0x800  }
0xfd: {  	[sflag:s7] =	ssyncset.done $0x0  }
0xfe: {  	[sflag:s7] =	ssyncadd.s32 $0xFFFFF800  }
0xff: {  	_ =	swait.ge [sflag:s8], $0x800  }
0x100: {  	[sflag:s8] =	ssyncset.done $0x0  }
0x101: {  	s13 =	simm.s32 $0x5820;
	[sflag:s8] =	ssyncadd.s32 $0xFFFFF800  }
0x102: {  	s16 =	simm.s32 $0x6820;
	v1 =	vld [tilespmem:s13+$0x10]  }
0x103: {  	v2 =	vld [tilespmem:s16+$0x10]  }
0x104: {  	v3 =	vld [tilespmem:s16+$0xFFFFFFE0]  }
0x105: {  	v4 =	vld [tilespmem:s13+$0xFFFFFFF0]  }
0x106: {  	v5 =	vld [tilespmem:s16+$0xFFFFFFF0]  }
0x107: {  	v6 =	vld [tilespmem:s13+$0x0]  }
0x108: {  	s14 =	simm.s32 $0x5860;
	v7 =	vld [tilespmem:s16+$0x0]  }
0x109: {  	s17 =	simm.s32 $0x6860;
	v8 =	vld [tilespmem:s14+$0x10]  }
0x10a: {  	v10 =	vld [tilespmem:s17+$0x10]  }
0x10b: {  	v1 =	vadd.f32 v2, v1;
	v2 =	vld [tilespmem:s13+$0xFFFFFFE0];
	_ =	sdelay $0x1  }
0x10c: {  	v11 =	vld [tilespmem:s17+$0xFFFFFFF0];
	v9 =	vmul.f32 $2.000000030e-01, v1  }
0x10d: {  	v53 =	vld [tilespmem:s14+$0xFFFFFFE0];
	v4 =	vadd.f32 v5, v4;
	vm0 =	vgt.f32 v1, $0.0e+00  }
0x10e: {  	v5 =	vld [tilespmem:s17+$0xFFFFFFE0];
	v6 =	vadd.f32 v7, v6;
	v8 =	vadd.f32 v10, v8;
	v1 =	vsel vm0, v1, v9  }
0x10f: {  	v7 =	vmul.f32 $2.000000030e-01, v4;
	v9 =	vld [tilespmem:s14+$0xFFFFFFF0];
	v1 =	vmul.f32 $1.442695020e+00, v1;
	v2 =	vadd.f32 v3, v2  }
0x110: {  	vm1 =	vgt.f32 v6, $0.0e+00;
	v52 =	vmul.f32 $2.000000030e-01, v6;
	v54 =	vmul.f32 $2.000000030e-01, v8;
	v3 =	vld [tilespmem:s14+$0x0]  }
0x111: {  	s18 =	simm.s32 $0x58A0;
	vm0 =	vgt.f32 v4, $0.0e+00;
	(erf) = vpow2.f32 v1;
	v1 =	vld [tilespmem:s17+$0x0];
	v10 =	vmul.f32 $2.000000030e-01, v2  }
0x112: {  	s19 =	simm.s32 $0x68A0;
	v6 =	vsel vm1, v6, v52;
	v4 =	vsel vm0, v4, v7;
	v7 =	vld [tilespmem:s18+$0x10];
	vm2 =	vgt.f32 v2, $0.0e+00  }
0x113: {  	vm0 =	vgt.f32 v8, $0.0e+00;
	v4 =	vmul.f32 $1.442695020e+00, v4;
	v2 =	vsel vm2, v2, v10;
	v10 =	vld [tilespmem:s19+$0x10]  }
0x114: {  	v6 =	vmul.f32 $1.442695020e+00, v6;
	v5 =	vadd.f32 v5, v53;
	v9 =	vadd.f32 v11, v9  }
0x115: {  	v56 =	vld [tilespmem:s18+$0x0];
	v8 =	vsel vm0, v8, v54;
	(erf) = vpow2.f32 v4;
	v2 =	vmul.f32 $1.442695020e+00, v2  }
0x116: {  	v4 =	vld [tilespmem:s18+$0xFFFFFFF0];
	vm2 =	vgt.f32 v5, $0.0e+00;
	v55 =	vmul.f32 $2.000000030e-01, v9;
	v1 =	vadd.f32 v1, v3  }
0x117: {  	vm0 =	vgt.f32 v9, $0.0e+00;
	v3 =	vmul.f32 $1.442695020e+00, v8;
	v8 =	vld [tilespmem:s19+$0xFFFFFFF0];
	(erf) = vpow2.f32 v2  }
0x118: {  	v57 =	vld [tilespmem:s18+$0xFFFFFFE0];
	v9 =	vsel vm0, v9, v55;
	v2 =	vmul.f32 $2.000000030e-01, v1;
	v7 =	vadd.f32 v10, v7  }
0x119: {  	v11 =	vld [tilespmem:s19+$0xFFFFFFE0];
	vm1 =	vgt.f32 v1, $0.0e+00;
	(erf) = vpow2.f32 v3;
	v10 =	vmul.f32 $2.000000030e-01, v5  }
0x11a: {  	v3 =	vld [tilespmem:s19+$0x0];
	(erf) = vpow2.f32 v6;
	v2 =	vsel vm1, v1, v2;
	v6 =	vmul.f32 $2.000000030e-01, v7  }
0x11b: {  	s20 =	simm.s32 $0x58E0;
	v1 =	vsel vm2, v5, v10;
	v5 =	vmul.f32 $1.442695020e+00, v9;
	vm0 =	vgt.f32 v7, $0.0e+00  }
0x11c: {  	v58 =	vld [tilespmem:s20+$0x10];
	s17 =	simm.s32 $0x68E0;
	v59 =	vadd.f32 v8, v4;
	v4 =	vsel vm0, v7, v6  }
0x11d: {  	v9 =	vld [tilespmem:s17+$0x10];
	v7 =	vmul.f32 $1.442695020e+00, v4  }
0x11e: {  	v8 =	vmul.f32 $1.442695020e+00, v1;
	v1 =	vld [tilespmem:s17+$0xFFFFFFE0];
	(erf) = vpow2.f32 v5;
	v6 =	vadd.f32 v11, v57  }
0x11f: {  	s15 =	simm.s32 $0x8020;
	v60 =	vmul.f32 $1.442695020e+00, v2;
	v2 =	vld [tilespmem:s20+$0xFFFFFFF0];
	v61 =	vmul.f32 $2.000000030e-01, v59;
	v13 =	vadd.f32 v3, v56;
	v5 =	vpop (erf)  }
0x120: {  	v4 =	vld [tilespmem:s17+$0xFFFFFFF0];
	(erf) = vpow2.f32 v8;
	v10 =	vmul.f32 $2.000000030e-01, v6;
	[tilespmem:s15+$0x10] =	vst v5;
	v3 =	vpop (erf)  }
0x121: {  	vm1 =	vgt.f32 v59, $0.0e+00;
	v62 =	vmul.f32 $2.000000030e-01, v13;
	(erf) = vpow2.f32 v7;
	v5 =	vld [tilespmem:s17+$0x0];
	[tilespmem:s15+$0xFFFFFFF0] =	vst v3;
	v7 =	vpop (erf)  }
0x122: {  	s16 =	simm.s32 $0x8060;
	vm2 =	vgt.f32 v13, $0.0e+00;
	v8 =	vadd.f32 v9, v58;
	v3 =	vld [tilespmem:s20+$0x0];
	(erf) = vpow2.f32 v60;
	v63 =	vpop (erf);
	[tilespmem:s15+$0xFFFFFFE0] =	vst v7  }
0x123: {  	s26 =	simm.s32 $0xC;
	s18 =	simm.s32 $0x5920;
	vm0 =	vgt.f32 v6, $0.0e+00;
	v11 =	vsel vm1, v59, v61;
	v9 =	vsel vm2, v13, v62;
	v7 =	vld [tilespmem:s20+$0xFFFFFFE0];
	[tilespmem:s16+$0x10] =	vst v63  }
.LBB2_16:
0x124: {  	v12 =	vld [tilespmem:s18+$0x10];
	v13 =	vmul.f32 $2.000000030e-01, v8;
	s17 =	sadd.s32 $0x40, s17;
	v6 =	vsel vm0, v6, v10;
	v10 =	vmul.f32 $1.442695020e+00, v11;
	v11 =	vpop (erf)  }
0x125: {  	s26 =	sadd.s32 $0x4, s26;
	vm0 =	vgt.f32 v8, $0.0e+00;
	v14 =	vld [tilespmem:s17+$0x10];
	v15 =	vadd.f32 v4, v2;
	v16 =	vmul.f32 $1.442695020e+00, v6;
	[tilespmem:s15+$0x0] =	vst v11;
	s15 =	smov.u32 s16  }
0x126: {  	p0 =	slt.u32 s26, $0x7C;
	v17 =	vld [tilespmem:s17+$0xFFFFFFE0];
	v4 =	vsel vm0, v8, v13;
	v13 =	vmul.f32 $1.442695020e+00, v9;
	(erf) = vpow2.f32 v10  }
.Ltmp9:
0x127: {  	v2 =	vld [tilespmem:s18+$0xFFFFFFF0];
	v9 =	vmul.f32 $2.000000030e-01, v15;
	v18 =	vadd.f32 v5, v3;
	v5 =	vmul.f32 $1.442695020e+00, v4;
	v3 =	vpop (erf);
	(pc) =	sbr.rel @p0 .LBB2_16-.Ltmp9, $4  }
0x128: {  	vm1 =	vgt.f32 v15, $0.0e+00;
	v4 =	vld [tilespmem:s17+$0xFFFFFFF0];
	v6 =	vadd.f32 v1, v7;
	(erf) = vpow2.f32 v16;
	[tilespmem:s16+$0xFFFFFFF0] =	vst v3  }
0x129: {  	v3 =	vld [tilespmem:s18+$0x0];
	vm2 =	vgt.f32 v18, $0.0e+00;
	v16 =	vmul.f32 $2.000000030e-01, v18;
	(erf) = vpow2.f32 v5;
	v7 =	vpop (erf)  }
0x12a: {  	s16 =	sadd.s32 $0x40, s16;
	v5 =	vld [tilespmem:s17+$0x0];
	v8 =	vadd.f32 v14, v12;
	vm0 =	vgt.f32 v6, $0.0e+00;
	v10 =	vmul.f32 $2.000000030e-01, v6;
	v12 =	vpop (erf);
	[tilespmem:s15+$0xFFFFFFE0] =	vst v7  }
0x12b: {  	v11 =	vsel vm1, v15, v9;
	v7 =	vld [tilespmem:s18+$0xFFFFFFE0];
	s18 =	sadd.s32 $0x40, s18;
	v9 =	vsel vm2, v18, v16;
	[tilespmem:s16+$0x10] =	vst v12;
	(erf) = vpow2.f32 v13;
	v1 =	vmovc v17  }
0x12c: {  	_ =	sdelay $0x1  }
0x12d: {  	v12 =	vmul.f32 $2.000000030e-01, v8;
	v6 =	vsel vm0, v6, v10;
	v56 =	vmul.f32 $1.442695020e+00, v11  }
0x12e: {  	vm14 =	vgt.f32 v8, $0.0e+00;
	v59 =	vmul.f32 $1.442695020e+00, v9;
	v2 =	vadd.f32 v4, v2  }
0x12f: {  	v57 =	vmul.f32 $1.442695020e+00, v6;
	v58 =	vsel vm14, v8, v12;
	v1 =	vadd.f32 v1, v7  }
0x130: {  	(erf) = vpow2.f32 v56;
	v3 =	vadd.f32 v5, v3;
	v60 =	vmul.f32 $2.000000030e-01, v2  }
0x131: {  	v6 =	vmul.f32 $1.442695020e+00, v58;
	vm15 =	vgt.f32 v2, $0.0e+00;
	v61 =	vmul.f32 $2.000000030e-01, v1  }
0x132: {  	(erf) = vpow2.f32 v57;
	v2 =	vsel vm15, v2, v60;
	vm2 =	vgt.f32 v1, $0.0e+00  }
0x133: {  	v62 =	vmul.f32 $2.000000030e-01, v3;
	v2 =	vmul.f32 $1.442695020e+00, v2;
	v1 =	vsel vm2, v1, v61  }
0x134: {  	vm1 =	vgt.f32 v3, $0.0e+00;
	(erf) = vpow2.f32 v6;
	v1 =	vmul.f32 $1.442695020e+00, v1  }
0x135: {  	(erf) = vpow2.f32 v59;
	v3 =	vsel vm1, v3, v62  }
0x136: {  	v63 =	vpop (erf);
	v3 =	vmul.f32 $1.442695020e+00, v3;
	(erf) = vpow2.f32 v2  }
0x137: {  	[tilespmem:s15+$0x0] =	vst v63;
	v2 =	vpop (erf);
	(erf) = vpow2.f32 v1  }
0x138: {  	[tilespmem:s16+$0xFFFFFFF0] =	vst v2;
	v1 =	vpop (erf);
	(erf) = vpow2.f32 v3  }
0x139: {  	s19 =	sadd.s32 $0x40, s16;
	v2 =	vpop (erf);
	[tilespmem:s16+$0xFFFFFFE0] =	vst v1  }
0x13a: {  	v1 =	vpop (erf);
	[tilespmem:s19+$0x10] =	vst v2  }
0x13b: {  	v2 =	vpop (erf);
	[tilespmem:s16+$0x0] =	vst v1  }
0x13c: {  	[tilespmem:s19+$0xFFFFFFF0] =	vst v2;
	v1 =	vpop (erf)  }
0x13d: {  	p3 =	por $0x1, $0x1;
	s20 =	sadd.s32 $0x40, s19;
	v2 =	vpop (erf);
	[tilespmem:s19+$0xFFFFFFE0] =	vst v1  }
.Ltmp10:
0x13e: {  	[tilespmem:s20+$0x10] =	vst v2;
	v1 =	vpop (erf);
	(pc) =	sbr.rel @!p3 .LBB2_18-.Ltmp10, $4  }
0x13f: {  	[tilespmem:s19+$0x0] =	vst v1;
	v1 =	vpop (erf)  }
0x140: {  	[tilespmem:s20+$0xFFFFFFF0] =	vst v1;
	v1 =	vpop (erf)  }
0x141: {  	s26 =	simm.s32 $0x0;
	p0 =	por $0x0, $0x0;
	[tilespmem:s20+$0xFFFFFFE0] =	vst v1;
	v1 =	vpop (erf)  }
0x142: {  	p1 =	por $0x0, $0x0;
	p2 =	por $0x0, $0x0;
	s15 =	simm.s32 $0x7820;
	[tilespmem:s20+$0x0] =	vst v1  }
0x143: {  	p3 =	por $0x1, $0x1  }
.Ltmp11:
0x144: {  	v1 =	vmov s26;
	s16 =	simm.s32 $0x30;
	s17 =	simm.s32 $0x10;
	(pc) =	sbr.rel @!p3 .LBB2_20-.Ltmp11, $4  }
0x145: {  	s18 =	simm.s32 $0x20;
	v1 =	vor.u32 $0x8, v1;
	v2 =	vmov s16;
	v3 =	vmov s17  }
0x146: {  	v4 =	vmov s18;
	v2 =	vor.u32 $0x8, v2;
	v3 =	vor.u32 $0x8, v3  }
0x147: {  	v4 =	vor.u32 $0x8, v4;
	v10 =	vbroadcast v1, $0x0;
	v8 =	vbroadcast v2, $0x0  }
0x148: {  	s26 =	simm.s32 $0x40;
	p0 =	por $0x1, $0x1;
	v7 =	vbroadcast v3, $0x0;
	v9 =	vbroadcast v4, $0x0  }
0x149: {  	_ =	sdelay $0x3  }
0x14a: {  	v5 =	vld.idx.msk [tilespmem:v8+s30+$0x0], $0xffff  }
0x14b: {  	s16 =	simm.s32 $0x70;
	v11 =	vld [tilespmem:s13+$0x10];
	p3 =	por $0x1, $0x1  }
.Ltmp12:
0x14c: {  	v3 =	vmov s26;
	s17 =	simm.s32 $0x50;
	s18 =	simm.s32 $0x60;
	v2 =	vmov s16;
	v1 =	vld.idx.msk [tilespmem:v7+s30+$0x0], $0xffff;
	(pc) =	sbr.rel @!p3 .LBB2_22-.Ltmp12, $4  }
0x14d: {  	v6 =	vmov s17;
	v7 =	vmov s18;
	v4 =	vld.idx.msk [tilespmem:v9+s30+$0x0], $0xffff;
	v2 =	vor.u32 $0x8, v2  }
0x14e: {  	v6 =	vor.u32 $0x8, v6;
	v9 =	vor.u32 $0x8, v7;
	v8 =	vbroadcast v2, $0x0;
	v2 =	vld.idx.msk [tilespmem:v10+s30+$0x0], $0xffff  }
0x14f: {  	v10 =	vor.u32 $0x8, v3;
	v7 =	vbroadcast v6, $0x0;
	v9 =	vbroadcast v9, $0x0;
	v3 =	vld [tilespmem:s13+$0xFFFFFFE0]  }
0x150: {  	s26 =	simm.s32 $0x80;
	p1 =	por $0x1, $0x1;
	v6 =	vld [tilespmem:s13+$0xFFFFFFF0];
	v10 =	vbroadcast v10, $0x0;
	v5 =	vmul.f32 v11, v5  }
0x151: {  	_ =	sdelay $0x2  }
0x152: {  	v16 =	vld [tilespmem:s13+$0x0];
	s16 =	simm.s32 $0xB0  }
0x153: {  	s17 =	simm.s32 $0x90;
	v18 =	vld.idx.msk [tilespmem:v8+s30+$0x0], $0xffff;
	v8 =	vmov s16  }
0x154: {  	s18 =	simm.s32 $0xA0;
	v19 =	vld [tilespmem:s14+$0x10];
	p3 =	por $0x1, $0x1;
	v11 =	vmov s17;
	v8 =	vor.u32 $0x8, v8  }
.Ltmp13:
0x155: {  	v13 =	vmov s18;
	v14 =	vor.u32 $0x8, v11;
	v11 =	vld.idx.msk [tilespmem:v7+s30+$0x0], $0xffff;
	v8 =	vbroadcast v8, $0x0;
	(pc) =	sbr.rel @!p3 .LBB2_24-.Ltmp13, $4  }
0x156: {  	v12 =	vmov s26;
	v15 =	vor.u32 $0x8, v13;
	v13 =	vld.idx.msk [tilespmem:v9+s30+$0x0], $0xffff;
	v7 =	vbroadcast v14, $0x0  }
0x157: {  	v14 =	vor.u32 $0x8, v12;
	v9 =	vbroadcast v15, $0x0;
	v12 =	vld.idx.msk [tilespmem:v10+s30+$0x0], $0xffff;
	v20 =	vmul.f32 v6, v1  }
0x158: {  	s26 =	simm.s32 $0xC0;
	p2 =	por $0x1, $0x1;
	[tilespmem:s15+$0x10] =	vst v5;
	v10 =	vbroadcast v14, $0x0;
	v14 =	vld [tilespmem:s14+$0xFFFFFFE0];
	v17 =	vmul.f32 v16, v4  }
0x159: {  	s18 =	simm.s32 $0x10;
	s16 =	simm.s32 $0x7820;
	s17 =	simm.s32 $0x7820;
	v15 =	vmul.f32 v3, v2;
	v16 =	vld [tilespmem:s14+$0xFFFFFFF0];
	v18 =	vmul.f32 v19, v18;
	[tilespmem:s15+$0xFFFFFFF0] =	vst v20  }
.LBB2_25:
0x15a: {  	p3 =	slt.u32 s18, $0x7C;
	v19 =	vmov s26;
	s19 =	sadd.s32 $0x30, s26;
	v20 =	vld [tilespmem:s14+$0x0];
	[tilespmem:s16+$0x0] =	vst v17;
	s17 =	sadd.s32 $0x40, s17  }
0x15b: {  	s20 =	sadd.s32 $0x10, s26;
	s26 =	sadd.s32 $0x20, s26;
	s14 =	sadd.s32 $0x40, s14;
	v17 =	vor.u32 $0x8, v19;
	v25 =	vmov s19;
	v21 =	vld.idx.msk [tilespmem:v8+s30+$0x0], $0xffff;
	[tilespmem:s17+$0x10] =	vst v18;
	v18 =	vmov v11  }
0x15c: {  	v8 =	vmov s20;
	v11 =	vmov s26;
	v23 =	vmovc v13;
	v24 =	vor.u32 $0x8, v25;
	v22 =	vld [tilespmem:s14+$0x10];
	[tilespmem:s16+$0xFFFFFFE0] =	vst v15;
	s16 =	smov.u32 s17  }
.Ltmp14:
0x15d: {  	v13 =	vor.u32 $0x8, v8;
	v15 =	vor.u32 $0x8, v11;
	v8 =	vbroadcast v24, $0x0;
	v11 =	vld.idx.msk [tilespmem:v7+s30+$0x0], $0xffff;
	v19 =	vmovc v12;
	(pc) =	sbr.rel @p3 .LBB2_25-.Ltmp14, $4  }
0x15e: {  	v7 =	vbroadcast v13, $0x0;
	v13 =	vld.idx.msk [tilespmem:v9+s30+$0x0], $0xffff;
	v9 =	vbroadcast v15, $0x0  }
0x15f: {  	v24 =	vmul.f32 v16, v18;
	v12 =	vld.idx.msk [tilespmem:v10+s30+$0x0], $0xffff;
	v10 =	vbroadcast v17, $0x0  }
0x160: {  	v15 =	vmul.f32 v14, v19;
	v17 =	vmul.f32 v20, v23;
	v14 =	vld [tilespmem:s14+$0xFFFFFFE0]  }
0x161: {  	s26 =	sshll.u32 s18, $0x4;
	s18 =	sadd.s32 $0x4, s18;
	v16 =	vld [tilespmem:s14+$0xFFFFFFF0];
	v18 =	vmul.f32 v22, v21;
	[tilespmem:s17+$0xFFFFFFF0] =	vst v24  }
.LBB2_26:
0x162: {  	_ =	sdelay $0x2  }
0x163: {  	v19 =	vld @p1 [tilespmem:s14+$0x0]  }
0x164: {  	v8 =	vld.idx.msk @p0 [tilespmem:v8+s30+$0x0], $0xffff  }
0x165: {  	v7 =	vld.idx.msk @p0 [tilespmem:v7+s30+$0x0], $0xffff  }
0x166: {  	s14 =	sadd.s32 @p1 $0x40, s14;
	s19 =	simm.s32 $0x5820;
	v9 =	vld.idx.msk @p0 [tilespmem:v9+s30+$0x0], $0xffff  }
0x167: {  	s18 =	sadd.s32 $0x30, s26;
	v10 =	vld.idx.msk @p0 [tilespmem:v10+s30+$0x0], $0xffff;
	s19 =	smov.u32 @p1 s14  }
0x168: {  	s20 =	sadd.s32 $0x20, s26;
	v20 =	vmov s18;
	v21 =	vld @p0 [tilespmem:s19+$0x10]  }
0x169: {  	s18 =	sadd.s32 $0x10, s26;
	v23 =	vmov s20;
	v20 =	vor.u32 $0x8, v20;
	v25 =	vld @p0 [tilespmem:s19+$0xFFFFFFE0]  }
0x16a: {  	v22 =	vmov s18;
	v23 =	vor.u32 $0x8, v23;
	v26 =	vld @p0 [tilespmem:s19+$0xFFFFFFF0];
	s18 =	sadd.s32 @p0 $0x40, s19;
	v20 =	vbroadcast v20, $0x0  }
0x16b: {  	v24 =	vmov s26;
	v27 =	vld @p0 [tilespmem:s19+$0x0];
	v22 =	vor.u32 $0x8, v22;
	v23 =	vbroadcast v23, $0x0;
	s13 =	smov.u32 @p0 s18  }
0x16c: {  	[tilespmem:s16+$0x0] =	vst @p2 v17;
	v24 =	vor.u32 $0x8, v24;
	s14 =	sadd.s32 @p2 $0x40, s17;
	s17 =	simm.s32 $0x7820;
	v22 =	vbroadcast v22, $0x0;
	v57 =	vld [tilespmem:s13+$0x10]  }
0x16d: {  	[tilespmem:s16+$0xFFFFFFE0] =	vst @p2 v15;
	v24 =	vbroadcast v24, $0x0;
	s17 =	smov.u32 @p2 s14;
	v11 =	vmul.f32 @p1 v16, v11;
	v61 =	vld [tilespmem:s13+$0xFFFFFFF0]  }
0x16e: {  	[tilespmem:s17+$0x10] =	vst @p1 v18;
	v12 =	vmul.f32 @p1 v14, v12;
	v62 =	vld [tilespmem:s13+$0x0];
	v13 =	vmul.f32 @p1 v19, v13;
	v1 =	vpsel p0, v7, v1  }
0x16f: {  	s14 =	smov.u32 @p1 s17;
	v63 =	vld [tilespmem:s13+$0xFFFFFFE0];
	v4 =	vpsel p0, v9, v4;
	v2 =	vpsel p0, v10, v2;
	[tilespmem:s17+$0xFFFFFFF0] =	vst @p1 v11;
	v8 =	vmul.f32 @p0 v21, v8  }
0x170: {  	s16 =	sadd.s32 @p1 $0x40, s17;
	s14 =	smov.u32 @p1 s14;
	s17 =	simm.s32 $0x7820;
	v11 =	vpsel p1, v13, v0;
	v6 =	vpsel p0, v26, v6;
	v4 =	vmul.f32 @p0 v27, v4;
	v56 =	vld.idx.msk [tilespmem:v20+s30+$0x0], $0xffff  }
0x171: {  	s17 =	smov.u32 @p1 s16;
	v3 =	vpsel p0, v25, v3;
	[tilespmem:s14+$0x0] =	vst @p1 v11;
	v59 =	vld.idx.msk [tilespmem:v23+s30+$0x0], $0xffff;
	v5 =	vpsel p0, v8, v5  }
0x172: {  	v1 =	vmul.f32 @p0 v6, v1;
	v8 =	vpsel p1, v12, v0;
	v58 =	vld.idx.msk [tilespmem:v22+s30+$0x0], $0xffff;
	[tilespmem:s17+$0x10] =	vst @p0 v5  }
0x173: {  	v60 =	vld.idx.msk [tilespmem:v24+s30+$0x0], $0xffff;
	v2 =	vmul.f32 @p0 v3, v2;
	[tilespmem:s14+$0xFFFFFFE0] =	vst @p1 v8;
	s14 =	smov.u32 @p0 s17  }
0x174: {  	[tilespmem:s17+$0xFFFFFFF0] =	vst @p0 v1;
	v1 =	vpsel p0, v4, v0;
	s13 =	smov.u32 @p0 s14  }
0x175: {  	s14 =	sadd.s32 @p0 $0x40, s17;
	[tilespmem:s13+$0x0] =	vst @p0 v1;
	v1 =	vpsel p0, v2, v0;
	v3 =	vmul.f32 v57, v56  }
0x176: {  	s15 =	smov.u32 @p0 s14;
	[tilespmem:s13+$0xFFFFFFE0] =	vst @p0 v1;
	v1 =	vmul.f32 v62, v59  }
0x177: {  	v2 =	vmul.f32 v61, v58;
	[tilespmem:s15+$0x10] =	vst v3  }
0x178: {  	v3 =	vmul.f32 v63, v60;
	[tilespmem:s15+$0x0] =	vst v1  }
0x179: {  	s12 =	sand.u32 $0x3FFFFF80, s12;
	s11 =	sadd.s32 $0x1, s11;
	[tilespmem:s15+$0xFFFFFFF0] =	vst v2  }
0x17a: {  	s12 =	sadd.s32 $0x2800, s12;
	p0 =	sne.s32 s11, $0x28;
	[tilespmem:s15+$0xFFFFFFE0] =	vst v3  }
0x17b: {  	[spmem:s2] =	stream.indirect.scatter.add.f32 [tilespmem:s9], [sflag:$0x5], $0x10, s12, s28, $0xb8;
	[tilespmem:$0xB000] =	vst v63  }
.Ltmp15:
0x17c: {  	_ = 	snop;
	(pc) =	sbr.rel @p0 .LBB2_4-.Ltmp15, $4  }
.Ltmp16:
0x17d: {  	_ = 	snop;
	(pc) =	sbr.rel @!p0 .LBB2_27-.Ltmp16, $4  }
0x17e: {  	_ =	swait.ge [sflag:s25], $0x800  }
0x17f: {  	[sflag:s25] =	ssyncset.done $0x0  }
0x180: {  	[sflag:s25] =	ssyncadd.s32 $0xFFFFF800  }
0x181: {  	_ = 	snop  }
.LBB2_7:
.Ltmp17:
0x182: {  	(pc) =	sbr.rel .LBB2_15-.Ltmp17, $2  }
0x183: {  	_ =	sdelay $0x2  }
0x184: {  	s14 =	simm.s32 $0x5020;
	s17 =	simm.s32 $0x7020  }
.LBB2_18:
.Ltmp18:
0x185: {  	(pc) =	sbr.rel .LBB2_26-.Ltmp18, $2  }
0x186: {  	_ =	sdelay $0x2  }
0x187: {  	s14 =	simm.s32 $0x5820;
	s17 =	simm.s32 $0x7820  }
.LBB2_9:
.Ltmp19:
0x188: {  	(pc) =	sbr.rel .LBB2_15-.Ltmp19, $2  }
0x189: {  	_ =	sdelay $0x2  }
0x18a: {  	s14 =	simm.s32 $0x5020;
	s17 =	simm.s32 $0x7020  }
.LBB2_20:
.Ltmp20:
0x18b: {  	(pc) =	sbr.rel .LBB2_26-.Ltmp20, $2  }
0x18c: {  	_ =	sdelay $0x2  }
0x18d: {  	s14 =	simm.s32 $0x5820;
	s17 =	simm.s32 $0x7820  }
.LBB2_11:
.Ltmp21:
0x18e: {  	_ = 	snop;
	(pc) =	sbr.rel .LBB2_15-.Ltmp21, $3  }
0x18f: {  	_ =	sdelay $0x1  }
0x190: {  	v11 =	vmov v1  }
0x191: {  	s14 =	simm.s32 $0x5020;
	s17 =	simm.s32 $0x7020;
	v18 =	vmovc v5;
	v13 =	vmovc v4;
	v12 =	vmov v2;
	v14 =	vmov v3;
	v16 =	vmov v6  }
.LBB2_22:
.Ltmp22:
0x192: {  	_ = 	snop;
	(pc) =	sbr.rel .LBB2_26-.Ltmp22, $3  }
0x193: {  	_ =	sdelay $0x1  }
0x194: {  	v11 =	vmov v1  }
0x195: {  	s14 =	simm.s32 $0x5820;
	s17 =	simm.s32 $0x7820;
	v18 =	vmovc v5;
	v13 =	vmovc v4;
	v12 =	vmov v2;
	v14 =	vmov v3;
	v16 =	vmov v6  }
.LBB2_13:
.Ltmp23:
0x196: {  	(pc) =	sbr.rel .LBB2_15-.Ltmp23, $2  }
0x197: {  	_ =	sdelay $0x2  }
0x198: {  	s16 =	simm.s32 $0x7020;
	s17 =	simm.s32 $0x7020  }
.LBB2_24:
.Ltmp24:
0x199: {  	(pc) =	sbr.rel .LBB2_26-.Ltmp24, $2  }
0x19a: {  	_ =	sdelay $0x2  }
0x19b: {  	s16 =	simm.s32 $0x7820;
	s17 =	simm.s32 $0x7820  }
.LBB2_28:
0x19c: {  	_ =	sfence.sel $0x180000  }
0x19d: {  	[bflag:$0x0] =	sbarrier.arrive $0xFFFF  }
0x19e: {  	_ =	strace $0x9000004A  }
0x19f: {  	s0 =	stileid.u32;
	[bflag:$0x2] =	sbarrier.arrive $0xFFFF  }
0x1a0: {  	p0 =	sne.s32 s0, $0x0;
	s0 =	rddreg [dreg:$0x2]  }
0x1a1: {  	s0 =	sadd.s32 @!p0 $0x100000, s0  }
0x1a2: {  	[sflag:s0] =	ssyncadd.tile.s32 @!p0 $0x1;
	_ =	shalt  }
.Lfunc_end2:
_tile_overlayer_lowered:
.L_overlay_start_2:
0x1a3: {  	(tag) =	ssettag $0x2  }
0x1a4: {  	s0 =	rddreg [dreg:$0x0];
	s2 =	stileid.u32  }
0x1a5: {  	s1 =	rddreg [dreg:$0x1];
	p0 =	sne.s32 s2, $0x0  }
0x1a6: {  	s3 =	rddreg [dreg:$0x2];
	[bflag:$0x3] =	sbarrier.arrive $0xFFFF;
	s2 =	simm.s32 @!p0 $0x1C05  }
0x1a7: {  	[timem:s3], [sflag:s2] =	dma.local @!p0 [hbm:s0], s1  }
0x1a8: {  	s0 =	simm.s32 @!p0 $0x5  }
0x1a9: {  	_ =	swait.ge @!p0 [sflag:s0], s1  }
0x1aa: {  	s1 =	ssub.s32 @!p0 $0x0, s1;
	[sflag:s0] =	ssyncset.done @!p0 $0x0  }
0x1ab: {  	[sflag:s0] =	ssyncadd.s32 @!p0 s1  }
0x1ac: {  	[bflag:$0x3] =	sbarrier.arrive $0xFFFF  }
0x1ad: {  	_ =	shalt  }

// kernel: kernel.7.cloned.1.call-start
scs
__scs_entry_jumppad:
0x0: {  	(pc) =	sbr.rel $0x88, $3  }
0x1: {  	(tag) =	ssettag $0x0;
	lr =	simm.s32 $0x1  }
0x2: {  	[smem:$0x3F97] =	sst lr;
	_ =	strace $0xD0000000  }
0x3: {  	_ = 	snop  }
0x4: {  	_ = 	snop  }
0x5: {  	_ = 	snop  }
0x6: {  	_ = 	snop  }
0x7: {  	_ = 	snop  }
__scs_overlays_trampoline_lowered:
0x8: {  	[smem:$0x3FA6] =	sst s0  }
0x9: {  	[smem:$0x3FA7] =	sst s1  }
0xa: {  	[smem:$0x3FA8] =	sst s2  }
0xb: {  	[smem:$0x3FA9] =	sst s3  }
0xc: {  	[smem:$0x3FAA] =	sst s4  }
0xd: {  	[smem:$0x3FAB] =	sst s5  }
0xe: {  	[smem:$0x3FAC] =	sst s6  }
0xf: {  	[smem:$0x3FAD] =	sst s7  }
0x10: {  	[smem:$0x3FAE] =	sst s8  }
0x11: {  	[smem:$0x3FAF] =	sst s9;
	s0 =	simm.s32 @!p0 $0x0  }
0x12: {  	s1 =	sld [smem:$0x3F95];
	s0 =	simm.s32 @p0 $0x1  }
0x13: {  	[smem:$0x3FB0] =	sst s0;
	s0 =	simm.s32 @!p1 $0x0  }
0x14: {  	s2 =	sld [smem:$0x3F94];
	s0 =	simm.s32 @p1 $0x1  }
0x15: {  	[smem:$0x3FB1] =	sst s0;
	s0 =	simm.s32 @!p2 $0x0  }
0x16: {  	s3 =	sld [smem:$0x3FDB];
	s0 =	simm.s32 @p2 $0x1  }
0x17: {  	s4 =	simm.s32 $0x1BF5;
	[smem:$0x3FB3] =	sst s0  }
0x18: {  	s0 =	sld [smem:$0x3F96];
	_ =	swait.ge [sflag:s4], $0x0  }
0x19: {  	s7 =	sld [smem:$0x3F97]  }
0x1a: {  	s8 =	sadd.s32 $0xFFFFE003, lr  }
0x1b: {  	s9 =	sadd.s32 $0xFFFFFEF7, lr;
	s5 =	simm.s32 $0xFFFFFFFF;
	p2 =	slt.u32 s8, $0xFFFFF086  }
0x1c: {  	p1 =	slt.u32 s9, $0xF7A;
	s5 =	simm.s32 @!p2 $0x0  }
0x1d: {  	s5 =	simm.s32 @p1 $0x1;
	p0 =	seq.s32 s7, s2  }
0x1e: {  	s7 =	smul.u32 @!p0 $0xF7A, s2;
	p2 =	seq.s32 @!p0 s5, $0x0  }
0x1f: {  	s9 =	smul.u32 $0xF7A, s1;
	s8 =	simm.s32 @!p0 $0x1BF5;
	p2 =	por !p2, p0  }
0x20: {  	[sflag:s8] =	ssyncset.s32 @!p0 $0xFFFFF086;
	s6 =	sadd.s32 @!p0 s3, s7;
	s7 =	simm.s32 @!p0 $0x108  }
0x21: {  	s3 =	sadd.s32 s3, s9;
	s6 =	sadd.s32 @!p0 $0x88, s6;
	s7 =	simm.s32 @p2 $0x1082  }
0x22: {  	[simem:s7], [sflag:s8] =	dma.local @!p0 [hbm:s6], $0xF7A  }
0x23: {  	s9 =	sor.u32 $0xD0000000, s2;
	s6 =	simm.s32 $0x108;
	_ =	swait.ge @!p0 [sflag:s8], $0x0  }
0x24: {  	s3 =	sadd.s32 $0x88, s3;
	s6 =	simm.s32 @!p1 $0x1082;
	[sflag:s4] =	ssyncset.s32 $0xFFFFF086  }
0x25: {  	[simem:s6], [sflag:s4] =	dma.local [hbm:s3], $0xF7A  }
0x26: {  	[smem:$0x3F97] =	sst s1;
	(tag) =	ssettag s2;
	_ =	strace s9  }
0x27: {  	s1 =	sld [smem:$0x3FA7]  }
0x28: {  	s2 =	sld [smem:$0x3FA8]  }
0x29: {  	s4 =	sld [smem:$0x3FAA]  }
0x2a: {  	p0 =	seq.s32 s5, $0x0;
	s5 =	sld [smem:$0x3FAB]  }
0x2b: {  	s6 =	sld [smem:$0x3FAC]  }
0x2c: {  	s7 =	sld [smem:$0x3FAD]  }
0x2d: {  	s3 =	simm.s32 $0x108;
	s8 =	sld [smem:$0x3FAE]  }
0x2e: {  	s3 =	simm.s32 @!p0 $0x1082;
	s9 =	sld [smem:$0x3FAF]  }
0x2f: {  	lr =	sadd.s32 s0, s3;
	s0 =	sld [smem:$0x3FA6]  }
0x30: {  	s3 =	sld [smem:$0x3FA9]  }
0x31: {  	[smem:$0x3FB2] =	sst s10  }
0x32: {  	s10 =	sld [smem:$0x3FB0];
	_ =	sdelay $0x3  }
0x33: {  	p0 =	seq.s32 s10, $0x1;
	s10 =	sld [smem:$0x3FB2];
	_ =	sdelay $0x3  }
0x34: {  	[smem:$0x3FB2] =	sst s10  }
0x35: {  	s10 =	sld [smem:$0x3FB1];
	_ =	sdelay $0x3  }
0x36: {  	p1 =	seq.s32 s10, $0x1;
	s10 =	sld [smem:$0x3FB2];
	_ =	sdelay $0x3  }
0x37: {  	[smem:$0x3FB2] =	sst s10  }
0x38: {  	s10 =	sld [smem:$0x3FB3]  }
0x39: {  	_ = 	snop;
	(pc) =	sbr.ind lr, $3  }
0x3a: {  	_ = 	snop  }
0x3b: {  	_ = 	snop  }
0x3c: {  	p2 =	seq.s32 s10, $0x1;
	s10 =	sld [smem:$0x3FB2]  }
0x3d: {  	_ =	shalt  }
0x3e: {  	_ =	shalt  }
0x3f: {  	_ =	shalt  }
0x40: {  	_ =	shalt  }
0x41: {  	_ =	shalt  }
0x42: {  	_ =	shalt  }
0x43: {  	_ =	shalt  }
0x44: {  	_ =	shalt  }
0x45: {  	_ =	shalt  }
0x46: {  	_ =	shalt  }
0x47: {  	_ =	shalt  }
0x48: {  	_ =	shalt  }
0x49: {  	_ =	shalt  }
0x4a: {  	_ =	shalt  }
0x4b: {  	_ =	shalt  }
0x4c: {  	_ =	shalt  }
0x4d: {  	_ =	shalt  }
0x4e: {  	_ =	shalt  }
0x4f: {  	_ =	shalt  }
0x50: {  	_ =	shalt  }
0x51: {  	_ =	shalt  }
0x52: {  	_ =	shalt  }
0x53: {  	_ =	shalt  }
0x54: {  	_ =	shalt  }
0x55: {  	_ =	shalt  }
0x56: {  	_ =	shalt  }
0x57: {  	_ =	shalt  }
0x58: {  	_ =	shalt  }
0x59: {  	_ =	shalt  }
0x5a: {  	_ =	shalt  }
0x5b: {  	_ =	shalt  }
0x5c: {  	_ =	shalt  }
0x5d: {  	_ =	shalt  }
0x5e: {  	_ =	shalt  }
0x5f: {  	_ =	shalt  }
0x60: {  	_ =	shalt  }
0x61: {  	_ =	shalt  }
0x62: {  	_ =	shalt  }
0x63: {  	_ =	shalt  }
0x64: {  	_ =	shalt  }
0x65: {  	_ =	shalt  }
0x66: {  	_ =	shalt  }
0x67: {  	_ =	shalt  }
0x68: {  	_ =	shalt  }
0x69: {  	_ =	shalt  }
0x6a: {  	_ =	shalt  }
0x6b: {  	_ =	shalt  }
0x6c: {  	_ =	shalt  }
0x6d: {  	_ =	shalt  }
0x6e: {  	_ =	shalt  }
0x6f: {  	_ =	shalt  }
0x70: {  	_ =	shalt  }
0x71: {  	_ =	shalt  }
0x72: {  	_ =	shalt  }
0x73: {  	_ =	shalt  }
0x74: {  	_ =	shalt  }
0x75: {  	_ =	shalt  }
0x76: {  	_ =	shalt  }
0x77: {  	_ =	shalt  }
0x78: {  	_ =	shalt  }
0x79: {  	_ =	shalt  }
0x7a: {  	_ =	shalt  }
0x7b: {  	_ =	shalt  }
0x7c: {  	_ =	shalt  }
0x7d: {  	_ =	shalt  }
0x7e: {  	_ =	shalt  }
0x7f: {  	_ =	shalt  }
0x80: {  	_ =	shalt  }
0x81: {  	_ =	shalt  }
0x82: {  	_ =	shalt  }
0x83: {  	_ =	shalt  }
0x84: {  	_ =	shalt  }
0x85: {  	_ =	shalt  }
0x86: {  	_ =	shalt  }
0x87: {  	_ =	shalt  }
.Lfunc_end0:
.L_simem_size_0:
called_computation_lowered:
.L_overlay_start_0:
0x88: {  	s2 =	sld [smem:$0x3FD9]  }
0x89: {  	s3 =	sld [smem:$0x3FFE];
	_ =	sdelay $0x1  }
0x8a: {  	s1 =	srdreg.scid  }
0x8b: {  	s0 =	sand.u32 $0x1, s1  }
0x8c: {  	s16 =	sshll.u32 s0, $0xA;
	s2 =	sadd.s32 s3, s2  }
0x8d: {  	s2 =	sadd.s32 s2, s16  }
0x8e: {  	[smem:$0x3FBE] =	sst s2  }
0x8f: {  	_ = 	snop  }
0x90: {  	(tm) =	ssettm $0x1  }
0x91: {  	s17 =	sld [smem:$0x3FFB];
	_ =	sdelay $0x3  }
0x92: {  	_ =	strace s17  }
0x93: {  	s2 =	sld [smem:$0x3FFC];
	_ =	sdelay $0x3  }
0x94: {  	_ =	strace s2  }
0x95: {  	s2 =	sld [smem:$0x3FFD];
	_ =	sdelay $0x3  }
0x96: {  	_ =	strace s2  }
0x97: {  	_ =	strace $0x8FFFFFFF  }
0x98: {  	s18 =	sld [smem:$0x3FDB];
	_ =	sdelay $0x1  }
0x99: {  	s19 =	simm.s32 $_scs_section_size  }
0x9a: {  	s4 =	simm.s32 $_size__tile_overlayer_lowered;
	s5 =	simm.s32 $_tile_overlayer_lowered  }
0x9b: {  	s22 =	simm.s32 $0x1BFF;
	s21 =	sshll.u32 s5, $0x1;
	s2 =	sadd.s32 s19, s18  }
0x9c: {  	s6 =	simm.s32 $0x0;
	s20 =	sshll.u32 s4, $0x1;
	s4 =	sadd.s32 s21, s2  }
0x9d: {  	[timem:s6], [sflag:s22] =	dma.local [hbm:s4], s20  }
0x9e: {  	_ =	swait.ge [sflag:s22], s20  }
0x9f: {  	s3 =	ssub.s32 $0x0, s20;
	[sflag:s22] =	ssyncset.done $0x0  }
0xa0: {  	[sflag:s22] =	ssyncadd.s32 s3;
	_ =	sdelay $0x1  }
0xa1: {  	s23 =	simm.s32 $0x1B8B  }
0xa2: {  	_ =	swait.ge [sflag:s23], $0x1  }
0xa3: {  	[sflag:s23] =	ssyncset.done $0x0  }
0xa4: {  	s25 =	simm.s32 $0x1B8E;
	s24 =	sld [smem:$0x3FFE];
	[sflag:s23] =	ssyncadd.s32 $0xFFFFFFFF  }
0xa5: {  	s26 =	simm.s32 $execute0_lowered;
	[smem:$0x3FD2] =	sst s25  }
0xa6: {  	s4 =	sshll.u32 s26, $0x1;
	_ =	strace $0x80000046;
	[dreg:$0x1] =	wrdreg $0xFFFFFFFF  }
0xa7: {  	s28 =	simm.s32 $_size_execute0_lowered;
	s2 =	sadd.s32 s2, s4;
	[dreg:$0x0] =	wrdreg $0x0  }
0xa8: {  	s4 =	sshll.u32 s28, $0x1;
	[dreg:$0x2] =	wrdreg s2  }
0xa9: {  	[dreg:$0x3] =	wrdreg s4  }
0xaa: {  	[dreg:$0x4] =	wrdreg $0xC0  }
0xab: {  	_ =	task [dreg:s6], $0x5FFFF  }
0xac: {  	[dreg:$0x1] =	wrdreg $0xFFFFFFFF  }
0xad: {  	[dreg:$0x0] =	wrdreg $0x60  }
0xae: {  	[dreg:$0x2] =	wrdreg s24  }
0xaf: {  	[dreg:$0x3] =	wrdreg $0x108000  }
0xb0: {  	[dreg:$0x4] =	wrdreg $0x9  }
0xb1: {  	_ =	task.clear_ibuf [dreg:s6], $0x5FFFF;
	_ =	strace $0x90000046  }
0xb2: {  	s29 =	simm.s32 $0x9;
	_ =	strace $0x80000048  }
0xb3: {  	_ =	swait.ge [sflag:s29], $0x1  }
0xb4: {  	[sflag:s29] =	ssyncadd.s32 $0xFFFFFFFF  }
0xb5: {  	_ =	strace $0x90000048  }
0xb6: {  	_ =	sfence  }
0xb7: {  	s30 =	sld [smem:$0x0];
	_ =	sdelay $0x2  }
0xb8: {  	s31 =	sshll.u32 s1, $0xD;
	s1 =	sshrl.u32 s1, $0x2  }
0xb9: {  	s3 =	sand.u32 $0x4000, s31;
	s1 =	sadd.s32 s1, s30  }
0xba: {  	s0 =	sor.u32 s3, s0;
	s1 =	sshll.u32 s1, $0x11  }
0xbb: {  	s0 =	sor.u32 s1, s0  }
0xbc: {  	s0 =	sadd.s32 $0x8F2B, s0  }
0xbd: {  	[sflag:s0] =	ssyncadd.remote.s32 $0x1  }
0xbe: {  	_ =	sfence.sel $0xFFFF  }
0xbf: {  	[dreg:$0x0] =	wrdreg $0xFFFFFFFF;
	(pc) =	sbr.abs _section_cstart, $3  }
0xc0: {  	[dreg:$0x1] =	wrdreg $0xFFFFFFFF  }
0xc1: {  	_ =	task.clear_ibuf [dreg:s6], $0x2FFFF;
	_ =	strace $0x9FFFFFFF  }
0xc2: {  	(tm) =	ssettm $0x7FFFFFFF  }
0xc3: {  	_ =	shalt  }
tec
execute0_lowered:
.L_overlay_start_1:
0x0: {  	(tag) =	ssettag $0x1  }
0x1: {  	s0 =	rddreg [dreg:$0x0]  }
0x2: {  	s1 =	srdreg.scid;
	s11 =	stileid.u32  }
0x3: {  	s2 =	rddreg [dreg:$0x1];
	s3 =	simm.s32 $0x0;
	s28 =	simm.s32 $0x80  }
0x4: {  	s31 =	simm.s32 $0x7800;
	s29 =	simm.s32 $0x3;
	s8 =	smul.u32 $0x280, s11  }
0x5: {  	s30 =	simm.s32 $0x10000;
	s1 =	sand.u32 $0x1, s1;
	s10 =	smul.u32 $0xC800, s11  }
0x6: {  	s4 =	sshll.u32 s11, $0x1;
	[smem:$0x7FF] =	sst s3;
	s21 =	smul.u32 $0x32000, s11  }
0x7: {  	s4 =	sor.u32 s1, s4;
	s7 =	ssub.s32 $0x2, s1;
	s1 =	smul.u32 $0xC8000, s1  }
0x8: {  	s5 =	sadd.s32 $0x28C00, s0;
	_ =	strace $0x80000047;
	s6 =	smul.u32 $0x500, s4  }
0x9: {  	s4 =	sadd.s32 $0x2DC00, s0;
	s9 =	sshrl.u32 s7, $0x1;
	s22 =	sadd.s32 $0x80, s8  }
0xa: {  	s23 =	sadd.s32 s10, s2;
	s24 =	sshrl.u32 s21, $0x2;
	s8 =	sadd.s32 $0x14000, s21  }
0xb: {  	s12 =	sadd.s32 $0x1E000, s21;
	s14 =	sadd.s32 $0x28000, s21;
	s21 =	sadd.s32 $0x5000, s10  }
0xc: {  	s7 =	ssub.s32 s7, s9;
	[dreg:$0x5] =	wrdreg s23;
	s25 =	smul.u32 $0x140, s22  }
0xd: {  	s26 =	sadd.s32 s24, s2;
	s13 =	sshrl.u32 s12, $0x2;
	s15 =	sadd.s32 s1, s10  }
0xe: {  	s16 =	sshrl.u32 s14, $0x2;
	s23 =	sadd.s32 s1, s21;
	s24 =	sadd.s32 $0x7800, s10  }
0xf: {  	s9 =	simm.s32 $0x0;
	s6 =	sadd.s32 s6, s0;
	s0 =	sadd.s32 $0x5A400, s0  }
0x10: {  	s7 =	smax.u32 s7, $0x1;
	[dreg:$0x7] =	wrdreg s26;
	s17 =	sshrl.u32 s15, $0x3  }
0x11: {  	s26 =	sadd.s32 s1, s24;
	s20 =	sadd.s32 $0x50400, s6;
	[dreg:$0x6] =	wrdreg s7  }
0x12: {  	s6 =	sadd.s32 $0x46400, s6;
	s11 =	sshrl.u32 s25, $0x2;
	[dreg:$0x3] =	wrdreg s20  }
0x13: {  	s7 =	sshrl.u32 s8, $0x2;
	s18 =	sadd.s32 s0, s17;
	[dreg:$0x4] =	wrdreg s6  }
0x14: {  	s25 =	sadd.s32 $0xA000, s10;
	s8 =	sadd.s32 s11, s2;
	[dreg:$0xc] =	wrdreg s18  }
0x15: {  	s7 =	sadd.s32 s7, s2;
	s6 =	smul.u32 $0x50, s22;
	[dreg:$0x8] =	wrdreg s8  }
0x16: {  	s22 =	sadd.s32 s21, s2;
	[dreg:$0x9] =	wrdreg s7;
	s7 =	sadd.s32 s13, s2  }
0x17: {  	[dreg:$0xf] =	wrdreg s22;
	s22 =	sadd.s32 s25, s2;
	s8 =	simm.s32 $0xD800  }
0x18: {  	[dreg:$0xa] =	wrdreg s7;
	s7 =	sadd.s32 s16, s2;
	s19 =	sadd.s32 s1, s6  }
0x19: {  	s6 =	sadd.s32 s6, s2;
	s1 =	sadd.s32 s1, s25;
	[dreg:$0xb] =	wrdreg s7  }
0x1a: {  	s25 =	simm.s32 $0x5;
	[dreg:$0xd] =	wrdreg s6;
	s20 =	sshrl.u32 s19, $0x3  }
0x1b: {  	s7 =	sadd.s32 s24, s2;
	s1 =	sshrl.u32 s1, $0x3;
	s6 =	sadd.s32 s0, s20  }
.Ltmp0:
0x1c: {  	[dreg:$0xe] =	wrdreg s6;
	s6 =	sshrl.u32 s23, $0x3;
	(pc) =	sbr.rel .LBB2_1-.Ltmp0, $4  }
0x1d: {  	s24 =	simm.s32 $0xB000;
	[dreg:$0x11] =	wrdreg s7;
	s6 =	sadd.s32 s0, s6  }
0x1e: {  	v1 =	vlaneseq.u32;
	s7 =	simm.s32 $0x4;
	[dreg:$0x10] =	wrdreg s6;
	s6 =	sshrl.u32 s26, $0x3  }
0x1f: {  	v0 =	vimm.f32 $0.0e+00;
	v1 =	vshrl.u32 v1, $0x3;
	s23 =	sadd.s32 s0, s1;
	s1 =	simm.s32 $0xA800;
	s6 =	sadd.s32 s0, s6  }
0x20: {  	v2 =	vor.u32 $0x2, v1;
	v3 =	vor.u32 $0x4, v1;
	v4 =	vor.u32 $0x6, v1;
	s0 =	simm.s32 $0x1;
	[dreg:$0x12] =	wrdreg s6;
	s6 =	simm.s32 $0x2  }
.LBB2_23:
0x21: {  	[bflag:$0x0] =	sbarrier.arrive $0xFFFF  }
0x22: {  	s10 =	rddreg [dreg:$0x5]  }
0x23: {  	[tilespmem:s24], [sflag:$0x5] =	stream.linear.gather [spmem:s10], $0x2800, $0x38;
	[tilespmem:$0x1D000] =	vst v63  }
0x24: {  	_ =	swait.ge [sflag:s25], $0x2800  }
0x25: {  	[sflag:s25] =	ssyncset.done $0x0  }
0x26: {  	s15 =	rddreg [dreg:$0xc];
	[sflag:s25] =	ssyncadd.s32 $0xFFFFD800  }
0x27: {  	[hbm4b:s15+s3] =	stream.linear.scatter [tilespmem:s24], [sflag:$0x5], $0x2800, $0x38;
	[tilespmem:$0x1D000] =	vst v63  }
0x28: {  	_ =	swait.ge [sflag:s25], $0x2800  }
0x29: {  	[sflag:s25] =	ssyncset.done $0x0  }
0x2a: {  	s16 =	rddreg [dreg:$0xd];
	[sflag:s25] =	ssyncadd.s32 $0xFFFFD800  }
0x2b: {  	[tilespmem:s24], [sflag:$0x5] =	stream.linear.gather [spmem:s16], $0x2800, $0x38;
	[tilespmem:$0x1D000] =	vst v63  }
0x2c: {  	_ =	swait.ge [sflag:s25], $0x2800  }
0x2d: {  	[sflag:s25] =	ssyncset.done $0x0  }
0x2e: {  	s17 =	rddreg [dreg:$0xe];
	[sflag:s25] =	ssyncadd.s32 $0xFFFFD800  }
0x2f: {  	[hbm4b:s17+s3] =	stream.linear.scatter [tilespmem:s24], [sflag:$0x5], $0x2800, $0x38;
	[tilespmem:$0x1D000] =	vst v63  }
0x30: {  	_ =	swait.ge [sflag:s25], $0x2800  }
0x31: {  	[sflag:s25] =	ssyncset.done $0x0  }
0x32: {  	s18 =	rddreg [dreg:$0xf];
	[sflag:s25] =	ssyncadd.s32 $0xFFFFD800  }
0x33: {  	[tilespmem:s24], [sflag:$0x5] =	stream.linear.gather [spmem:s18], $0x2800, $0x38;
	[tilespmem:$0x1D000] =	vst v63  }
0x34: {  	_ =	swait.ge [sflag:s25], $0x2800  }
0x35: {  	[sflag:s25] =	ssyncset.done $0x0  }
0x36: {  	s19 =	rddreg [dreg:$0x10];
	[sflag:s25] =	ssyncadd.s32 $0xFFFFD800  }
0x37: {  	[hbm4b:s19+s3] =	stream.linear.scatter [tilespmem:s24], [sflag:$0x5], $0x2800, $0x38;
	[tilespmem:$0x1D000] =	vst v63  }
0x38: {  	_ =	swait.ge [sflag:s25], $0x2800  }
0x39: {  	[sflag:s25] =	ssyncset.done $0x0  }
0x3a: {  	s20 =	rddreg [dreg:$0x11];
	[sflag:s25] =	ssyncadd.s32 $0xFFFFD800  }
0x3b: {  	[tilespmem:s24], [sflag:$0x5] =	stream.linear.gather [spmem:s20], $0x2800, $0x38;
	[tilespmem:$0x1D000] =	vst v63  }
0x3c: {  	_ =	swait.ge [sflag:s25], $0x2800  }
0x3d: {  	[sflag:s25] =	ssyncset.done $0x0  }
0x3e: {  	s21 =	rddreg [dreg:$0x12];
	[sflag:s25] =	ssyncadd.s32 $0xFFFFD800  }
0x3f: {  	[hbm4b:s21+s3] =	stream.linear.scatter [tilespmem:s24], [sflag:$0x5], $0x2800, $0x38;
	[tilespmem:$0x1D000] =	vst v63  }
0x40: {  	_ =	swait.ge [sflag:s25], $0x2800  }
0x41: {  	[sflag:s25] =	ssyncset.done $0x0  }
0x42: {  	[sflag:s25] =	ssyncadd.s32 $0xFFFFD800  }
0x43: {  	[tilespmem:s24], [sflag:$0x5] =	stream.linear.gather [spmem:s22], $0x2800, $0x38;
	[tilespmem:$0x1D000] =	vst v63  }
0x44: {  	_ =	swait.ge [sflag:s25], $0x2800  }
0x45: {  	[sflag:s25] =	ssyncset.done $0x0  }
0x46: {  	[sflag:s25] =	ssyncadd.s32 $0xFFFFD800  }
0x47: {  	[hbm4b:s23+s3] =	stream.linear.scatter [tilespmem:s24], [sflag:$0x5], $0x2800, $0x38;
	[tilespmem:$0x1D000] =	vst v63  }
0x48: {  	_ =	swait.ge [sflag:s25], $0x2800  }
0x49: {  	s9 =	sadd.s32 $0x1, s9;
	s26 =	rddreg [dreg:$0x6]  }
0x4a: {  	p0 =	sne.s32 s9, s26  }
.Ltmp1:
0x4b: {  	_ = 	snop;
	(pc) =	sbr.rel @!p0 .LBB2_24-.Ltmp1, $3  }
0x4c: {  	_ =	sdelay $0x1  }
0x4d: {  	[sflag:s25] =	ssyncset.done $0x0  }
0x4e: {  	[sflag:s25] =	ssyncadd.s32 $0xFFFFD800  }
.LBB2_1:
0x4f: {  	s10 =	smul.u32 $0xCCCD, s3;
	_ =	sdelay $0x1  }
0x50: {  	s11 =	sshrl.u32 s10, $0x12  }
0x51: {  	s12 =	simm.s32 $0x0;
	s10 =	simm.s32 $0x1;
	s13 =	smul.u32 $0x5, s11  }
.LBB2_2:
0x52: {  	s14 =	smul.u32 $0xCCCD, s10  }
0x53: {  	s15 =	smov.u32 s10;
	s11 =	smul.u32 $0x140, s11;
	p0 =	sne.s32 s10, $0x27F  }
.Ltmp2:
0x54: {  	s12 =	ssub.s32 s12, s13;
	(pc) =	sbr.rel @p0 .LBB2_2-.Ltmp2, $4  }
0x55: {  	s10 =	sadd.s32 $0x1, s10;
	s12 =	sand.u32 $0xFFFF, s12  }
0x56: {  	s13 =	sshrl.u32 s11, $0x2;
	s16 =	sshll.u32 s12, $0x4;
	s12 =	smov.u32 s15  }
0x57: {  	s11 =	sshrl.u32 s14, $0x12;
	s14 =	sadd.s32 s16, s13  }
0x58: {  	s13 =	smul.u32 $0x5, s11;
	[tilespmem:s14+$0xB000] =	vst v0  }
0x59: {  	_ = 	snop  }
0x5a: {  	s11 =	smul.u32 $0x140, s11;
	s10 =	ssub.s32 s12, s13  }
0x5b: {  	s10 =	sand.u32 $0xFFFF, s10  }
0x5c: {  	s11 =	sshrl.u32 s11, $0x2;
	s10 =	sshll.u32 s10, $0x4  }
0x5d: {  	s10 =	sadd.s32 s10, s11  }
0x5e: {  	s13 =	rddreg [dreg:$0x7];
	[tilespmem:s10+$0xB000] =	vst v0  }
0x5f: {  	[spmem:s13] =	stream.linear.scatter [tilespmem:s24], [sflag:$0x5], $0x2800, $0x38;
	[tilespmem:$0x1D000] =	vst v63  }
0x60: {  	_ =	swait.ge [sflag:s25], $0x2800  }
0x61: {  	[sflag:s25] =	ssyncset.done $0x0  }
0x62: {  	s14 =	rddreg [dreg:$0x8];
	[sflag:s25] =	ssyncadd.s32 $0xFFFFD800  }
0x63: {  	[spmem:s14] =	stream.linear.scatter [tilespmem:s24], [sflag:$0x5], $0x2800, $0x38;
	[tilespmem:$0x1D000] =	vst v63  }
0x64: {  	_ =	swait.ge [sflag:s25], $0x2800  }
0x65: {  	[sflag:s25] =	ssyncset.done $0x0  }
0x66: {  	s15 =	rddreg [dreg:$0x9];
	[sflag:s25] =	ssyncadd.s32 $0xFFFFD800  }
0x67: {  	[spmem:s15] =	stream.linear.scatter [tilespmem:s24], [sflag:$0x5], $0x2800, $0x38;
	[tilespmem:$0x1D000] =	vst v63  }
0x68: {  	_ =	swait.ge [sflag:s25], $0x2800  }
0x69: {  	[sflag:s25] =	ssyncset.done $0x0  }
0x6a: {  	s16 =	rddreg [dreg:$0xa];
	[sflag:s25] =	ssyncadd.s32 $0xFFFFD800  }
0x6b: {  	[spmem:s16] =	stream.linear.scatter [tilespmem:s24], [sflag:$0x5], $0x2800, $0x38;
	[tilespmem:$0x1D000] =	vst v63  }
0x6c: {  	_ =	swait.ge [sflag:s25], $0x2800  }
0x6d: {  	[sflag:s25] =	ssyncset.done $0x0  }
0x6e: {  	s17 =	rddreg [dreg:$0xb];
	[sflag:s25] =	ssyncadd.s32 $0xFFFFD800  }
0x6f: {  	[spmem:s17] =	stream.linear.scatter [tilespmem:s24], [sflag:$0x5], $0x2800, $0x38;
	[tilespmem:$0x1D000] =	vst v63  }
0x70: {  	_ =	swait.ge [sflag:s25], $0x2800  }
0x71: {  	[sflag:s25] =	ssyncset.done $0x0  }
0x72: {  	s10 =	simm.s32 $0x0;
	s18 =	rddreg [dreg:$0x3];
	[sflag:s25] =	ssyncadd.s32 $0xFFFFD800  }
0x73: {  	[tilespmem:s10], [sflag:$0x5] =	stream.linear.gather [hbm4b:s18+s10], $0x2800, $0x38;
	[tilespmem:$0x1D000] =	vst v63  }
0x74: {  	_ =	swait.ge [sflag:s25], $0x2800  }
0x75: {  	[sflag:s25] =	ssyncset.done $0x0  }
0x76: {  	s20 =	simm.s32 $0x2800;
	s19 =	rddreg [dreg:$0x4];
	[sflag:s25] =	ssyncadd.s32 $0xFFFFD800  }
0x77: {  	[tilespmem:s20], [sflag:$0x5] =	stream.linear.gather [hbm4b:s19+s10], $0x2800, $0x38;
	[tilespmem:$0x1D000] =	vst v63  }
0x78: {  	_ =	swait.ge [sflag:s25], $0x2800  }
0x79: {  	[sflag:s25] =	ssyncset.done $0x0  }
0x7a: {  	[sflag:s25] =	ssyncadd.s32 $0xFFFFD800  }
0x7b: {  	s21 =	simm.s32 $0x5000;
	[bflag:$0x0] =	sbarrier.arrive $0xFFFF  }
0x7c: {  	[tilespmem:s21], [sflag:$0x1] =	stream.indirect.gather [hbm4b:s4+s28], $0x50, s10, s28, $0xb8;
	[tilespmem:$0x1D000] =	vst v63  }
0x7d: {  	s26 =	simm.s32 $0xA000  }
0x7e: {  	[tilespmem:s26], [sflag:$0x3] =	stream.indirect.gather [hbm4b:s5+s28], $0x10, s20, s28, $0xb8;
	[tilespmem:$0x1D000] =	vst v63  }
.LBB2_4:
0x7f: {  	s11 =	sshllo.u32 s10, $0x1  }
0x80: {  	s11 =	sshll.u32 s11, $0x7  }
0x81: {  	[tilespmem:s31], [sflag:$0x2] =	stream.indirect.gather [hbm4b:s4+s28], $0x50, s11, s28, $0xb8;
	[tilespmem:$0x1D000] =	vst v63  }
0x82: {  	s12 =	sadd.s32 $0x2800, s11  }
0x83: {  	[tilespmem:s1], [sflag:$0x4] =	stream.indirect.gather [hbm4b:s5+s28], $0x10, s12, s28, $0xb8;
	[tilespmem:$0x1D000] =	vst v63  }
0x84: {  	_ =	swait.ge [sflag:s0], $0x2800  }
0x85: {  	[sflag:s0] =	ssyncset.done $0x0  }
0x86: {  	[sflag:s0] =	ssyncadd.s32 $0xFFFFD800  }
0x87: {  	_ =	swait.ge [sflag:s29], $0x800  }
0x88: {  	[sflag:s29] =	ssyncset.done $0x0  }
0x89: {  	s17 =	simm.s32 $0xA020;
	[sflag:s29] =	ssyncadd.s32 $0xFFFFF800  }
0x8a: {  	s13 =	simm.s32 $0x50E0;
	v5 =	vld [tilespmem:s17+$0x10]  }
0x8b: {  	v6 =	vld [tilespmem:s13+$0x50]  }
0x8c: {  	v7 =	vld [tilespmem:s13+$0xFFFFFF60]  }
0x8d: {  	v8 =	vld [tilespmem:s17+$0xFFFFFFF0]  }
0x8e: {  	v9 =	vld [tilespmem:s13+$0xFFFFFFB0]  }
0x8f: {  	v10 =	vld [tilespmem:s17+$0x0]  }
0x90: {  	v11 =	vld [tilespmem:s13+$0x0]  }
0x91: {  	s19 =	simm.s32 $0x5220;
	v12 =	vld [tilespmem:s17+$0xFFFFFFE0]  }
0x92: {  	s18 =	simm.s32 $0xA060;
	v13 =	vld [tilespmem:s19+$0x50]  }
0x93: {  	v15 =	vld [tilespmem:s18+$0xFFFFFFF0]  }
0x94: {  	v5 =	vadd.f32 v6, v5;
	v6 =	vld [tilespmem:s18+$0x10]  }
0x95: {  	s20 =	simm.s32 $0xA0A0;
	v17 =	vld [tilespmem:s19+$0x0];
	v8 =	vadd.f32 v9, v8;
	v10 =	vadd.f32 v11, v10  }
0x96: {  	v19 =	vld [tilespmem:s20+$0xFFFFFFE0];
	v7 =	vadd.f32 v7, v12;
	v14 =	vmul.f32 $2.000000030e-01, v5  }
0x97: {  	v12 =	vld [tilespmem:s18+$0x0];
	vm0 =	vgt.f32 v5, $0.0e+00;
	v11 =	vmul.f32 $2.000000030e-01, v8;
	v16 =	vmul.f32 $2.000000030e-01, v10  }
0x98: {  	vm1 =	vgt.f32 v10, $0.0e+00;
	v5 =	vsel vm0, v5, v14;
	v14 =	vld [tilespmem:s19+$0xFFFFFFB0];
	vm0 =	vgt.f32 v8, $0.0e+00  }
0x99: {  	v9 =	vld [tilespmem:s19+$0xFFFFFF60];
	v10 =	vsel vm1, v10, v16;
	v5 =	vmul.f32 $1.442695020e+00, v5;
	v6 =	vadd.f32 v13, v6  }
0x9a: {  	v13 =	vmul.f32 $2.000000030e-01, v7;
	v8 =	vsel vm0, v8, v11;
	v11 =	vld [tilespmem:s20+$0x10];
	v10 =	vmul.f32 $1.442695020e+00, v10  }
0x9b: {  	s21 =	simm.s32 $0x5360;
	vm2 =	vgt.f32 v7, $0.0e+00;
	(erf) = vpow2.f32 v5;
	v5 =	vld [tilespmem:s18+$0xFFFFFFE0];
	v16 =	vmul.f32 $2.000000030e-01, v6  }
0x9c: {  	v12 =	vadd.f32 v17, v12;
	v7 =	vsel vm2, v7, v13;
	v13 =	vld [tilespmem:s21+$0x50];
	vm0 =	vgt.f32 v6, $0.0e+00  }
0x9d: {  	v17 =	vld [tilespmem:s21+$0xFFFFFFB0];
	v7 =	vmul.f32 $1.442695020e+00, v7;
	v14 =	vadd.f32 v14, v15;
	v6 =	vsel vm0, v6, v16  }
0x9e: {  	v8 =	vmul.f32 $1.442695020e+00, v8;
	vm1 =	vgt.f32 v12, $0.0e+00;
	v16 =	vld [tilespmem:s20+$0xFFFFFFF0];
	v6 =	vmul.f32 $1.442695020e+00, v6  }
0x9f: {  	v15 =	vld [tilespmem:s21+$0xFFFFFF60];
	(erf) = vpow2.f32 v7;
	v18 =	vmul.f32 $2.000000030e-01, v14;
	vm0 =	vgt.f32 v14, $0.0e+00  }
0xa0: {  	v7 =	vld [tilespmem:s20+$0x0];
	v5 =	vadd.f32 v9, v5;
	v9 =	vmul.f32 $2.000000030e-01, v12;
	(erf) = vpow2.f32 v6  }
0xa1: {  	v6 =	vld [tilespmem:s21+$0x0];
	v11 =	vadd.f32 v13, v11;
	v14 =	vsel vm0, v14, v18;
	(erf) = vpow2.f32 v8  }
0xa2: {  	s26 =	simm.s32 $0xA0E0;
	vm2 =	vgt.f32 v5, $0.0e+00;
	v13 =	vmul.f32 $2.000000030e-01, v5;
	v12 =	vsel vm1, v12, v9  }
0xa3: {  	s15 =	simm.s32 $0x54A0;
	v18 =	vld [tilespmem:s26+$0x10];
	v8 =	vmul.f32 $2.000000030e-01, v11;
	(erf) = vpow2.f32 v10;
	v16 =	vadd.f32 v17, v16  }
0xa4: {  	vm0 =	vgt.f32 v11, $0.0e+00;
	v20 =	vmul.f32 $1.442695020e+00, v14;
	v5 =	vsel vm2, v5, v13;
	v13 =	vld [tilespmem:s15+$0x50]  }
0xa5: {  	v9 =	vld [tilespmem:s15+$0xFFFFFF60];
	v10 =	vmul.f32 $1.442695020e+00, v12;
	v8 =	vsel vm0, v11, v8;
	v17 =	vmul.f32 $1.442695020e+00, v5  }
0xa6: {  	s16 =	simm.s32 $0x10020;
	v12 =	vadd.f32 v15, v19;
	v11 =	vpop (erf);
	v5 =	vld [tilespmem:s26+$0xFFFFFFF0];
	v22 =	vadd.f32 v6, v7;
	v8 =	vmul.f32 $1.442695020e+00, v8  }
0xa7: {  	s14 =	simm.s32 $0xB0E0;
	v21 =	vmul.f32 $2.000000030e-01, v16;
	vm1 =	vgt.f32 v16, $0.0e+00;
	[tilespmem:s16+$0x10] =	vst v11;
	v7 =	vld [tilespmem:s15+$0xFFFFFFB0];
	(erf) = vpow2.f32 v17  }
0xa8: {  	v6 =	vld [tilespmem:s26+$0x0];
	[tilespmem:s14+$0x50] =	vst v11;
	vm2 =	vgt.f32 v22, $0.0e+00;
	v19 =	vmul.f32 $2.000000030e-01, v22;
	v14 =	vpop (erf);
	(erf) = vpow2.f32 v8  }
0xa9: {  	s12 =	simm.s32 $0x10060;
	v17 =	vmul.f32 $2.000000030e-01, v12;
	v8 =	vld [tilespmem:s15+$0x0];
	[tilespmem:s16+$0xFFFFFFE0] =	vst v14;
	v13 =	vadd.f32 v13, v18;
	v18 =	vpop (erf);
	(erf) = vpow2.f32 v20  }
0xaa: {  	s17 =	simm.s32 $0xC;
	s13 =	simm.s32 $0xB220;
	s18 =	simm.s32 $0xA120;
	vm0 =	vgt.f32 v12, $0.0e+00;
	v11 =	vld [tilespmem:s26+$0xFFFFFFE0];
	v15 =	vsel vm1, v16, v21;
	v16 =	vsel vm2, v22, v19;
	[tilespmem:s12+$0x10] =	vst v18  }
.LBB2_5:
0xab: {  	v19 =	vld [tilespmem:s18+$0x10];
	v20 =	vmul.f32 $2.000000030e-01, v13;
	s15 =	sadd.s32 $0x140, s15;
	v12 =	vsel vm0, v12, v17;
	[tilespmem:s13+$0x50] =	vst v18;
	(erf) = vpow2.f32 v10;
	v17 =	vpop (erf)  }
0xac: {  	vm0 =	vgt.f32 v13, $0.0e+00;
	s17 =	sadd.s32 $0x4, s17;
	v18 =	vld [tilespmem:s15+$0x50];
	v21 =	vadd.f32 v7, v5;
	v22 =	vmul.f32 $1.442695020e+00, v12;
	[tilespmem:s14+$0xFFFFFF60] =	vst v14;
	v23 =	vpop (erf)  }
0xad: {  	v10 =	vmul.f32 $1.442695020e+00, v16;
	p0 =	slt.u32 s17, $0x7C;
	v24 =	vld [tilespmem:s15+$0xFFFFFF60];
	v7 =	vsel vm0, v13, v20;
	v20 =	vmul.f32 $1.442695020e+00, v15;
	[tilespmem:s16+$0xFFFFFFF0] =	vst v17  }
.Ltmp3:
0xae: {  	v5 =	vld [tilespmem:s18+$0xFFFFFFF0];
	v15 =	vmul.f32 $2.000000030e-01, v21;
	v16 =	vadd.f32 v8, v6;
	v8 =	vmul.f32 $1.442695020e+00, v7;
	[tilespmem:s16+$0x0] =	vst v23;
	(pc) =	sbr.rel @p0 .LBB2_5-.Ltmp3, $4  }
0xaf: {  	vm1 =	vgt.f32 v21, $0.0e+00;
	s16 =	smov.u32 s12;
	v7 =	vld [tilespmem:s15+$0xFFFFFFB0];
	v12 =	vadd.f32 v9, v11;
	(erf) = vpow2.f32 v22;
	[tilespmem:s14+$0xFFFFFFB0] =	vst v17  }
0xb0: {  	v6 =	vld [tilespmem:s18+$0x0];
	vm2 =	vgt.f32 v16, $0.0e+00;
	v22 =	vmul.f32 $2.000000030e-01, v16;
	(erf) = vpow2.f32 v8;
	v14 =	vpop (erf);
	[tilespmem:s14+$0x0] =	vst v23;
	s14 =	smov.u32 s13  }
0xb1: {  	s12 =	sadd.s32 $0x40, s12;
	v8 =	vld [tilespmem:s15+$0x0];
	v13 =	vadd.f32 v18, v19;
	vm0 =	vgt.f32 v12, $0.0e+00;
	v17 =	vmul.f32 $2.000000030e-01, v12;
	v18 =	vpop (erf);
	[tilespmem:s16+$0xFFFFFFE0] =	vst v14  }
0xb2: {  	v15 =	vsel vm1, v21, v15;
	s13 =	sadd.s32 $0x140, s13;
	v11 =	vld [tilespmem:s18+$0xFFFFFFE0];
	s18 =	sadd.s32 $0x40, s18;
	v16 =	vsel vm2, v16, v22;
	[tilespmem:s12+$0x10] =	vst v18;
	(erf) = vpow2.f32 v20;
	v9 =	vmovc v24  }
0xb3: {  	v19 =	vmul.f32 $2.000000030e-01, v13;
	[tilespmem:s13+$0x50] =	vst v18  }
0xb4: {  	v12 =	vsel vm0, v12, v17;
	(erf) = vpow2.f32 v10;
	v53 =	vpop (erf);
	vm13 =	vgt.f32 v13, $0.0e+00;
	[tilespmem:s14+$0xFFFFFF60] =	vst v14  }
0xb5: {  	v12 =	vmul.f32 $1.442695020e+00, v12;
	v54 =	vpop (erf);
	[tilespmem:s16+$0xFFFFFFF0] =	vst v53;
	v13 =	vsel vm13, v13, v19  }
0xb6: {  	[tilespmem:s16+$0x0] =	vst v54;
	v13 =	vmul.f32 $1.442695020e+00, v13  }
0xb7: {  	[tilespmem:s14+$0xFFFFFFB0] =	vst v53;
	(erf) = vpow2.f32 v12;
	v9 =	vadd.f32 v9, v11  }
0xb8: {  	[tilespmem:s14+$0x0] =	vst v54;
	(erf) = vpow2.f32 v13;
	v55 =	vpop (erf)  }
0xb9: {  	v56 =	vmul.f32 $1.442695020e+00, v15;
	s20 =	sadd.s32 $0x40, s12;
	v5 =	vadd.f32 v7, v5;
	v58 =	vpop (erf);
	[tilespmem:s12+$0xFFFFFFE0] =	vst v55;
	v7 =	vmul.f32 $2.000000030e-01, v9  }
0xba: {  	v57 =	vmul.f32 $1.442695020e+00, v16;
	v6 =	vadd.f32 v8, v6;
	vm14 =	vgt.f32 v9, $0.0e+00;
	[tilespmem:s20+$0x10] =	vst v58  }
0xbb: {  	s15 =	sadd.s32 $0x140, s13;
	v59 =	vmul.f32 $2.000000030e-01, v5;
	(erf) = vpow2.f32 v56;
	[tilespmem:s13+$0xFFFFFF60] =	vst v55;
	v7 =	vsel vm14, v9, v7  }
0xbc: {  	(erf) = vpow2.f32 v57;
	[tilespmem:s15+$0x50] =	vst v58;
	v60 =	vpop (erf);
	v7 =	vmul.f32 $1.442695020e+00, v7  }
0xbd: {  	vm15 =	vgt.f32 v5, $0.0e+00;
	v61 =	vmul.f32 $2.000000030e-01, v6;
	v62 =	vpop (erf);
	[tilespmem:s12+$0xFFFFFFF0] =	vst v60  }
0xbe: {  	vm1 =	vgt.f32 v6, $0.0e+00;
	v5 =	vsel vm15, v5, v59;
	[tilespmem:s12+$0x0] =	vst v62  }
0xbf: {  	v5 =	vmul.f32 $1.442695020e+00, v5;
	v6 =	vsel vm1, v6, v61;
	[tilespmem:s13+$0xFFFFFFB0] =	vst v60;
	(erf) = vpow2.f32 v7  }
0xc0: {  	v6 =	vmul.f32 $1.442695020e+00, v6;
	[tilespmem:s13+$0x0] =	vst v62;
	v7 =	vpop (erf)  }
0xc1: {  	s21 =	sadd.s32 $0x40, s20;
	(erf) = vpow2.f32 v5;
	v63 =	vpop (erf);
	[tilespmem:s20+$0xFFFFFFE0] =	vst v7  }
0xc2: {  	(erf) = vpow2.f32 v6;
	[tilespmem:s21+$0x10] =	vst v63  }
0xc3: {  	s26 =	sadd.s32 $0x140, s15;
	[tilespmem:s15+$0xFFFFFF60] =	vst v7  }
0xc4: {  	v5 =	vpop (erf);
	[tilespmem:s26+$0x50] =	vst v63  }
0xc5: {  	v6 =	vpop (erf);
	[tilespmem:s20+$0xFFFFFFF0] =	vst v5  }
0xc6: {  	[tilespmem:s20+$0x0] =	vst v6  }
0xc7: {  	[tilespmem:s15+$0xFFFFFFB0] =	vst v5  }
0xc8: {  	[tilespmem:s15+$0x0] =	vst v6;
	v5 =	vpop (erf)  }
0xc9: {  	p2 =	por $0x1, $0x1;
	[tilespmem:s21+$0xFFFFFFE0] =	vst v5  }
.Ltmp4:
0xca: {  	v6 =	vpop (erf);
	[tilespmem:s26+$0xFFFFFF60] =	vst v5;
	(pc) =	sbr.rel @!p2 .LBB2_7-.Ltmp4, $4  }
0xcb: {  	v5 =	vpop (erf);
	[tilespmem:s21+$0xFFFFFFF0] =	vst v6  }
0xcc: {  	[tilespmem:s21+$0x0] =	vst v5  }
0xcd: {  	p0 =	por $0x0, $0x0;
	p1 =	por $0x0, $0x0;
	[tilespmem:s26+$0xFFFFFFB0] =	vst v6  }
0xce: {  	s14 =	simm.s32 $0x0;
	s12 =	simm.s32 $0xB0A0;
	s13 =	simm.s32 $0x50A0;
	[tilespmem:s26+$0x0] =	vst v5  }
0xcf: {  	s15 =	simm.s32 $0x30  }
0xd0: {  	v6 =	vor.u32 s15, v1;
	_ =	sdelay $0x1  }
0xd1: {  	v5 =	vor.u32 s14, v1  }
0xd2: {  	s16 =	simm.s32 $0x10;
	v9 =	vld [tilespmem:s13+$0x50]  }
0xd3: {  	s17 =	simm.s32 $0x20;
	v10 =	vld [tilespmem:s13+$0xFFFFFF60];
	v7 =	vor.u32 s16, v1  }
0xd4: {  	v8 =	vor.u32 s17, v1;
	v6 =	vld.idx.msk [tilespmem:v6+s30+$0x0], $0xffff  }
0xd5: {  	v12 =	vld [tilespmem:s13+$0xFFFFFFB0]  }
0xd6: {  	v5 =	vld.idx.msk [tilespmem:v5+s30+$0x0], $0xffff  }
0xd7: {  	v13 =	vld [tilespmem:s13+$0x0];
	v11 =	vor.u32 s15, v2  }
0xd8: {  	v7 =	vld.idx.msk [tilespmem:v7+s30+$0x0], $0xffff  }
0xd9: {  	v14 =	vor.u32 s14, v2;
	v8 =	vld.idx.msk [tilespmem:v8+s30+$0x0], $0xffff;
	v6 =	vmul.f32 v9, v6;
	_ =	sdelay $0x1  }
0xda: {  	v5 =	vmul.f32 v10, v5;
	[tilespmem:s12+$0x50] =	vst v6  }
0xdb: {  	v9 =	vor.u32 s16, v2;
	v6 =	vld.idx.msk [tilespmem:v11+s30+$0x0], $0xffff  }
0xdc: {  	v15 =	vor.u32 s17, v2;
	v7 =	vmul.f32 v12, v7;
	[tilespmem:s12+$0xFFFFFF60] =	vst v5;
	v10 =	vld [tilespmem:s13+$0x60]  }
0xdd: {  	v5 =	vmul.f32 v13, v8;
	v8 =	vld.idx.msk [tilespmem:v14+s30+$0x0], $0xffff  }
0xde: {  	[tilespmem:s12+$0xFFFFFFB0] =	vst v7;
	v12 =	vld [tilespmem:s13+$0xFFFFFF70]  }
0xdf: {  	[tilespmem:s12+$0x0] =	vst v5;
	v5 =	vor.u32 s15, v3;
	v11 =	vld [tilespmem:s13+$0xFFFFFFC0]  }
0xe0: {  	v7 =	vld.idx.msk [tilespmem:v9+s30+$0x0], $0xffff  }
0xe1: {  	v9 =	vld.idx.msk [tilespmem:v15+s30+$0x0], $0xffff;
	v6 =	vmul.f32 v10, v6  }
0xe2: {  	v10 =	vld [tilespmem:s13+$0x10]  }
0xe3: {  	v13 =	vor.u32 s16, v3;
	[tilespmem:s12+$0x60] =	vst v6  }
0xe4: {  	v18 =	vor.u32 s14, v3;
	v5 =	vld.idx.msk [tilespmem:v5+s30+$0x0], $0xffff  }
0xe5: {  	p2 =	por $0x1, $0x1;
	v6 =	vor.u32 s17, v3;
	v7 =	vmul.f32 v11, v7;
	v17 =	vld [tilespmem:s13+$0x70]  }
.Ltmp5:
0xe6: {  	v8 =	vmul.f32 v12, v8;
	(pc) =	sbr.rel @!p2 .LBB2_9-.Ltmp5, $4  }
0xe7: {  	[tilespmem:s12+$0xFFFFFFC0] =	vst v7;
	v9 =	vmul.f32 v10, v9  }
0xe8: {  	[tilespmem:s12+$0xFFFFFF70] =	vst v8;
	v10 =	vld.idx.msk [tilespmem:v13+s30+$0x0], $0xffff  }
0xe9: {  	v16 =	vor.u32 s15, v4;
	v14 =	vor.u32 s17, v4;
	[tilespmem:s12+$0x10] =	vst v9;
	v9 =	vld.idx.msk [tilespmem:v18+s30+$0x0], $0xffff  }
0xea: {  	p0 =	por $0x1, $0x1;
	v15 =	vor.u32 s16, v4;
	v12 =	vor.u32 s14, v4;
	s14 =	simm.s32 $0x40;
	v11 =	vld.idx.msk [tilespmem:v6+s30+$0x0], $0xffff;
	v17 =	vmul.f32 v17, v5  }
0xeb: {  	_ = 	snop  }
0xec: {  	v5 =	vor.u32 s14, v1;
	v6 =	vld [tilespmem:s13+$0xFFFFFFD0]  }
0xed: {  	s16 =	simm.s32 $0x70;
	v19 =	vld [tilespmem:s13+$0xFFFFFF80]  }
0xee: {  	[tilespmem:s12+$0x70] =	vst v17;
	v7 =	vor.u32 s16, v1;
	v17 =	vld [tilespmem:s13+$0x20]  }
0xef: {  	s17 =	simm.s32 $0x50;
	v13 =	vld.idx.msk [tilespmem:v16+s30+$0x0], $0xffff  }
0xf0: {  	s18 =	simm.s32 $0x60;
	v8 =	vor.u32 s17, v1;
	v16 =	vld [tilespmem:s13+$0x80]  }
0xf1: {  	s15 =	simm.s32 $0x51E0;
	v18 =	vor.u32 s18, v1;
	v20 =	vld.idx.msk [tilespmem:v5+s30+$0x0], $0xffff  }
0xf2: {  	v6 =	vmul.f32 v6, v10;
	v10 =	vld [tilespmem:s15+$0xFFFFFF60]  }
0xf3: {  	v5 =	vld.idx.msk [tilespmem:v7+s30+$0x0], $0xffff  }
0xf4: {  	v7 =	vld [tilespmem:s15+$0x50]  }
0xf5: {  	v8 =	vld.idx.msk [tilespmem:v8+s30+$0x0], $0xffff  }
0xf6: {  	v18 =	vld.idx.msk [tilespmem:v18+s30+$0x0], $0xffff  }
0xf7: {  	v21 =	vor.u32 s16, v2;
	v11 =	vmul.f32 v17, v11;
	v17 =	vld [tilespmem:s15+$0xFFFFFFB0]  }
0xf8: {  	[tilespmem:s12+$0xFFFFFFD0] =	vst v6;
	v6 =	vld [tilespmem:s15+$0x0]  }
0xf9: {  	v22 =	vld.idx.msk [tilespmem:v15+s30+$0x0], $0xffff;
	v5 =	vmul.f32 v7, v5  }
0xfa: {  	s26 =	simm.s32 $0xB1E0;
	[tilespmem:s12+$0x20] =	vst v11;
	v63 =	vld [tilespmem:s13+$0xFFFFFFE0];
	v7 =	vor.u32 s14, v2  }
0xfb: {  	v9 =	vmul.f32 v19, v9;
	v11 =	vor.u32 s17, v2;
	[tilespmem:s26+$0x50] =	vst v5;
	v5 =	vld.idx.msk [tilespmem:v14+s30+$0x0], $0xffff  }
0xfc: {  	v10 =	vmul.f32 v10, v20;
	v15 =	vld.idx.msk [tilespmem:v21+s30+$0x0], $0xffff  }
0xfd: {  	[tilespmem:s12+$0xFFFFFF80] =	vst v9;
	v8 =	vmul.f32 v17, v8;
	v14 =	vor.u32 s18, v2;
	v9 =	vld [tilespmem:s15+$0x60]  }
0xfe: {  	[tilespmem:s26+$0xFFFFFF60] =	vst v10;
	v10 =	vmul.f32 v6, v18;
	v6 =	vld.idx.msk [tilespmem:v12+s30+$0x0], $0xffff  }
0xff: {  	[tilespmem:s26+$0xFFFFFFB0] =	vst v8;
	v12 =	vld.idx.msk [tilespmem:v7+s30+$0x0], $0xffff  }
0x100: {  	v8 =	vor.u32 s16, v3;
	v7 =	vld.idx.msk [tilespmem:v11+s30+$0x0], $0xffff  }
0x101: {  	[tilespmem:s26+$0x0] =	vst v10;
	v11 =	vld [tilespmem:s15+$0xFFFFFFC0]  }
0x102: {  	v10 =	vld.idx.msk [tilespmem:v14+s30+$0x0], $0xffff;
	v9 =	vmul.f32 v9, v15  }
0x103: {  	v14 =	vld [tilespmem:s15+$0x10]  }
0x104: {  	v15 =	vld [tilespmem:s15+$0xFFFFFF70];
	[tilespmem:s26+$0x60] =	vst v9  }
0x105: {  	v9 =	vor.u32 s17, v3;
	v17 =	vld.idx.msk [tilespmem:v8+s30+$0x0], $0xffff  }
0x106: {  	v13 =	vmul.f32 v16, v13;
	v18 =	vor.u32 s18, v3;
	v19 =	vld [tilespmem:s15+$0x70]  }
0x107: {  	v62 =	vor.u32 s14, v3;
	p2 =	por $0x1, $0x1;
	v8 =	vmul.f32 v11, v7  }
.Ltmp6:
0x108: {  	[tilespmem:s12+$0x80] =	vst v13;
	v7 =	vld [tilespmem:s13+$0x30];
	v11 =	vmul.f32 v14, v10;
	(pc) =	sbr.rel @!p2 .LBB2_11-.Ltmp6, $4  }
0x109: {  	v16 =	vor.u32 s16, v4;
	v23 =	vmul.f32 v15, v12;
	[tilespmem:s26+$0xFFFFFFC0] =	vst v8;
	v8 =	vld [tilespmem:s13+$0xFFFFFF90]  }
0x10a: {  	[tilespmem:s26+$0x10] =	vst v11;
	v10 =	vld.idx.msk [tilespmem:v9+s30+$0x0], $0xffff  }
0x10b: {  	p1 =	por $0x1, $0x1;
	v13 =	vmul.f32 v63, v22;
	s16 =	simm.s32 $0xB0A0;
	[tilespmem:s26+$0xFFFFFF70] =	vst v23;
	v11 =	vld.idx.msk [tilespmem:v18+s30+$0x0], $0xffff;
	v17 =	vmul.f32 v19, v17  }
0x10c: {  	v14 =	vor.u32 s18, v4;
	s18 =	simm.s32 $0xC;
	v12 =	vor.u32 s14, v4;
	v15 =	vor.u32 s17, v4;
	s14 =	simm.s32 $0x80;
	s17 =	simm.s32 $0x51E0;
	v9 =	vld.idx.msk [tilespmem:v62+s30+$0x0], $0xffff  }
.LBB2_12:
0x10d: {  	p2 =	slt.u32 s18, $0x7C;
	v18 =	vor.u32 s14, v1;
	v19 =	vor.u32 s14, v2;
	v20 =	vor.u32 s14, v3;
	s20 =	sadd.s32 $0x10, s14;
	s19 =	sadd.s32 $0x30, s14;
	v21 =	vld [tilespmem:s15+$0xFFFFFFD0];
	[tilespmem:s26+$0x70] =	vst v17  }
0x10e: {  	s21 =	sadd.s32 $0x20, s14;
	v17 =	vor.u32 s20, v1;
	v22 =	vor.u32 s20, v2;
	v23 =	vor.u32 s19, v1;
	v16 =	vld.idx.msk [tilespmem:v16+s30+$0x0], $0xffff;
	[tilespmem:s16+$0xFFFFFFE0] =	vst v13  }
0x10f: {  	v13 =	vor.u32 s20, v3;
	v24 =	vor.u32 s21, v1;
	v25 =	vor.u32 s21, v2;
	v26 =	vld [tilespmem:s15+$0x80]  }
0x110: {  	v27 =	vor.u32 s20, v4;
	v28 =	vor.u32 s21, v3;
	v29 =	vor.u32 s21, v4;
	v30 =	vld [tilespmem:s15+$0x20]  }
0x111: {  	v31 =	vor.u32 s14, v4;
	v5 =	vmul.f32 v7, v5;
	v6 =	vmul.f32 v8, v6;
	v32 =	vld [tilespmem:s15+$0xFFFFFF80]  }
0x112: {  	v7 =	vld.idx.msk [tilespmem:v18+s30+$0x0], $0xffff;
	v8 =	vmul.f32 v21, v10  }
0x113: {  	s15 =	sadd.s32 $0x140, s15;
	v10 =	vld.idx.msk [tilespmem:v23+s30+$0x0], $0xffff;
	[tilespmem:s16+$0x30] =	vst v5  }
0x114: {  	v5 =	vld [tilespmem:s15+$0x50];
	[tilespmem:s26+$0xFFFFFFD0] =	vst v8;
	v8 =	vmul.f32 v26, v16  }
0x115: {  	v16 =	vld.idx.msk [tilespmem:v17+s30+$0x0], $0xffff;
	v11 =	vmul.f32 v30, v11;
	[tilespmem:s16+$0xFFFFFF90] =	vst v6;
	s16 =	smov.u32 s26  }
0x116: {  	v6 =	vld.idx.msk [tilespmem:v24+s30+$0x0], $0xffff;
	v9 =	vmul.f32 v32, v9;
	[tilespmem:s26+$0x80] =	vst v8  }
0x117: {  	v17 =	vor.u32 s19, v2;
	v8 =	vld [tilespmem:s15+$0xFFFFFF60];
	[tilespmem:s26+$0x20] =	vst v11  }
0x118: {  	v11 =	vld [tilespmem:s15+$0xFFFFFFB0];
	[tilespmem:s26+$0xFFFFFF80] =	vst v9  }
0x119: {  	v9 =	vld [tilespmem:s15+$0x0];
	v5 =	vmul.f32 v5, v10  }
0x11a: {  	s26 =	sadd.s32 $0x140, s26;
	v18 =	vld.idx.msk [tilespmem:v15+s30+$0x0], $0xffff;
	v15 =	vmov v27  }
0x11b: {  	[tilespmem:s26+$0x50] =	vst v5;
	v5 =	vld.idx.msk [tilespmem:v14+s30+$0x0], $0xffff;
	v14 =	vmov v29  }
0x11c: {  	v7 =	vmul.f32 v8, v7;
	v8 =	vld.idx.msk [tilespmem:v17+s30+$0x0], $0xffff  }
0x11d: {  	v10 =	vmul.f32 v11, v16;
	v11 =	vld [tilespmem:s15+$0x60]  }
0x11e: {  	[tilespmem:s26+$0xFFFFFF60] =	vst v7;
	v7 =	vmul.f32 v9, v6;
	v6 =	vld.idx.msk [tilespmem:v12+s30+$0x0], $0xffff;
	v12 =	vmov v31  }
0x11f: {  	v9 =	vld.idx.msk [tilespmem:v19+s30+$0x0], $0xffff;
	[tilespmem:s26+$0xFFFFFFB0] =	vst v10  }
0x120: {  	v10 =	vld.idx.msk [tilespmem:v22+s30+$0x0], $0xffff;
	[tilespmem:s26+$0x0] =	vst v7;
	v7 =	vor.u32 s19, v3  }
0x121: {  	v16 =	vld.idx.msk [tilespmem:v25+s30+$0x0], $0xffff  }
0x122: {  	v17 =	vld [tilespmem:s15+$0xFFFFFFC0];
	v8 =	vmul.f32 v11, v8  }
0x123: {  	v11 =	vld [tilespmem:s15+$0x10]  }
0x124: {  	v19 =	vld [tilespmem:s15+$0xFFFFFF70];
	[tilespmem:s26+$0x60] =	vst v8  }
0x125: {  	v21 =	vld.idx.msk [tilespmem:v7+s30+$0x0], $0xffff  }
0x126: {  	v22 =	vld [tilespmem:s15+$0x70]  }
0x127: {  	v8 =	vmul.f32 v17, v10;
	v23 =	vld [tilespmem:s17+$0xFFFFFFE0]  }
.Ltmp7:
0x128: {  	v11 =	vmul.f32 v11, v16;
	v7 =	vld [tilespmem:s17+$0x30];
	(pc) =	sbr.rel @p2 .LBB2_12-.Ltmp7, $4  }
0x129: {  	v16 =	vor.u32 s19, v4;
	v9 =	vmul.f32 v19, v9;
	[tilespmem:s26+$0xFFFFFFC0] =	vst v8;
	v8 =	vld [tilespmem:s17+$0xFFFFFF90];
	s17 =	smov.u32 s15  }
0x12a: {  	v10 =	vld.idx.msk [tilespmem:v13+s30+$0x0], $0xffff;
	[tilespmem:s26+$0x10] =	vst v11  }
0x12b: {  	[tilespmem:s26+$0xFFFFFF70] =	vst v9;
	v11 =	vld.idx.msk [tilespmem:v28+s30+$0x0], $0xffff;
	v17 =	vmul.f32 v22, v21  }
0x12c: {  	s14 =	sshll.u32 s18, $0x4;
	s18 =	sadd.s32 $0x4, s18;
	v9 =	vld.idx.msk [tilespmem:v20+s30+$0x0], $0xffff;
	v13 =	vmul.f32 v23, v18  }
.LBB2_13:
0x12d: {  	_ = 	snop  }
0x12e: {  	v20 =	vld @p0 [tilespmem:s15+$0xFFFFFFD0]  }
0x12f: {  	v18 =	vor.u32 s14, v1;
	v29 =	vld @p0 [tilespmem:s15+$0x20]  }
0x130: {  	s19 =	sadd.s32 $0x30, s14;
	[tilespmem:s26+$0x70] =	vst @p0 v17;
	s21 =	sadd.s32 @p0 $0x140, s15;
	v31 =	vld @p0 [tilespmem:s15+$0xFFFFFF80]  }
0x131: {  	v19 =	vor.u32 s19, v1;
	v16 =	vld.idx.msk @p0 [tilespmem:v16+s30+$0x0], $0xffff;
	s13 =	smov.u32 @p0 s21  }
0x132: {  	s18 =	sadd.s32 $0x10, s14;
	v22 =	vld [tilespmem:s13+$0x50]  }
0x133: {  	s20 =	sadd.s32 $0x20, s14;
	v17 =	vor.u32 s18, v1;
	v23 =	vld [tilespmem:s13+$0xFFFFFF60]  }
0x134: {  	v21 =	vor.u32 s20, v1;
	v18 =	vld.idx.msk [tilespmem:v18+s30+$0x0], $0xffff  }
0x135: {  	v25 =	vld [tilespmem:s13+$0xFFFFFFB0]  }
0x136: {  	v19 =	vld.idx.msk [tilespmem:v19+s30+$0x0], $0xffff  }
0x137: {  	v27 =	vor.u32 s14, v2;
	v26 =	vld [tilespmem:s13+$0x0];
	v11 =	vmul.f32 @p0 v29, v11  }
0x138: {  	v9 =	vmul.f32 @p0 v31, v9;
	v17 =	vld.idx.msk [tilespmem:v17+s30+$0x0], $0xffff  }
0x139: {  	v24 =	vor.u32 s19, v2;
	s21 =	sadd.s32 @p0 $0x140, s26;
	v21 =	vld.idx.msk [tilespmem:v21+s30+$0x0], $0xffff;
	[tilespmem:s26+$0x20] =	vst @p0 v11;
	v18 =	vmul.f32 v23, v18  }
0x13a: {  	v28 =	vld @p0 [tilespmem:s15+$0x80];
	s12 =	smov.u32 @p0 s21;
	v10 =	vmul.f32 @p0 v20, v10;
	[tilespmem:s26+$0xFFFFFF80] =	vst @p0 v9  }
0x13b: {  	v52 =	vor.u32 s18, v2;
	v9 =	vld.idx.msk @p0 [tilespmem:v14+s30+$0x0], $0xffff;
	v19 =	vmul.f32 v22, v19;
	[tilespmem:s12+$0xFFFFFF60] =	vst v18  }
0x13c: {  	v30 =	vor.u32 s20, v2;
	[tilespmem:s26+$0xFFFFFFD0] =	vst @p0 v10;
	v54 =	vld.idx.msk [tilespmem:v27+s30+$0x0], $0xffff  }
0x13d: {  	v17 =	vmul.f32 v25, v17;
	[tilespmem:s12+$0x50] =	vst v19;
	v10 =	vld [tilespmem:s13+$0xFFFFFF70]  }
0x13e: {  	v18 =	vmul.f32 v26, v21;
	v19 =	vld.idx.msk [tilespmem:v24+s30+$0x0], $0xffff  }
0x13f: {  	[tilespmem:s12+$0xFFFFFFB0] =	vst v17;
	v53 =	vld [tilespmem:s13+$0x60]  }
0x140: {  	v17 =	vld.idx.msk [tilespmem:v52+s30+$0x0], $0xffff;
	[tilespmem:s12+$0x0] =	vst v18  }
0x141: {  	v14 =	vor.u32 s14, v3;
	v18 =	vld.idx.msk [tilespmem:v30+s30+$0x0], $0xffff  }
0x142: {  	v56 =	vld [tilespmem:s13+$0x10]  }
0x143: {  	v55 =	vor.u32 s19, v3;
	v20 =	vld [tilespmem:s13+$0xFFFFFFC0];
	v10 =	vmul.f32 v10, v54  }
0x144: {  	v11 =	vld.idx.msk @p0 [tilespmem:v15+s30+$0x0], $0xffff  }
0x145: {  	v24 =	vld @p0 [tilespmem:s17+$0xFFFFFFE0];
	v15 =	vmul.f32 v53, v19;
	[tilespmem:s12+$0xFFFFFF70] =	vst v10  }
0x146: {  	v57 =	vor.u32 s18, v3;
	v14 =	vld.idx.msk [tilespmem:v14+s30+$0x0], $0xffff  }
0x147: {  	v18 =	vmul.f32 v56, v18;
	[tilespmem:s12+$0x60] =	vst v15;
	v59 =	vld [tilespmem:s13+$0xFFFFFF80]  }
0x148: {  	v19 =	vor.u32 s20, v3;
	v15 =	vmul.f32 v20, v17;
	v17 =	vld.idx.msk [tilespmem:v55+s30+$0x0], $0xffff  }
0x149: {  	v20 =	vld [tilespmem:s13+$0x70];
	[tilespmem:s12+$0x10] =	vst v18  }
0x14a: {  	[tilespmem:s12+$0xFFFFFFC0] =	vst v15;
	v58 =	vld [tilespmem:s13+$0x20]  }
0x14b: {  	v15 =	vld.idx.msk [tilespmem:v57+s30+$0x0], $0xffff  }
0x14c: {  	v61 =	vor.u32 s14, v4;
	v18 =	vld [tilespmem:s13+$0xFFFFFFD0]  }
0x14d: {  	v10 =	vld.idx.msk [tilespmem:v19+s30+$0x0], $0xffff;
	v19 =	vor.u32 s19, v4  }
0x14e: {  	v12 =	vld.idx.msk @p0 [tilespmem:v12+s30+$0x0], $0xffff;
	v14 =	vmul.f32 v59, v14  }
0x14f: {  	v60 =	vor.u32 s18, v4;
	v25 =	vld @p0 [tilespmem:s17+$0x30];
	v17 =	vmul.f32 v20, v17  }
0x150: {  	v5 =	vmul.f32 @p1 v7, v5;
	v6 =	vmul.f32 @p1 v8, v6;
	v27 =	vld @p0 [tilespmem:s17+$0xFFFFFF90];
	v20 =	vor.u32 s20, v4;
	[tilespmem:s12+$0xFFFFFF80] =	vst v14  }
0x151: {  	v8 =	vmul.f32 @p0 v24, v11;
	[tilespmem:s12+$0x70] =	vst v17;
	v15 =	vmul.f32 v18, v15;
	v11 =	vld.idx.msk [tilespmem:v61+s30+$0x0], $0xffff  }
0x152: {  	[tilespmem:s16+$0x30] =	vst @p1 v5;
	v10 =	vmul.f32 v58, v10;
	v17 =	vld.idx.msk [tilespmem:v19+s30+$0x0], $0xffff  }
0x153: {  	v5 =	vmul.f32 @p0 v28, v16;
	v18 =	vld [tilespmem:s13+$0x80];
	[tilespmem:s12+$0xFFFFFFD0] =	vst v15  }
0x154: {  	[tilespmem:s12+$0x20] =	vst v10;
	v10 =	vld.idx.msk [tilespmem:v60+s30+$0x0], $0xffff  }
0x155: {  	[tilespmem:s26+$0x80] =	vst @p0 v5;
	v5 =	vpsel p0, v12, v0;
	v12 =	vpsel p0, v27, v0;
	v7 =	vld.idx.msk [tilespmem:v20+s30+$0x0], $0xffff  }
0x156: {  	[tilespmem:s16+$0xFFFFFFE0] =	vst @p1 v13;
	v5 =	vmul.f32 @p0 v12, v5;
	v13 =	vld [tilespmem:s13+$0xFFFFFFE0]  }
0x157: {  	[tilespmem:s16+$0xFFFFFF90] =	vst @p1 v6;
	s14 =	smov.u32 @p0 s26;
	v6 =	vpsel p0, v8, v0;
	v8 =	vpsel p0, v9, v0;
	v9 =	vpsel p0, v25, v0;
	v14 =	vld [tilespmem:s13+$0x30]  }
0x158: {  	s14 =	smov.u32 @p0 s14;
	v8 =	vmul.f32 @p0 v9, v8;
	v9 =	vld [tilespmem:s13+$0xFFFFFF90]  }
0x159: {  	[tilespmem:s14+$0xFFFFFF90] =	vst @p0 v5  }
0x15a: {  	[tilespmem:s14+$0xFFFFFFE0] =	vst @p0 v6;
	v6 =	vmul.f32 v18, v17  }
0x15b: {  	[tilespmem:s14+$0x30] =	vst @p0 v8;
	v5 =	vmul.f32 v13, v10  }
0x15c: {  	[tilespmem:s12+$0x80] =	vst v6;
	v6 =	vmul.f32 v14, v7  }
0x15d: {  	s14 =	sshll.u32 s10, $0x8;
	[tilespmem:s12+$0xFFFFFFE0] =	vst v5;
	v5 =	vmul.f32 v9, v11  }
0x15e: {  	s13 =	sand.u32 $0x3FFFFF00, s14;
	[tilespmem:s12+$0x30] =	vst v6  }
0x15f: {  	s15 =	sadd.s32 $0x2800, s13;
	[tilespmem:s12+$0xFFFFFF90] =	vst v5  }
0x160: {  	[spmem:s2] =	stream.indirect.scatter.add.f32 [tilespmem:s24], [sflag:$0x5], $0x50, s15, s28, $0xb8;
	[tilespmem:$0x1D000] =	vst v63  }
0x161: {  	p0 =	seq.s32 s10, $0x27;
	_ =	swait.ge [sflag:s25], $0x2800  }
0x162: {  	s14 =	simm.s32 @!p0 $0x80;
	s12 =	sshll.u32 @!p0 s10, $0x8;
	[sflag:s25] =	ssyncset.done $0x0  }
0x163: {  	s13 =	sadd.s32 @!p0 $0x100, s12;
	s15 =	simm.s32 @!p0 $0x5000;
	[sflag:s25] =	ssyncadd.s32 $0xFFFFD800  }
0x164: {  	[tilespmem:s15], [sflag:$0x1] =	stream.indirect.gather @!p0 [hbm4b:s4+s14], $0x50, s13, s14, $0xb8;
	[tilespmem:$0x1D000] =	vst v63  }
0x165: {  	s12 =	sadd.s32 @!p0 $0x2900, s12;
	s13 =	simm.s32 @!p0 $0xA000  }
0x166: {  	[tilespmem:s13], [sflag:$0x3] =	stream.indirect.gather @!p0 [hbm4b:s5+s14], $0x10, s12, s14, $0xb8;
	[tilespmem:$0x1D000] =	vst v63  }
0x167: {  	_ =	swait.ge [sflag:s6], $0x2800  }
0x168: {  	[sflag:s6] =	ssyncset.done $0x0  }
0x169: {  	[sflag:s6] =	ssyncadd.s32 $0xFFFFD800  }
0x16a: {  	_ =	swait.ge [sflag:s7], $0x800  }
0x16b: {  	[sflag:s7] =	ssyncset.done $0x0  }
0x16c: {  	s16 =	simm.s32 $0xA820;
	[sflag:s7] =	ssyncadd.s32 $0xFFFFF800  }
0x16d: {  	s17 =	simm.s32 $0x78E0;
	v5 =	vld [tilespmem:s16+$0x10]  }
0x16e: {  	v6 =	vld [tilespmem:s17+$0x50]  }
0x16f: {  	v7 =	vld [tilespmem:s17+$0xFFFFFF60]  }
0x170: {  	v8 =	vld [tilespmem:s16+$0xFFFFFFF0]  }
0x171: {  	v9 =	vld [tilespmem:s17+$0xFFFFFFB0]  }
0x172: {  	v10 =	vld [tilespmem:s16+$0x0]  }
0x173: {  	v11 =	vld [tilespmem:s17+$0x0]  }
0x174: {  	s19 =	simm.s32 $0x7A20;
	v12 =	vld [tilespmem:s16+$0xFFFFFFE0]  }
0x175: {  	s18 =	simm.s32 $0xA860;
	v13 =	vld [tilespmem:s19+$0x50]  }
0x176: {  	v15 =	vld [tilespmem:s18+$0xFFFFFFF0]  }
0x177: {  	v5 =	vadd.f32 v6, v5;
	v6 =	vld [tilespmem:s18+$0x10]  }
0x178: {  	s20 =	simm.s32 $0xA8A0;
	v17 =	vld [tilespmem:s19+$0x0];
	v8 =	vadd.f32 v9, v8;
	v10 =	vadd.f32 v11, v10  }
0x179: {  	v19 =	vld [tilespmem:s20+$0xFFFFFFE0];
	v7 =	vadd.f32 v7, v12;
	v14 =	vmul.f32 $2.000000030e-01, v5  }
0x17a: {  	v12 =	vld [tilespmem:s18+$0x0];
	vm0 =	vgt.f32 v5, $0.0e+00;
	v11 =	vmul.f32 $2.000000030e-01, v8;
	v16 =	vmul.f32 $2.000000030e-01, v10  }
0x17b: {  	vm1 =	vgt.f32 v10, $0.0e+00;
	v5 =	vsel vm0, v5, v14;
	v14 =	vld [tilespmem:s19+$0xFFFFFFB0];
	vm0 =	vgt.f32 v8, $0.0e+00  }
0x17c: {  	v9 =	vld [tilespmem:s19+$0xFFFFFF60];
	v10 =	vsel vm1, v10, v16;
	v5 =	vmul.f32 $1.442695020e+00, v5;
	v6 =	vadd.f32 v13, v6  }
0x17d: {  	v13 =	vmul.f32 $2.000000030e-01, v7;
	v8 =	vsel vm0, v8, v11;
	v11 =	vld [tilespmem:s20+$0x10];
	v10 =	vmul.f32 $1.442695020e+00, v10  }
0x17e: {  	s21 =	simm.s32 $0x7B60;
	vm2 =	vgt.f32 v7, $0.0e+00;
	(erf) = vpow2.f32 v5;
	v5 =	vld [tilespmem:s18+$0xFFFFFFE0];
	v16 =	vmul.f32 $2.000000030e-01, v6  }
0x17f: {  	v12 =	vadd.f32 v17, v12;
	v7 =	vsel vm2, v7, v13;
	v13 =	vld [tilespmem:s21+$0x50];
	vm0 =	vgt.f32 v6, $0.0e+00  }
0x180: {  	v17 =	vld [tilespmem:s21+$0xFFFFFFB0];
	v7 =	vmul.f32 $1.442695020e+00, v7;
	v14 =	vadd.f32 v14, v15;
	v6 =	vsel vm0, v6, v16  }
0x181: {  	v8 =	vmul.f32 $1.442695020e+00, v8;
	vm1 =	vgt.f32 v12, $0.0e+00;
	v16 =	vld [tilespmem:s20+$0xFFFFFFF0];
	v6 =	vmul.f32 $1.442695020e+00, v6  }
0x182: {  	v15 =	vld [tilespmem:s21+$0xFFFFFF60];
	(erf) = vpow2.f32 v7;
	v18 =	vmul.f32 $2.000000030e-01, v14;
	vm0 =	vgt.f32 v14, $0.0e+00  }
0x183: {  	v7 =	vld [tilespmem:s20+$0x0];
	v5 =	vadd.f32 v9, v5;
	v9 =	vmul.f32 $2.000000030e-01, v12;
	(erf) = vpow2.f32 v6  }
0x184: {  	v6 =	vld [tilespmem:s21+$0x0];
	v11 =	vadd.f32 v13, v11;
	v14 =	vsel vm0, v14, v18;
	(erf) = vpow2.f32 v8  }
0x185: {  	s26 =	simm.s32 $0xA8E0;
	vm2 =	vgt.f32 v5, $0.0e+00;
	v13 =	vmul.f32 $2.000000030e-01, v5;
	v12 =	vsel vm1, v12, v9  }
0x186: {  	s15 =	simm.s32 $0x7CA0;
	v18 =	vld [tilespmem:s26+$0x10];
	v8 =	vmul.f32 $2.000000030e-01, v11;
	(erf) = vpow2.f32 v10;
	v16 =	vadd.f32 v17, v16  }
0x187: {  	vm0 =	vgt.f32 v11, $0.0e+00;
	v20 =	vmul.f32 $1.442695020e+00, v14;
	v5 =	vsel vm2, v5, v13;
	v13 =	vld [tilespmem:s15+$0x50]  }
0x188: {  	v9 =	vld [tilespmem:s15+$0xFFFFFF60];
	v10 =	vmul.f32 $1.442695020e+00, v12;
	v8 =	vsel vm0, v11, v8;
	v17 =	vmul.f32 $1.442695020e+00, v5  }
0x189: {  	s16 =	simm.s32 $0x10020;
	v12 =	vadd.f32 v15, v19;
	v11 =	vpop (erf);
	v5 =	vld [tilespmem:s26+$0xFFFFFFF0];
	v63 =	vadd.f32 v6, v7;
	v8 =	vmul.f32 $1.442695020e+00, v8  }
0x18a: {  	s14 =	simm.s32 $0xD8E0;
	v62 =	vmul.f32 $2.000000030e-01, v16;
	vm1 =	vgt.f32 v16, $0.0e+00;
	[tilespmem:s16+$0x10] =	vst v11;
	v7 =	vld [tilespmem:s15+$0xFFFFFFB0];
	(erf) = vpow2.f32 v17  }
0x18b: {  	v6 =	vld [tilespmem:s26+$0x0];
	[tilespmem:s14+$0x50] =	vst v11;
	vm2 =	vgt.f32 v63, $0.0e+00;
	v19 =	vmul.f32 $2.000000030e-01, v63;
	v14 =	vpop (erf);
	(erf) = vpow2.f32 v8  }
0x18c: {  	s12 =	simm.s32 $0x10060;
	v17 =	vmul.f32 $2.000000030e-01, v12;
	v8 =	vld [tilespmem:s15+$0x0];
	[tilespmem:s16+$0xFFFFFFE0] =	vst v14;
	v13 =	vadd.f32 v13, v18;
	v18 =	vpop (erf);
	(erf) = vpow2.f32 v20  }
0x18d: {  	s13 =	simm.s32 $0xDA20;
	s17 =	simm.s32 $0xC;
	s18 =	simm.s32 $0xA920;
	vm0 =	vgt.f32 v12, $0.0e+00;
	v11 =	vld [tilespmem:s26+$0xFFFFFFE0];
	v15 =	vsel vm1, v16, v62;
	v16 =	vsel vm2, v63, v19;
	[tilespmem:s12+$0x10] =	vst v18  }
.LBB2_14:
0x18e: {  	v19 =	vld [tilespmem:s18+$0x10];
	v20 =	vmul.f32 $2.000000030e-01, v13;
	s15 =	sadd.s32 $0x140, s15;
	v12 =	vsel vm0, v12, v17;
	[tilespmem:s13+$0x50] =	vst v18;
	(erf) = vpow2.f32 v10;
	v17 =	vpop (erf)  }
0x18f: {  	vm0 =	vgt.f32 v13, $0.0e+00;
	s17 =	sadd.s32 $0x4, s17;
	v18 =	vld [tilespmem:s15+$0x50];
	v21 =	vadd.f32 v7, v5;
	v22 =	vmul.f32 $1.442695020e+00, v12;
	[tilespmem:s14+$0xFFFFFF60] =	vst v14;
	v23 =	vpop (erf)  }
0x190: {  	v10 =	vmul.f32 $1.442695020e+00, v16;
	p0 =	slt.u32 s17, $0x7C;
	v24 =	vld [tilespmem:s15+$0xFFFFFF60];
	v7 =	vsel vm0, v13, v20;
	v20 =	vmul.f32 $1.442695020e+00, v15;
	[tilespmem:s16+$0xFFFFFFF0] =	vst v17  }
.Ltmp8:
0x191: {  	v5 =	vld [tilespmem:s18+$0xFFFFFFF0];
	v15 =	vmul.f32 $2.000000030e-01, v21;
	v16 =	vadd.f32 v8, v6;
	v8 =	vmul.f32 $1.442695020e+00, v7;
	[tilespmem:s16+$0x0] =	vst v23;
	(pc) =	sbr.rel @p0 .LBB2_14-.Ltmp8, $4  }
0x192: {  	vm1 =	vgt.f32 v21, $0.0e+00;
	s16 =	smov.u32 s12;
	v7 =	vld [tilespmem:s15+$0xFFFFFFB0];
	v12 =	vadd.f32 v9, v11;
	(erf) = vpow2.f32 v22;
	[tilespmem:s14+$0xFFFFFFB0] =	vst v17  }
0x193: {  	v6 =	vld [tilespmem:s18+$0x0];
	vm2 =	vgt.f32 v16, $0.0e+00;
	v22 =	vmul.f32 $2.000000030e-01, v16;
	(erf) = vpow2.f32 v8;
	v14 =	vpop (erf);
	[tilespmem:s14+$0x0] =	vst v23;
	s14 =	smov.u32 s13  }
0x194: {  	s12 =	sadd.s32 $0x40, s12;
	v8 =	vld [tilespmem:s15+$0x0];
	v13 =	vadd.f32 v18, v19;
	vm0 =	vgt.f32 v12, $0.0e+00;
	v17 =	vmul.f32 $2.000000030e-01, v12;
	v18 =	vpop (erf);
	[tilespmem:s16+$0xFFFFFFE0] =	vst v14  }
0x195: {  	v15 =	vsel vm1, v21, v15;
	s13 =	sadd.s32 $0x140, s13;
	v11 =	vld [tilespmem:s18+$0xFFFFFFE0];
	s18 =	sadd.s32 $0x40, s18;
	v16 =	vsel vm2, v16, v22;
	[tilespmem:s12+$0x10] =	vst v18;
	(erf) = vpow2.f32 v20;
	v9 =	vmovc v24  }
0x196: {  	v19 =	vmul.f32 $2.000000030e-01, v13;
	[tilespmem:s13+$0x50] =	vst v18  }
0x197: {  	v12 =	vsel vm0, v12, v17;
	(erf) = vpow2.f32 v10;
	v53 =	vpop (erf);
	vm13 =	vgt.f32 v13, $0.0e+00;
	[tilespmem:s14+$0xFFFFFF60] =	vst v14  }
0x198: {  	v12 =	vmul.f32 $1.442695020e+00, v12;
	v54 =	vpop (erf);
	[tilespmem:s16+$0xFFFFFFF0] =	vst v53;
	v13 =	vsel vm13, v13, v19  }
0x199: {  	[tilespmem:s16+$0x0] =	vst v54;
	v13 =	vmul.f32 $1.442695020e+00, v13  }
0x19a: {  	[tilespmem:s14+$0xFFFFFFB0] =	vst v53;
	(erf) = vpow2.f32 v12;
	v9 =	vadd.f32 v9, v11  }
0x19b: {  	[tilespmem:s14+$0x0] =	vst v54;
	(erf) = vpow2.f32 v13;
	v55 =	vpop (erf)  }
0x19c: {  	v56 =	vmul.f32 $1.442695020e+00, v15;
	s20 =	sadd.s32 $0x40, s12;
	v5 =	vadd.f32 v7, v5;
	v58 =	vpop (erf);
	[tilespmem:s12+$0xFFFFFFE0] =	vst v55;
	v7 =	vmul.f32 $2.000000030e-01, v9  }
0x19d: {  	v57 =	vmul.f32 $1.442695020e+00, v16;
	v6 =	vadd.f32 v8, v6;
	vm14 =	vgt.f32 v9, $0.0e+00;
	[tilespmem:s20+$0x10] =	vst v58  }
0x19e: {  	s15 =	sadd.s32 $0x140, s13;
	v59 =	vmul.f32 $2.000000030e-01, v5;
	(erf) = vpow2.f32 v56;
	[tilespmem:s13+$0xFFFFFF60] =	vst v55;
	v7 =	vsel vm14, v9, v7  }
0x19f: {  	(erf) = vpow2.f32 v57;
	[tilespmem:s15+$0x50] =	vst v58;
	v60 =	vpop (erf);
	v7 =	vmul.f32 $1.442695020e+00, v7  }
0x1a0: {  	vm15 =	vgt.f32 v5, $0.0e+00;
	v61 =	vmul.f32 $2.000000030e-01, v6;
	v62 =	vpop (erf);
	[tilespmem:s12+$0xFFFFFFF0] =	vst v60  }
0x1a1: {  	vm1 =	vgt.f32 v6, $0.0e+00;
	v5 =	vsel vm15, v5, v59;
	[tilespmem:s12+$0x0] =	vst v62  }
0x1a2: {  	v5 =	vmul.f32 $1.442695020e+00, v5;
	v6 =	vsel vm1, v6, v61;
	[tilespmem:s13+$0xFFFFFFB0] =	vst v60;
	(erf) = vpow2.f32 v7  }
0x1a3: {  	v6 =	vmul.f32 $1.442695020e+00, v6;
	[tilespmem:s13+$0x0] =	vst v62;
	v7 =	vpop (erf)  }
0x1a4: {  	s21 =	sadd.s32 $0x40, s20;
	(erf) = vpow2.f32 v5;
	v63 =	vpop (erf);
	[tilespmem:s20+$0xFFFFFFE0] =	vst v7  }
0x1a5: {  	(erf) = vpow2.f32 v6;
	[tilespmem:s21+$0x10] =	vst v63  }
0x1a6: {  	s26 =	sadd.s32 $0x140, s15;
	[tilespmem:s15+$0xFFFFFF60] =	vst v7  }
0x1a7: {  	v5 =	vpop (erf);
	[tilespmem:s26+$0x50] =	vst v63  }
0x1a8: {  	v6 =	vpop (erf);
	[tilespmem:s20+$0xFFFFFFF0] =	vst v5  }
0x1a9: {  	[tilespmem:s20+$0x0] =	vst v6  }
0x1aa: {  	[tilespmem:s15+$0xFFFFFFB0] =	vst v5  }
0x1ab: {  	[tilespmem:s15+$0x0] =	vst v6;
	v5 =	vpop (erf)  }
0x1ac: {  	p2 =	por $0x1, $0x1;
	[tilespmem:s21+$0xFFFFFFE0] =	vst v5  }
.Ltmp9:
0x1ad: {  	v6 =	vpop (erf);
	[tilespmem:s26+$0xFFFFFF60] =	vst v5;
	(pc) =	sbr.rel @!p2 .LBB2_16-.Ltmp9, $4  }
0x1ae: {  	v5 =	vpop (erf);
	[tilespmem:s21+$0xFFFFFFF0] =	vst v6  }
0x1af: {  	[tilespmem:s21+$0x0] =	vst v5  }
0x1b0: {  	p0 =	por $0x0, $0x0;
	p1 =	por $0x0, $0x0;
	[tilespmem:s26+$0xFFFFFFB0] =	vst v6  }
0x1b1: {  	s14 =	simm.s32 $0x0;
	s12 =	simm.s32 $0xD8A0;
	s13 =	simm.s32 $0x78A0;
	[tilespmem:s26+$0x0] =	vst v5  }
0x1b2: {  	s15 =	simm.s32 $0x30  }
0x1b3: {  	v6 =	vor.u32 s15, v1;
	_ =	sdelay $0x1  }
0x1b4: {  	v5 =	vor.u32 s14, v1  }
0x1b5: {  	s16 =	simm.s32 $0x10;
	v9 =	vld [tilespmem:s13+$0x50]  }
0x1b6: {  	s17 =	simm.s32 $0x20;
	v10 =	vld [tilespmem:s13+$0xFFFFFF60];
	v7 =	vor.u32 s16, v1  }
0x1b7: {  	v8 =	vor.u32 s17, v1;
	v6 =	vld.idx.msk [tilespmem:v6+s30+$0x0], $0xffff  }
0x1b8: {  	v12 =	vld [tilespmem:s13+$0xFFFFFFB0]  }
0x1b9: {  	v5 =	vld.idx.msk [tilespmem:v5+s30+$0x0], $0xffff  }
0x1ba: {  	v13 =	vld [tilespmem:s13+$0x0];
	v11 =	vor.u32 s15, v2  }
0x1bb: {  	v7 =	vld.idx.msk [tilespmem:v7+s30+$0x0], $0xffff  }
0x1bc: {  	v14 =	vor.u32 s14, v2;
	v8 =	vld.idx.msk [tilespmem:v8+s30+$0x0], $0xffff;
	v6 =	vmul.f32 v9, v6;
	_ =	sdelay $0x1  }
0x1bd: {  	v5 =	vmul.f32 v10, v5;
	[tilespmem:s12+$0x50] =	vst v6  }
0x1be: {  	v9 =	vor.u32 s16, v2;
	v6 =	vld.idx.msk [tilespmem:v11+s30+$0x0], $0xffff  }
0x1bf: {  	v15 =	vor.u32 s17, v2;
	v7 =	vmul.f32 v12, v7;
	[tilespmem:s12+$0xFFFFFF60] =	vst v5;
	v10 =	vld [tilespmem:s13+$0x60]  }
0x1c0: {  	v5 =	vmul.f32 v13, v8;
	v8 =	vld.idx.msk [tilespmem:v14+s30+$0x0], $0xffff  }
0x1c1: {  	[tilespmem:s12+$0xFFFFFFB0] =	vst v7;
	v12 =	vld [tilespmem:s13+$0xFFFFFF70]  }
0x1c2: {  	[tilespmem:s12+$0x0] =	vst v5;
	v5 =	vor.u32 s15, v3;
	v11 =	vld [tilespmem:s13+$0xFFFFFFC0]  }
0x1c3: {  	v7 =	vld.idx.msk [tilespmem:v9+s30+$0x0], $0xffff  }
0x1c4: {  	v9 =	vld.idx.msk [tilespmem:v15+s30+$0x0], $0xffff;
	v6 =	vmul.f32 v10, v6  }
0x1c5: {  	v10 =	vld [tilespmem:s13+$0x10]  }
0x1c6: {  	v13 =	vor.u32 s16, v3;
	[tilespmem:s12+$0x60] =	vst v6  }
0x1c7: {  	v18 =	vor.u32 s14, v3;
	v5 =	vld.idx.msk [tilespmem:v5+s30+$0x0], $0xffff  }
0x1c8: {  	p2 =	por $0x1, $0x1;
	v6 =	vor.u32 s17, v3;
	v7 =	vmul.f32 v11, v7;
	v17 =	vld [tilespmem:s13+$0x70]  }
.Ltmp10:
0x1c9: {  	v8 =	vmul.f32 v12, v8;
	(pc) =	sbr.rel @!p2 .LBB2_18-.Ltmp10, $4  }
0x1ca: {  	[tilespmem:s12+$0xFFFFFFC0] =	vst v7;
	v9 =	vmul.f32 v10, v9  }
0x1cb: {  	[tilespmem:s12+$0xFFFFFF70] =	vst v8;
	v10 =	vld.idx.msk [tilespmem:v13+s30+$0x0], $0xffff  }
0x1cc: {  	v16 =	vor.u32 s15, v4;
	v14 =	vor.u32 s17, v4;
	[tilespmem:s12+$0x10] =	vst v9;
	v9 =	vld.idx.msk [tilespmem:v18+s30+$0x0], $0xffff  }
0x1cd: {  	p0 =	por $0x1, $0x1;
	v15 =	vor.u32 s16, v4;
	v12 =	vor.u32 s14, v4;
	s14 =	simm.s32 $0x40;
	v11 =	vld.idx.msk [tilespmem:v6+s30+$0x0], $0xffff;
	v17 =	vmul.f32 v17, v5  }
0x1ce: {  	_ = 	snop  }
0x1cf: {  	v5 =	vor.u32 s14, v1;
	v6 =	vld [tilespmem:s13+$0xFFFFFFD0]  }
0x1d0: {  	s16 =	simm.s32 $0x70;
	v19 =	vld [tilespmem:s13+$0xFFFFFF80]  }
0x1d1: {  	[tilespmem:s12+$0x70] =	vst v17;
	v7 =	vor.u32 s16, v1;
	v17 =	vld [tilespmem:s13+$0x20]  }
0x1d2: {  	s17 =	simm.s32 $0x50;
	v13 =	vld.idx.msk [tilespmem:v16+s30+$0x0], $0xffff  }
0x1d3: {  	s18 =	simm.s32 $0x60;
	v8 =	vor.u32 s17, v1;
	v16 =	vld [tilespmem:s13+$0x80]  }
0x1d4: {  	s15 =	simm.s32 $0x79E0;
	v18 =	vor.u32 s18, v1;
	v20 =	vld.idx.msk [tilespmem:v5+s30+$0x0], $0xffff  }
0x1d5: {  	v6 =	vmul.f32 v6, v10;
	v10 =	vld [tilespmem:s15+$0xFFFFFF60]  }
0x1d6: {  	v5 =	vld.idx.msk [tilespmem:v7+s30+$0x0], $0xffff  }
0x1d7: {  	v7 =	vld [tilespmem:s15+$0x50]  }
0x1d8: {  	v8 =	vld.idx.msk [tilespmem:v8+s30+$0x0], $0xffff  }
0x1d9: {  	v18 =	vld.idx.msk [tilespmem:v18+s30+$0x0], $0xffff  }
0x1da: {  	v21 =	vor.u32 s16, v2;
	v11 =	vmul.f32 v17, v11;
	v17 =	vld [tilespmem:s15+$0xFFFFFFB0]  }
0x1db: {  	[tilespmem:s12+$0xFFFFFFD0] =	vst v6;
	v6 =	vld [tilespmem:s15+$0x0]  }
0x1dc: {  	v22 =	vld.idx.msk [tilespmem:v15+s30+$0x0], $0xffff;
	v5 =	vmul.f32 v7, v5  }
0x1dd: {  	s26 =	simm.s32 $0xD9E0;
	[tilespmem:s12+$0x20] =	vst v11;
	v63 =	vld [tilespmem:s13+$0xFFFFFFE0];
	v7 =	vor.u32 s14, v2  }
0x1de: {  	v9 =	vmul.f32 v19, v9;
	v11 =	vor.u32 s17, v2;
	[tilespmem:s26+$0x50] =	vst v5;
	v5 =	vld.idx.msk [tilespmem:v14+s30+$0x0], $0xffff  }
0x1df: {  	v10 =	vmul.f32 v10, v20;
	v15 =	vld.idx.msk [tilespmem:v21+s30+$0x0], $0xffff  }
0x1e0: {  	[tilespmem:s12+$0xFFFFFF80] =	vst v9;
	v8 =	vmul.f32 v17, v8;
	v14 =	vor.u32 s18, v2;
	v9 =	vld [tilespmem:s15+$0x60]  }
0x1e1: {  	[tilespmem:s26+$0xFFFFFF60] =	vst v10;
	v10 =	vmul.f32 v6, v18;
	v6 =	vld.idx.msk [tilespmem:v12+s30+$0x0], $0xffff  }
0x1e2: {  	[tilespmem:s26+$0xFFFFFFB0] =	vst v8;
	v12 =	vld.idx.msk [tilespmem:v7+s30+$0x0], $0xffff  }
0x1e3: {  	v8 =	vor.u32 s16, v3;
	v7 =	vld.idx.msk [tilespmem:v11+s30+$0x0], $0xffff  }
0x1e4: {  	[tilespmem:s26+$0x0] =	vst v10;
	v11 =	vld [tilespmem:s15+$0xFFFFFFC0]  }
0x1e5: {  	v10 =	vld.idx.msk [tilespmem:v14+s30+$0x0], $0xffff;
	v9 =	vmul.f32 v9, v15  }
0x1e6: {  	v14 =	vld [tilespmem:s15+$0x10]  }
0x1e7: {  	v15 =	vld [tilespmem:s15+$0xFFFFFF70];
	[tilespmem:s26+$0x60] =	vst v9  }
0x1e8: {  	v9 =	vor.u32 s17, v3;
	v17 =	vld.idx.msk [tilespmem:v8+s30+$0x0], $0xffff  }
0x1e9: {  	v13 =	vmul.f32 v16, v13;
	v18 =	vor.u32 s18, v3;
	v19 =	vld [tilespmem:s15+$0x70]  }
0x1ea: {  	v62 =	vor.u32 s14, v3;
	p2 =	por $0x1, $0x1;
	v8 =	vmul.f32 v11, v7  }
.Ltmp11:
0x1eb: {  	[tilespmem:s12+$0x80] =	vst v13;
	v7 =	vld [tilespmem:s13+$0x30];
	v11 =	vmul.f32 v14, v10;
	(pc) =	sbr.rel @!p2 .LBB2_20-.Ltmp11, $4  }
0x1ec: {  	v16 =	vor.u32 s16, v4;
	v23 =	vmul.f32 v15, v12;
	[tilespmem:s26+$0xFFFFFFC0] =	vst v8;
	v8 =	vld [tilespmem:s13+$0xFFFFFF90]  }
0x1ed: {  	[tilespmem:s26+$0x10] =	vst v11;
	v10 =	vld.idx.msk [tilespmem:v9+s30+$0x0], $0xffff  }
0x1ee: {  	p1 =	por $0x1, $0x1;
	v13 =	vmul.f32 v63, v22;
	s16 =	simm.s32 $0xD8A0;
	[tilespmem:s26+$0xFFFFFF70] =	vst v23;
	v11 =	vld.idx.msk [tilespmem:v18+s30+$0x0], $0xffff;
	v17 =	vmul.f32 v19, v17  }
0x1ef: {  	v14 =	vor.u32 s18, v4;
	s18 =	simm.s32 $0xC;
	v12 =	vor.u32 s14, v4;
	v15 =	vor.u32 s17, v4;
	s14 =	simm.s32 $0x80;
	s17 =	simm.s32 $0x79E0;
	v9 =	vld.idx.msk [tilespmem:v62+s30+$0x0], $0xffff  }
.LBB2_21:
0x1f0: {  	p2 =	slt.u32 s18, $0x7C;
	v18 =	vor.u32 s14, v1;
	v19 =	vor.u32 s14, v2;
	v20 =	vor.u32 s14, v3;
	s20 =	sadd.s32 $0x10, s14;
	s19 =	sadd.s32 $0x30, s14;
	v21 =	vld [tilespmem:s15+$0xFFFFFFD0];
	[tilespmem:s26+$0x70] =	vst v17  }
0x1f1: {  	s21 =	sadd.s32 $0x20, s14;
	v17 =	vor.u32 s20, v1;
	v22 =	vor.u32 s20, v2;
	v23 =	vor.u32 s19, v1;
	v16 =	vld.idx.msk [tilespmem:v16+s30+$0x0], $0xffff;
	[tilespmem:s16+$0xFFFFFFE0] =	vst v13  }
0x1f2: {  	v13 =	vor.u32 s20, v3;
	v24 =	vor.u32 s21, v1;
	v25 =	vor.u32 s21, v2;
	v26 =	vld [tilespmem:s15+$0x80]  }
0x1f3: {  	v27 =	vor.u32 s20, v4;
	v28 =	vor.u32 s21, v3;
	v29 =	vor.u32 s21, v4;
	v30 =	vld [tilespmem:s15+$0x20]  }
0x1f4: {  	v31 =	vor.u32 s14, v4;
	v5 =	vmul.f32 v7, v5;
	v6 =	vmul.f32 v8, v6;
	v32 =	vld [tilespmem:s15+$0xFFFFFF80]  }
0x1f5: {  	v7 =	vld.idx.msk [tilespmem:v18+s30+$0x0], $0xffff;
	v8 =	vmul.f32 v21, v10  }
0x1f6: {  	s15 =	sadd.s32 $0x140, s15;
	v10 =	vld.idx.msk [tilespmem:v23+s30+$0x0], $0xffff;
	[tilespmem:s16+$0x30] =	vst v5  }
0x1f7: {  	v5 =	vld [tilespmem:s15+$0x50];
	[tilespmem:s26+$0xFFFFFFD0] =	vst v8;
	v8 =	vmul.f32 v26, v16  }
0x1f8: {  	v16 =	vld.idx.msk [tilespmem:v17+s30+$0x0], $0xffff;
	v11 =	vmul.f32 v30, v11;
	[tilespmem:s16+$0xFFFFFF90] =	vst v6;
	s16 =	smov.u32 s26  }
0x1f9: {  	v6 =	vld.idx.msk [tilespmem:v24+s30+$0x0], $0xffff;
	v9 =	vmul.f32 v32, v9;
	[tilespmem:s26+$0x80] =	vst v8  }
0x1fa: {  	v17 =	vor.u32 s19, v2;
	v8 =	vld [tilespmem:s15+$0xFFFFFF60];
	[tilespmem:s26+$0x20] =	vst v11  }
0x1fb: {  	v11 =	vld [tilespmem:s15+$0xFFFFFFB0];
	[tilespmem:s26+$0xFFFFFF80] =	vst v9  }
0x1fc: {  	v9 =	vld [tilespmem:s15+$0x0];
	v5 =	vmul.f32 v5, v10  }
0x1fd: {  	s26 =	sadd.s32 $0x140, s26;
	v18 =	vld.idx.msk [tilespmem:v15+s30+$0x0], $0xffff;
	v15 =	vmov v27  }
0x1fe: {  	[tilespmem:s26+$0x50] =	vst v5;
	v5 =	vld.idx.msk [tilespmem:v14+s30+$0x0], $0xffff;
	v14 =	vmov v29  }
0x1ff: {  	v7 =	vmul.f32 v8, v7;
	v8 =	vld.idx.msk [tilespmem:v17+s30+$0x0], $0xffff  }
0x200: {  	v10 =	vmul.f32 v11, v16;
	v11 =	vld [tilespmem:s15+$0x60]  }
0x201: {  	[tilespmem:s26+$0xFFFFFF60] =	vst v7;
	v7 =	vmul.f32 v9, v6;
	v6 =	vld.idx.msk [tilespmem:v12+s30+$0x0], $0xffff;
	v12 =	vmov v31  }
0x202: {  	v9 =	vld.idx.msk [tilespmem:v19+s30+$0x0], $0xffff;
	[tilespmem:s26+$0xFFFFFFB0] =	vst v10  }
0x203: {  	v10 =	vld.idx.msk [tilespmem:v22+s30+$0x0], $0xffff;
	[tilespmem:s26+$0x0] =	vst v7;
	v7 =	vor.u32 s19, v3  }
0x204: {  	v16 =	vld.idx.msk [tilespmem:v25+s30+$0x0], $0xffff  }
0x205: {  	v17 =	vld [tilespmem:s15+$0xFFFFFFC0];
	v8 =	vmul.f32 v11, v8  }
0x206: {  	v11 =	vld [tilespmem:s15+$0x10]  }
0x207: {  	v19 =	vld [tilespmem:s15+$0xFFFFFF70];
	[tilespmem:s26+$0x60] =	vst v8  }
0x208: {  	v21 =	vld.idx.msk [tilespmem:v7+s30+$0x0], $0xffff  }
0x209: {  	v22 =	vld [tilespmem:s15+$0x70]  }
0x20a: {  	v8 =	vmul.f32 v17, v10;
	v23 =	vld [tilespmem:s17+$0xFFFFFFE0]  }
.Ltmp12:
0x20b: {  	v11 =	vmul.f32 v11, v16;
	v7 =	vld [tilespmem:s17+$0x30];
	(pc) =	sbr.rel @p2 .LBB2_21-.Ltmp12, $4  }
0x20c: {  	v16 =	vor.u32 s19, v4;
	v9 =	vmul.f32 v19, v9;
	[tilespmem:s26+$0xFFFFFFC0] =	vst v8;
	v8 =	vld [tilespmem:s17+$0xFFFFFF90];
	s17 =	smov.u32 s15  }
0x20d: {  	v10 =	vld.idx.msk [tilespmem:v13+s30+$0x0], $0xffff;
	[tilespmem:s26+$0x10] =	vst v11  }
0x20e: {  	[tilespmem:s26+$0xFFFFFF70] =	vst v9;
	v11 =	vld.idx.msk [tilespmem:v28+s30+$0x0], $0xffff;
	v17 =	vmul.f32 v22, v21  }
0x20f: {  	s14 =	sshll.u32 s18, $0x4;
	s18 =	sadd.s32 $0x4, s18;
	v9 =	vld.idx.msk [tilespmem:v20+s30+$0x0], $0xffff;
	v13 =	vmul.f32 v23, v18  }
.LBB2_22:
0x210: {  	_ = 	snop  }
0x211: {  	v20 =	vld @p0 [tilespmem:s15+$0xFFFFFFD0]  }
0x212: {  	v18 =	vor.u32 s14, v1;
	v29 =	vld @p0 [tilespmem:s15+$0x20]  }
0x213: {  	s19 =	sadd.s32 $0x30, s14;
	[tilespmem:s26+$0x70] =	vst @p0 v17;
	s21 =	sadd.s32 @p0 $0x140, s15;
	v31 =	vld @p0 [tilespmem:s15+$0xFFFFFF80]  }
0x214: {  	v19 =	vor.u32 s19, v1;
	v16 =	vld.idx.msk @p0 [tilespmem:v16+s30+$0x0], $0xffff;
	s13 =	smov.u32 @p0 s21  }
0x215: {  	s18 =	sadd.s32 $0x10, s14;
	v22 =	vld [tilespmem:s13+$0x50]  }
0x216: {  	s20 =	sadd.s32 $0x20, s14;
	v34 =	vor.u32 s18, v1;
	v23 =	vld [tilespmem:s13+$0xFFFFFF60]  }
0x217: {  	v21 =	vor.u32 s20, v1;
	v18 =	vld.idx.msk [tilespmem:v18+s30+$0x0], $0xffff  }
0x218: {  	v25 =	vld [tilespmem:s13+$0xFFFFFFB0]  }
0x219: {  	v19 =	vld.idx.msk [tilespmem:v19+s30+$0x0], $0xffff  }
0x21a: {  	v27 =	vor.u32 s14, v2;
	v26 =	vld [tilespmem:s13+$0x0];
	v10 =	vmul.f32 @p0 v20, v10  }
0x21b: {  	v11 =	vmul.f32 @p0 v29, v11;
	v17 =	vld.idx.msk [tilespmem:v34+s30+$0x0], $0xffff  }
0x21c: {  	v24 =	vor.u32 s19, v2;
	s21 =	sadd.s32 @p0 $0x140, s26;
	v21 =	vld.idx.msk [tilespmem:v21+s30+$0x0], $0xffff;
	[tilespmem:s26+$0xFFFFFFD0] =	vst @p0 v10;
	v18 =	vmul.f32 v23, v18  }
0x21d: {  	v28 =	vld @p0 [tilespmem:s15+$0x80];
	s12 =	smov.u32 @p0 s21;
	[tilespmem:s26+$0x20] =	vst @p0 v11  }
0x21e: {  	v35 =	vor.u32 s18, v2;
	v11 =	vld.idx.msk @p0 [tilespmem:v15+s30+$0x0], $0xffff;
	v19 =	vmul.f32 v22, v19;
	[tilespmem:s12+$0xFFFFFF60] =	vst v18  }
0x21f: {  	v30 =	vor.u32 s20, v2;
	v38 =	vld.idx.msk [tilespmem:v27+s30+$0x0], $0xffff  }
0x220: {  	v17 =	vmul.f32 v25, v17;
	[tilespmem:s12+$0x50] =	vst v19;
	v42 =	vld [tilespmem:s13+$0xFFFFFF70]  }
0x221: {  	v37 =	vmul.f32 v26, v21;
	v19 =	vld.idx.msk [tilespmem:v24+s30+$0x0], $0xffff  }
0x222: {  	[tilespmem:s12+$0xFFFFFFB0] =	vst v17;
	v36 =	vld [tilespmem:s13+$0x60]  }
0x223: {  	[tilespmem:s12+$0x0] =	vst v37;
	v17 =	vld.idx.msk [tilespmem:v35+s30+$0x0], $0xffff  }
0x224: {  	v46 =	vor.u32 s14, v3;
	v18 =	vld.idx.msk [tilespmem:v30+s30+$0x0], $0xffff  }
0x225: {  	v9 =	vmul.f32 @p0 v31, v9;
	v39 =	vld [tilespmem:s13+$0xFFFFFFC0]  }
0x226: {  	v40 =	vor.u32 s19, v3;
	v41 =	vld [tilespmem:s13+$0x10];
	v10 =	vmul.f32 v42, v38  }
0x227: {  	[tilespmem:s26+$0xFFFFFF80] =	vst @p0 v9;
	v9 =	vld.idx.msk @p0 [tilespmem:v14+s30+$0x0], $0xffff  }
0x228: {  	v43 =	vor.u32 s18, v3;
	v12 =	vld.idx.msk @p0 [tilespmem:v12+s30+$0x0], $0xffff;
	v44 =	vmul.f32 v36, v19;
	[tilespmem:s12+$0xFFFFFF70] =	vst v10  }
0x229: {  	v45 =	vor.u32 s20, v3;
	v14 =	vld.idx.msk [tilespmem:v46+s30+$0x0], $0xffff  }
0x22a: {  	v47 =	vmul.f32 v39, v17;
	[tilespmem:s12+$0x60] =	vst v44;
	v54 =	vld [tilespmem:s13+$0xFFFFFF80]  }
0x22b: {  	v18 =	vmul.f32 v41, v18;
	v48 =	vld.idx.msk [tilespmem:v40+s30+$0x0], $0xffff  }
0x22c: {  	[tilespmem:s12+$0xFFFFFFC0] =	vst v47;
	v49 =	vld [tilespmem:s13+$0x70]  }
0x22d: {  	[tilespmem:s12+$0x10] =	vst v18;
	v15 =	vld.idx.msk [tilespmem:v43+s30+$0x0], $0xffff  }
0x22e: {  	v50 =	vld.idx.msk [tilespmem:v45+s30+$0x0], $0xffff  }
0x22f: {  	v57 =	vor.u32 s14, v4;
	v51 =	vld [tilespmem:s13+$0xFFFFFFD0]  }
0x230: {  	v52 =	vor.u32 s19, v4;
	v53 =	vld [tilespmem:s13+$0x20]  }
0x231: {  	v25 =	vld @p0 [tilespmem:s17+$0x30];
	v14 =	vmul.f32 v54, v14  }
0x232: {  	v55 =	vor.u32 s18, v4;
	v27 =	vld @p0 [tilespmem:s17+$0xFFFFFF90];
	v17 =	vmul.f32 v49, v48  }
0x233: {  	v5 =	vmul.f32 @p1 v7, v5;
	v56 =	vor.u32 s20, v4;
	v24 =	vld @p0 [tilespmem:s17+$0xFFFFFFE0];
	[tilespmem:s12+$0xFFFFFF80] =	vst v14  }
0x234: {  	v15 =	vmul.f32 v51, v15;
	[tilespmem:s12+$0x70] =	vst v17;
	v60 =	vld.idx.msk [tilespmem:v57+s30+$0x0], $0xffff  }
0x235: {  	[tilespmem:s16+$0x30] =	vst @p1 v5;
	v10 =	vmul.f32 v53, v50;
	v17 =	vld.idx.msk [tilespmem:v52+s30+$0x0], $0xffff  }
0x236: {  	[tilespmem:s12+$0xFFFFFFD0] =	vst v15;
	v58 =	vld [tilespmem:s13+$0x80]  }
0x237: {  	v5 =	vmul.f32 @p0 v28, v16;
	[tilespmem:s12+$0x20] =	vst v10;
	v59 =	vld.idx.msk [tilespmem:v55+s30+$0x0], $0xffff  }
0x238: {  	v6 =	vmul.f32 @p1 v8, v6;
	v7 =	vld.idx.msk [tilespmem:v56+s30+$0x0], $0xffff  }
0x239: {  	[tilespmem:s26+$0x80] =	vst @p0 v5;
	v5 =	vpsel p0, v12, v0;
	v12 =	vpsel p0, v27, v0;
	v8 =	vmul.f32 @p0 v24, v11;
	v61 =	vld [tilespmem:s13+$0xFFFFFFE0]  }
0x23a: {  	s14 =	smov.u32 @p0 s26;
	[tilespmem:s16+$0xFFFFFFE0] =	vst @p1 v13;
	v5 =	vmul.f32 @p0 v12, v5;
	v62 =	vld [tilespmem:s13+$0x30]  }
0x23b: {  	s14 =	smov.u32 @p0 s14;
	[tilespmem:s16+$0xFFFFFF90] =	vst @p1 v6;
	v6 =	vpsel p0, v8, v0;
	v8 =	vpsel p0, v9, v0;
	v9 =	vpsel p0, v25, v0;
	v63 =	vld [tilespmem:s13+$0xFFFFFF90]  }
0x23c: {  	[tilespmem:s14+$0xFFFFFF90] =	vst @p0 v5;
	v8 =	vmul.f32 @p0 v9, v8  }
0x23d: {  	[tilespmem:s14+$0xFFFFFFE0] =	vst @p0 v6;
	v6 =	vmul.f32 v58, v17  }
0x23e: {  	[tilespmem:s14+$0x30] =	vst @p0 v8;
	v5 =	vmul.f32 v61, v59  }
0x23f: {  	[tilespmem:s12+$0x80] =	vst v6;
	v6 =	vmul.f32 v62, v7  }
0x240: {  	[tilespmem:s12+$0xFFFFFFE0] =	vst v5;
	v5 =	vmul.f32 v63, v60  }
0x241: {  	s11 =	sand.u32 $0x3FFFFF80, s11;
	s10 =	sadd.s32 $0x1, s10;
	[tilespmem:s12+$0x30] =	vst v6  }
0x242: {  	s11 =	sadd.s32 $0x2800, s11;
	p0 =	sne.s32 s10, $0x28;
	[tilespmem:s12+$0xFFFFFF90] =	vst v5  }
0x243: {  	[spmem:s2] =	stream.indirect.scatter.add.f32 [tilespmem:s8], [sflag:$0x5], $0x50, s11, s28, $0xb8;
	[tilespmem:$0x1D000] =	vst v63  }
.Ltmp13:
0x244: {  	_ = 	snop;
	(pc) =	sbr.rel @p0 .LBB2_4-.Ltmp13, $4  }
.Ltmp14:
0x245: {  	_ = 	snop;
	(pc) =	sbr.rel @!p0 .LBB2_23-.Ltmp14, $4  }
0x246: {  	_ =	swait.ge [sflag:s25], $0x2800  }
0x247: {  	[sflag:s25] =	ssyncset.done $0x0  }
0x248: {  	[sflag:s25] =	ssyncadd.s32 $0xFFFFD800  }
0x249: {  	_ = 	snop  }
.LBB2_7:
.Ltmp15:
0x24a: {  	(pc) =	sbr.rel .LBB2_13-.Ltmp15, $2  }
0x24b: {  	_ =	sdelay $0x2  }
0x24c: {  	s15 =	simm.s32 $0x50A0;
	s26 =	simm.s32 $0xB0A0  }
.LBB2_16:
.Ltmp16:
0x24d: {  	(pc) =	sbr.rel .LBB2_22-.Ltmp16, $2  }
0x24e: {  	_ =	sdelay $0x2  }
0x24f: {  	s15 =	simm.s32 $0x78A0;
	s26 =	simm.s32 $0xD8A0  }
.LBB2_9:
.Ltmp17:
0x250: {  	(pc) =	sbr.rel .LBB2_13-.Ltmp17, $2  }
0x251: {  	_ =	sdelay $0x2  }
0x252: {  	s15 =	simm.s32 $0x50A0;
	s26 =	simm.s32 $0xB0A0;
	s17 =	simm.s32 $0x50A0  }
.LBB2_18:
.Ltmp18:
0x253: {  	(pc) =	sbr.rel .LBB2_22-.Ltmp18, $2  }
0x254: {  	_ =	sdelay $0x2  }
0x255: {  	s15 =	simm.s32 $0x78A0;
	s26 =	simm.s32 $0xD8A0;
	s17 =	simm.s32 $0x78A0  }
.LBB2_11:
.Ltmp19:
0x256: {  	(pc) =	sbr.rel .LBB2_13-.Ltmp19, $2  }
0x257: {  	_ =	sdelay $0x2  }
0x258: {  	s16 =	simm.s32 $0xB0A0;
	s17 =	simm.s32 $0x51E0  }
.LBB2_20:
.Ltmp20:
0x259: {  	(pc) =	sbr.rel .LBB2_22-.Ltmp20, $2  }
0x25a: {  	_ =	sdelay $0x2  }
0x25b: {  	s16 =	simm.s32 $0xD8A0;
	s17 =	simm.s32 $0x79E0  }
.LBB2_24:
0x25c: {  	_ =	sfence.sel $0x180000  }
0x25d: {  	[bflag:$0x0] =	sbarrier.arrive $0xFFFF  }
0x25e: {  	_ =	strace $0x90000047  }
0x25f: {  	s0 =	stileid.u32;
	[bflag:$0x2] =	sbarrier.arrive $0xFFFF  }
0x260: {  	p0 =	sne.s32 s0, $0x0;
	s0 =	rddreg [dreg:$0x2]  }
0x261: {  	s0 =	sadd.s32 @!p0 $0x100000, s0  }
0x262: {  	[sflag:s0] =	ssyncadd.tile.s32 @!p0 $0x1;
	_ =	shalt  }
.Lfunc_end2:
_tile_overlayer_lowered:
.L_overlay_start_2:
0x263: {  	(tag) =	ssettag $0x2  }
0x264: {  	s0 =	rddreg [dreg:$0x0];
	s2 =	stileid.u32  }
0x265: {  	s1 =	rddreg [dreg:$0x1];
	p0 =	sne.s32 s2, $0x0  }
0x266: {  	s3 =	rddreg [dreg:$0x2];
	[bflag:$0x3] =	sbarrier.arrive $0xFFFF;
	s2 =	simm.s32 @!p0 $0x1C05  }
0x267: {  	[timem:s3], [sflag:s2] =	dma.local @!p0 [hbm:s0], s1  }
0x268: {  	s0 =	simm.s32 @!p0 $0x5  }
0x269: {  	_ =	swait.ge @!p0 [sflag:s0], s1  }
0x26a: {  	s1 =	ssub.s32 @!p0 $0x0, s1;
	[sflag:s0] =	ssyncset.done @!p0 $0x0  }
0x26b: {  	[sflag:s0] =	ssyncadd.s32 @!p0 s1  }
0x26c: {  	[bflag:$0x3] =	sbarrier.arrive $0xFFFF  }
0x26d: {  	_ =	shalt  }

</sc_bundles>
